<compile_context>
chip_gen: v7x
topology: tpu7x:2x2x1
jax: 0.10.2.dev20260603
libtpu: 0.0.44.dev20260713+nightly
codegen_flags: <defaults>
</compile_context>

<pallas_src>
import functools

import jax
import jax.numpy as jnp
from jax import lax
from jax.experimental import pallas as pl
from jax.experimental.pallas import tpu as pltpu
from jax.experimental.pallas import tpu_sc as plsc

NC = 2
NS = 16
LANES = 16


def _make_sc_agg(n_nodes, d_row, e_total, ch, counts=False):
    nw = NC * NS
    ept = e_total // nw
    nch = ept // ch
    nch2 = nch // 2
    rpt = n_nodes // NS
    hr = n_nodes // LANES
    nfv = ch // LANES
    tail = ch % LANES
    mq = hr // 125

    mesh = plsc.VectorSubcoreMesh(core_axis_name="c", subcore_axis_name="s")

    out_types = [jax.ShapeDtypeStruct((NC * n_nodes, d_row), jnp.float32)]
    extra_scratch = []
    if counts:
        out_types.append(
            jax.ShapeDtypeStruct((NC * hr, LANES), jnp.float32))
        extra_scratch = [
            pltpu.VMEM((hr, LANES), jnp.float32),
            pltpu.VMEM((mq, 125), jnp.int32),
            pltpu.VMEM_SHARED((hr, LANES), jnp.float32),
        ]

    @functools.partial(
        pl.kernel,
        out_type=out_types if counts else out_types[0],
        mesh=mesh,
        scratch_types=[
            pltpu.VMEM((nch2, ch), jnp.int32),
            pltpu.VMEM((nch2, ch), jnp.int32),
            pltpu.VMEM((ch, d_row), jnp.float32),
            pltpu.VMEM((ch, d_row), jnp.float32),
            pltpu.VMEM_SHARED((n_nodes, d_row), jnp.float32),
            pltpu.SemaphoreType.DMA,
            pltpu.SemaphoreType.DMA,
        ] + extra_scratch,
        compiler_params=pltpu.CompilerParams(
            use_tc_tiling_on_sc=False,
            needs_layout_passes=False),
    )
    def sc_agg(feat_hbm, src_hbm, dst_hbm, *outs_and_scratch):
        if counts:
            (out_hbm, cnt_hbm, idx_s, idx_d, rows0, rows1, agg, gs0, gs1,
             hist, ridx, cnt_sp) = outs_and_scratch
        else:
            (out_hbm, idx_s, idx_d, rows0, rows1, agg,
             gs0, gs1) = outs_and_scratch
        c = lax.axis_index("c")
        s = lax.axis_index("s")
        w = c * NS + s

        ones16 = jnp.full((LANES,), 1.0, jnp.float32)
        lane = lax.iota(jnp.int32, LANES)
        tailmask = lane >= (LANES - tail)

        def hist_row(j):
            for k in range(nfv):
                v = idx_d[j, pl.ds(k * LANES, LANES)]
                plsc.addupdate_scatter(
                    hist, [v >> 4, v & (LANES - 1)], ones16)
            if tail:
                v = idx_d[j, pl.ds(ch - LANES, LANES)]
                plsc.addupdate_scatter(
                    hist, [v >> 4, v & (LANES - 1)], ones16, mask=tailmask)

        def zero_row(r, carry):
            for k in range(d_row // LANES):
                rows0[r, pl.ds(k * LANES, LANES)] = jnp.zeros(
                    (LANES,), jnp.float32)
            return carry
        lax.fori_loop(0, ch, zero_row, 0)
        nfull = rpt // ch
        ztail = rpt % ch
        zcopies = []
        for q in range(nfull):
            zcopies.append((rows0, agg.at[pl.ds(s * rpt + q * ch, ch)]))
        if ztail:
            zcopies.append((rows0.at[pl.ds(0, ztail)],
                            agg.at[pl.ds(s * rpt + nfull * ch, ztail)]))
        for zsrc, zdst in zcopies:
            pltpu.async_copy(zsrc, zdst, gs0)
        if counts:
            def zero_hist(r, carry):
                hist[r, pl.ds(0, LANES)] = jnp.zeros((LANES,), jnp.float32)
                return carry
            lax.fori_loop(0, hr, zero_hist, 0)
            for q in range(mq):
                rows_here = min(125, hr - q * 125)
                for k in range(0, rows_here - LANES + 1, LANES):
                    ridx[q, pl.ds(k, LANES)] = lane + (q * 125 + k)
                if rows_here % LANES:
                    off = rows_here - LANES
                    ridx[q, pl.ds(off, LANES)] = lane + (q * 125 + off)

            @pl.when(s == 0)
            def _():
                pltpu.sync_copy(hist, cnt_sp)
        for zsrc, zdst in zcopies:
            pltpu.make_async_copy(zsrc, zdst, gs0).wait()
        plsc.subcore_barrier()

        for half in range(2):
            src_half = src_hbm.at[pl.ds(w * nch + half * nch2, nch2)]
            dst_half = dst_hbm.at[pl.ds(w * nch + half * nch2, nch2)]
            pltpu.async_copy(src_half, idx_s, gs0)
            pltpu.async_copy(dst_half, idx_d, gs1)
            pltpu.make_async_copy(src_half, idx_s, gs0).wait()
            pltpu.make_async_copy(dst_half, idx_d, gs1).wait()

            pltpu.async_copy(feat_hbm.at[idx_s.at[0]], rows0, gs0)

            def step(t, carry):
                j0 = 2 * t
                pltpu.async_copy(feat_hbm.at[idx_s.at[j0 + 1]], rows1, gs1)
                if counts:
                    hist_row(j0)
                pltpu.make_async_copy(
                    feat_hbm.at[idx_s.at[j0]], rows0, gs0).wait()
                pltpu.sync_copy(rows0, agg.at[idx_d.at[j0]], add=True)

                @pl.when(t < nch2 // 2 - 1)
                def _():
                    pltpu.async_copy(
                        feat_hbm.at[idx_s.at[j0 + 2]], rows0, gs0)

                if counts:
                    hist_row(j0 + 1)
                pltpu.make_async_copy(
                    feat_hbm.at[idx_s.at[j0 + 1]], rows1, gs1).wait()
                pltpu.sync_copy(rows1, agg.at[idx_d.at[j0 + 1]], add=True)
                return carry

            lax.fori_loop(0, nch2 // 2, step, 0)

        if counts:
            for q in range(mq):
                pltpu.sync_copy(
                    hist.at[pl.ds(q * 125, 125)],
                    cnt_sp.at[ridx.at[q]], add=True)
        plsc.subcore_barrier()

        pltpu.sync_copy(
            agg.at[pl.ds(s * rpt, rpt)],
            out_hbm.at[pl.ds(c * n_nodes + s * rpt, rpt)])
        if counts:
            @pl.when(s == 0)
            def _():
                pltpu.sync_copy(cnt_sp, cnt_hbm.at[pl.ds(c * hr, hr)])

    return sc_agg


def _matmul_bias(a, W, b):
    n, d = a.shape
    bm = 400
    grid = n // bm

    def body(ar, w, br, y_ref):
        y_ref[...] = lax.dot_general(
            ar[...], w[...], (((1,), (1,)), ((), ())),
            preferred_element_type=jnp.float32) + br[...]

    return pl.pallas_call(
        body,
        grid=(grid,),
        in_specs=[
            pl.BlockSpec((bm, d), lambda i: (i, 0)),
            pl.BlockSpec((d, d), lambda i: (0, 0)),
            pl.BlockSpec((1, d), lambda i: (0, 0)),
        ],
        out_specs=pl.BlockSpec((bm, d), lambda i: (i, 0)),
        out_shape=jax.ShapeDtypeStruct((n, d), jnp.float32),
    )(a, W, b)


def _combine1(p1, cnta, cntb, xr, Wl):
    n, d = xr.shape
    bm = 400
    grid = n // bm

    def body(pa, pb, ca, cb, xrr, wl, h_ref, inv_ref):
        cnt = ca[...] + cb[...]
        inv = 1.0 / jnp.maximum(cnt, 1.0)
        mean = (pa[...] + pb[...]) * inv
        mm = lax.dot_general(mean, wl[...], (((1,), (1,)), ((), ())),
                             preferred_element_type=jnp.float32)
        h_ref[...] = jnp.maximum(mm + xrr[...], 0.0)
        inv_ref[...] = jnp.broadcast_to(inv, (bm, 8))

    return pl.pallas_call(
        body,
        grid=(grid,),
        in_specs=[
            pl.BlockSpec((bm, d), lambda i: (i, 0)),
            pl.BlockSpec((bm, d), lambda i, g=grid: (i + g, 0)),
            pl.BlockSpec((bm, 1), lambda i: (i, 0)),
            pl.BlockSpec((bm, 1), lambda i: (i, 0)),
            pl.BlockSpec((bm, d), lambda i: (i, 0)),
            pl.BlockSpec((d, d), lambda i: (0, 0)),
        ],
        out_specs=[
            pl.BlockSpec((bm, d), lambda i: (i, 0)),
            pl.BlockSpec((bm, 8), lambda i: (i, 0)),
        ],
        out_shape=[
            jax.ShapeDtypeStruct((n, d), jnp.float32),
            jax.ShapeDtypeStruct((n, 8), jnp.float32),
        ],
    )(p1, p1, cnta, cntb, xr, Wl)


def _combine2(p2, hr, inv8, Wl):
    n, d = hr.shape
    bm = 400
    grid = n // bm

    def body(pa, pb, hrr, invr, wl, out_ref):
        mean = (pa[...] + pb[...]) * invr[:, 0:1]
        mm = lax.dot_general(mean, wl[...], (((1,), (1,)), ((), ())),
                             preferred_element_type=jnp.float32)
        out_ref[...] = mm + hrr[...]

    return pl.pallas_call(
        body,
        grid=(grid,),
        in_specs=[
            pl.BlockSpec((bm, d), lambda i: (i, 0)),
            pl.BlockSpec((bm, d), lambda i, g=grid: (i + g, 0)),
            pl.BlockSpec((bm, d), lambda i: (i, 0)),
            pl.BlockSpec((bm, 8), lambda i: (i, 0)),
            pl.BlockSpec((d, d), lambda i: (0, 0)),
        ],
        out_specs=pl.BlockSpec((bm, d), lambda i: (i, 0)),
        out_shape=jax.ShapeDtypeStruct((n, d), jnp.float32),
    )(p2, p2, hr, inv8, Wl)


def kernel(x, edge_index, W1l, b1l, W1r, W2l, b2l, W2r):
    n, d = x.shape
    e = edge_index.shape[1]
    ch1, ch2 = 100, 125

    src1 = edge_index[0].reshape(e // ch1, ch1)
    dst1 = edge_index[1].reshape(e // ch1, ch1)
    src2 = edge_index[0].reshape(e // ch2, ch2)
    dst2 = edge_index[1].reshape(e // ch2, ch2)

    p1, pc = _make_sc_agg(n, d, e, ch1, counts=True)(x, src1, dst1)
    pcr = pc.reshape(NC, n, 1)
    xr = _matmul_bias(x, W1r, b1l.reshape(1, d))
    h, inv8 = _combine1(p1, pcr[0], pcr[1], xr, W1l)
    p2 = _make_sc_agg(n, d, e, ch2)(h, src2, dst2)
    hr = _matmul_bias(h, W2r, b2l.reshape(1, d))
    out = _combine2(p2, hr, inv8, W2l)
    return out

# --- scband reference (transcript-rebuilt; emitter-appended) ---
"""Pipeline reference for scband-sagenn-80075370266803 (READ-ONLY COPY).

The authoritative reference and input builder live on the scoring server;
editing this copy changes nothing except your own understanding.
"""

import jax, jax.numpy as jnp
import numpy as np

N = 10000
E = 320000
D = 128
H = 128


def _sage_conv(x, src, dst, Wl, bl, Wr, num_nodes):
    # PyG SAGEConv (aggr='mean', root_weight=True, normalize=False):
    # out = lin_l(mean_{j in N(i)} x_j) + lin_r(x_i)
    msgs = x[src]                                            # gather source features
    agg = jax.ops.segment_sum(msgs, dst, num_segments=num_nodes)
    cnt = jax.ops.segment_sum(jnp.ones((src.shape[0],), x.dtype), dst, num_segments=num_nodes)
    mean = agg / jnp.maximum(cnt, 1.0)[:, None]
    return mean @ Wl.T + bl + x @ Wr.T


def setup_inputs(seed: int = 0) -> dict:
    key = jax.random.key(seed)
    ks = jax.random.split(key, 9)
    x = jax.random.normal(ks[0], (N, D), dtype=jnp.float32)
    edge_index = jax.random.randint(ks[1], (2, E), 0, N, dtype=jnp.int32)
    s1 = 1.0 / np.sqrt(D)
    s2 = 1.0 / np.sqrt(H)
    W1l = jax.random.normal(ks[2], (H, D), dtype=jnp.float32) * s1
    b1l = jnp.zeros((H,), dtype=jnp.float32)
    W1r = jax.random.normal(ks[3], (H, D), dtype=jnp.float32) * s1
    W2l = jax.random.normal(ks[4], (H, H), dtype=jnp.float32) * s2
    b2l = jnp.zeros((H,), dtype=jnp.float32)
    W2r = jax.random.normal(ks[5], (H, H), dtype=jnp.float32) * s2
    return {"x": x, "edge_index": edge_index, "W1l": W1l, "b1l": b1l, "W1r": W1r,
            "W2l": W2l, "b2l": b2l, "W2r": W2r}


def reference(x, edge_index, W1l, b1l, W1r, W2l, b2l, W2r):
    src = edge_index[0]
    dst = edge_index[1]
    h = jax.nn.relu(_sage_conv(x, src, dst, W1l, b1l, W1r, N))
    out = _sage_conv(h, src, dst, W2l, b2l, W2r, N)
    return out

if __name__ == "__main__":
    import jax
    _d = setup_inputs()
    print(jax.jit(kernel)(*tuple(_d.values())))

</pallas_src>

<mosaic_0001>
#map = affine_map<(d0, d1) -> (0, 0)>
module attributes {stable_mosaic.version = 14 : i64} {
  func.func @sc_agg(%arg0: i32, %arg1: i32, %arg2: memref<10000x128xf32, #tpu.memory_space<hbm>>, %arg3: memref<3200x100xi32, #tpu.memory_space<hbm>>, %arg4: memref<3200x100xi32, #tpu.memory_space<hbm>>, %arg5: memref<20000x128xf32, #tpu.memory_space<hbm>>, %arg6: memref<1250x16xf32, #tpu.memory_space<hbm>>, %arg7: memref<50x100xi32, #tpu.memory_space<vmem>>, %arg8: memref<50x100xi32, #tpu.memory_space<vmem>>, %arg9: memref<100x128xf32, #tpu.memory_space<vmem>>, %arg10: memref<100x128xf32, #tpu.memory_space<vmem>>, %arg11: memref<10000x128xf32, #tpu.memory_space<vmem_shared>>, %arg12: memref<!tpu.dma_semaphore, #tpu.memory_space<semaphore_mem>>, %arg13: memref<!tpu.dma_semaphore, #tpu.memory_space<semaphore_mem>>, %arg14: memref<625x16xf32, #tpu.memory_space<vmem>>, %arg15: memref<5x125xi32, #tpu.memory_space<vmem>>, %arg16: memref<625x16xf32, #tpu.memory_space<vmem_shared>>) attributes {dimension_semantics = [#tpu.dimension_semantics<core_parallel>, #tpu.dimension_semantics<subcore_parallel>], iteration_bounds = array<i64: 2, 16>, scalar_prefetch = 0 : i64, scratch_operands = 10 : i64, tpu.core_type = #tpu.core_type<sc_vector_subcore>, window_params = [{transform_indices = #map}, {transform_indices = #map}, {transform_indices = #map}, {transform_indices = #map}, {transform_indices = #map}]} {
    %mul3A = arith.constant 16 : i32
    %mul3A_0 = arith.muli %arg0, %mul3A : i32
    %add3A = arith.addi %mul3A_0, %arg1 : i32
    %broadcast_in_dim3A = arith.constant 1.000000e+00 : f32
    %broadcast_in_dim3A_1 = vector.broadcast %broadcast_in_dim3A : f32 to vector<16xf32>
    %iota3A = tpu.iota {dimensions = array<i32: 0>} : vector<16xi32>
    %ge3A = arith.constant 12 : i32
    %ge3A_2 = vector.broadcast %ge3A : i32 to vector<16xi32>
    %ge3A_3 = arith.cmpi sge, %iota3A, %ge3A_2 : vector<16xi32>
    %scan3A = arith.constant 0 : i32
    %scan3A_4 = arith.constant 0 : i32
    %scan3A_5 = arith.constant 100 : i32
    %scan3A_6 = arith.addi %scan3A_4, %scan3A_5 : i32
    %scan3A_7 = arith.constant 1 : i32
    scf.for %scan3A_481 = %scan3A_4 to %scan3A_6 step %scan3A_7  : i32 {
      %broadcast_in_dim3A_482 = arith.constant 0.000000e+00 : f32
      %broadcast_in_dim3A_483 = vector.broadcast %broadcast_in_dim3A_482 : f32 to vector<16xf32>
      %swap3A_484 = arith.index_cast %scan3A_481 : i32 to index
      %swap3A_485 = arith.constant 0 : index
      %swap3A_486 = tpu.vector_load %arg9[%swap3A_484, %swap3A_485] {strides = array<i32>} : memref<100x128xf32, #tpu.memory_space<vmem>>, vector<16xf32>,
      tpu.vector_store %arg9[%swap3A_484, %swap3A_485], %broadcast_in_dim3A_483 {strides = array<i32>} : memref<100x128xf32, #tpu.memory_space<vmem>>, vector<16xf32>,
      %broadcast_in_dim3A_487 = arith.constant 0.000000e+00 : f32
      %broadcast_in_dim3A_488 = vector.broadcast %broadcast_in_dim3A_487 : f32 to vector<16xf32>
      %swap3A_489 = arith.index_cast %scan3A_481 : i32 to index
      %swap3A_490 = arith.constant 16 : index
      %swap3A_491 = tpu.vector_load %arg9[%swap3A_489, %swap3A_490] {strides = array<i32>} : memref<100x128xf32, #tpu.memory_space<vmem>>, vector<16xf32>,
      tpu.vector_store %arg9[%swap3A_489, %swap3A_490], %broadcast_in_dim3A_488 {strides = array<i32>} : memref<100x128xf32, #tpu.memory_space<vmem>>, vector<16xf32>,
      %broadcast_in_dim3A_492 = arith.constant 0.000000e+00 : f32
      %broadcast_in_dim3A_493 = vector.broadcast %broadcast_in_dim3A_492 : f32 to vector<16xf32>
      %swap3A_494 = arith.index_cast %scan3A_481 : i32 to index
      %swap3A_495 = arith.constant 32 : index
      %swap3A_496 = tpu.vector_load %arg9[%swap3A_494, %swap3A_495] {strides = array<i32>} : memref<100x128xf32, #tpu.memory_space<vmem>>, vector<16xf32>,
      tpu.vector_store %arg9[%swap3A_494, %swap3A_495], %broadcast_in_dim3A_493 {strides = array<i32>} : memref<100x128xf32, #tpu.memory_space<vmem>>, vector<16xf32>,
      %broadcast_in_dim3A_497 = arith.constant 0.000000e+00 : f32
      %broadcast_in_dim3A_498 = vector.broadcast %broadcast_in_dim3A_497 : f32 to vector<16xf32>
      %swap3A_499 = arith.index_cast %scan3A_481 : i32 to index
      %swap3A_500 = arith.constant 48 : index
      %swap3A_501 = tpu.vector_load %arg9[%swap3A_499, %swap3A_500] {strides = array<i32>} : memref<100x128xf32, #tpu.memory_space<vmem>>, vector<16xf32>,
      tpu.vector_store %arg9[%swap3A_499, %swap3A_500], %broadcast_in_dim3A_498 {strides = array<i32>} : memref<100x128xf32, #tpu.memory_space<vmem>>, vector<16xf32>,
      %broadcast_in_dim3A_502 = arith.constant 0.000000e+00 : f32
      %broadcast_in_dim3A_503 = vector.broadcast %broadcast_in_dim3A_502 : f32 to vector<16xf32>
      %swap3A_504 = arith.index_cast %scan3A_481 : i32 to index
      %swap3A_505 = arith.constant 64 : index
      %swap3A_506 = tpu.vector_load %arg9[%swap3A_504, %swap3A_505] {strides = array<i32>} : memref<100x128xf32, #tpu.memory_space<vmem>>, vector<16xf32>,
      tpu.vector_store %arg9[%swap3A_504, %swap3A_505], %broadcast_in_dim3A_503 {strides = array<i32>} : memref<100x128xf32, #tpu.memory_space<vmem>>, vector<16xf32>,
      %broadcast_in_dim3A_507 = arith.constant 0.000000e+00 : f32
      %broadcast_in_dim3A_508 = vector.broadcast %broadcast_in_dim3A_507 : f32 to vector<16xf32>
      %swap3A_509 = arith.index_cast %scan3A_481 : i32 to index
      %swap3A_510 = arith.constant 80 : index
      %swap3A_511 = tpu.vector_load %arg9[%swap3A_509, %swap3A_510] {strides = array<i32>} : memref<100x128xf32, #tpu.memory_space<vmem>>, vector<16xf32>,
      tpu.vector_store %arg9[%swap3A_509, %swap3A_510], %broadcast_in_dim3A_508 {strides = array<i32>} : memref<100x128xf32, #tpu.memory_space<vmem>>, vector<16xf32>,
      %broadcast_in_dim3A_512 = arith.constant 0.000000e+00 : f32
      %broadcast_in_dim3A_513 = vector.broadcast %broadcast_in_dim3A_512 : f32 to vector<16xf32>
      %swap3A_514 = arith.index_cast %scan3A_481 : i32 to index
      %swap3A_515 = arith.constant 96 : index
      %swap3A_516 = tpu.vector_load %arg9[%swap3A_514, %swap3A_515] {strides = array<i32>} : memref<100x128xf32, #tpu.memory_space<vmem>>, vector<16xf32>,
      tpu.vector_store %arg9[%swap3A_514, %swap3A_515], %broadcast_in_dim3A_513 {strides = array<i32>} : memref<100x128xf32, #tpu.memory_space<vmem>>, vector<16xf32>,
      %broadcast_in_dim3A_517 = arith.constant 0.000000e+00 : f32
      %broadcast_in_dim3A_518 = vector.broadcast %broadcast_in_dim3A_517 : f32 to vector<16xf32>
      %swap3A_519 = arith.index_cast %scan3A_481 : i32 to index
      %swap3A_520 = arith.constant 112 : index
      %swap3A_521 = tpu.vector_load %arg9[%swap3A_519, %swap3A_520] {strides = array<i32>} : memref<100x128xf32, #tpu.memory_space<vmem>>, vector<16xf32>,
      tpu.vector_store %arg9[%swap3A_519, %swap3A_520], %broadcast_in_dim3A_518 {strides = array<i32>} : memref<100x128xf32, #tpu.memory_space<vmem>>, vector<16xf32>,
    }
    %scan3A_8 = arith.constant 100 : i32
    %mul3A_9 = arith.constant 625 : i32
    %mul3A_10 = arith.muli %arg1, %mul3A_9 : i32
    %add3A_11 = arith.constant 0 : i32
    %add3A_12 = arith.addi %mul3A_10, %add3A_11 : i32
    %mul3A_13 = arith.constant 625 : i32
    %mul3A_14 = arith.muli %arg1, %mul3A_13 : i32
    %add3A_15 = arith.constant 100 : i32
    %add3A_16 = arith.addi %mul3A_14, %add3A_15 : i32
    %mul3A_17 = arith.constant 625 : i32
    %mul3A_18 = arith.muli %arg1, %mul3A_17 : i32
    %add3A_19 = arith.constant 200 : i32
    %add3A_20 = arith.addi %mul3A_18, %add3A_19 : i32
    %mul3A_21 = arith.constant 625 : i32
    %mul3A_22 = arith.muli %arg1, %mul3A_21 : i32
    %add3A_23 = arith.constant 300 : i32
    %add3A_24 = arith.addi %mul3A_22, %add3A_23 : i32
    %mul3A_25 = arith.constant 625 : i32
    %mul3A_26 = arith.muli %arg1, %mul3A_25 : i32
    %add3A_27 = arith.constant 400 : i32
    %add3A_28 = arith.addi %mul3A_26, %add3A_27 : i32
    %mul3A_29 = arith.constant 625 : i32
    %mul3A_30 = arith.muli %arg1, %mul3A_29 : i32
    %add3A_31 = arith.constant 500 : i32
    %add3A_32 = arith.addi %mul3A_30, %add3A_31 : i32
    %mul3A_33 = arith.constant 625 : i32
    %mul3A_34 = arith.muli %arg1, %mul3A_33 : i32
    %add3A_35 = arith.constant 600 : i32
    %add3A_36 = arith.addi %mul3A_34, %add3A_35 : i32
    %dma_start3A = arith.constant 0 : i32
    %dma_start3A_37 = tpu.memref_slice %arg11[%add3A_12, %dma_start3A] : memref<10000x128xf32, #tpu.memory_space<vmem_shared>> -> memref<100x128xf32, #tpu.memory_space<vmem_shared>>
    %dma_start3A_38 = arith.constant 0 : i32
    %dma_start3A_39 = tpu.memref_slice %arg11[%add3A_12, %dma_start3A_38] : memref<10000x128xf32, #tpu.memory_space<vmem_shared>> -> memref<100x128xf32, #tpu.memory_space<vmem_shared>>
    tpu.enqueue_dma source(%arg9 : memref<100x128xf32, #tpu.memory_space<vmem>>) target(%dma_start3A_39 : memref<100x128xf32, #tpu.memory_space<vmem_shared>>) target_semaphore(%arg12 : memref<!tpu.dma_semaphore, #tpu.memory_space<semaphore_mem>>)
    %dma_start3A_40 = arith.constant 0 : i32
    %dma_start3A_41 = tpu.memref_slice %arg11[%add3A_16, %dma_start3A_40] : memref<10000x128xf32, #tpu.memory_space<vmem_shared>> -> memref<100x128xf32, #tpu.memory_space<vmem_shared>>
    %dma_start3A_42 = arith.constant 0 : i32
    %dma_start3A_43 = tpu.memref_slice %arg11[%add3A_16, %dma_start3A_42] : memref<10000x128xf32, #tpu.memory_space<vmem_shared>> -> memref<100x128xf32, #tpu.memory_space<vmem_shared>>
    tpu.enqueue_dma source(%arg9 : memref<100x128xf32, #tpu.memory_space<vmem>>) target(%dma_start3A_43 : memref<100x128xf32, #tpu.memory_space<vmem_shared>>) target_semaphore(%arg12 : memref<!tpu.dma_semaphore, #tpu.memory_space<semaphore_mem>>)
    %dma_start3A_44 = arith.constant 0 : i32
    %dma_start3A_45 = tpu.memref_slice %arg11[%add3A_20, %dma_start3A_44] : memref<10000x128xf32, #tpu.memory_space<vmem_shared>> -> memref<100x128xf32, #tpu.memory_space<vmem_shared>>
    %dma_start3A_46 = arith.constant 0 : i32
    %dma_start3A_47 = tpu.memref_slice %arg11[%add3A_20, %dma_start3A_46] : memref<10000x128xf32, #tpu.memory_space<vmem_shared>> -> memref<100x128xf32, #tpu.memory_space<vmem_shared>>
    tpu.enqueue_dma source(%arg9 : memref<100x128xf32, #tpu.memory_space<vmem>>) target(%dma_start3A_47 : memref<100x128xf32, #tpu.memory_space<vmem_shared>>) target_semaphore(%arg12 : memref<!tpu.dma_semaphore, #tpu.memory_space<semaphore_mem>>)
    %dma_start3A_48 = arith.constant 0 : i32
    %dma_start3A_49 = tpu.memref_slice %arg11[%add3A_24, %dma_start3A_48] : memref<10000x128xf32, #tpu.memory_space<vmem_shared>> -> memref<100x128xf32, #tpu.memory_space<vmem_shared>>
    %dma_start3A_50 = arith.constant 0 : i32
    %dma_start3A_51 = tpu.memref_slice %arg11[%add3A_24, %dma_start3A_50] : memref<10000x128xf32, #tpu.memory_space<vmem_shared>> -> memref<100x128xf32, #tpu.memory_space<vmem_shared>>
    tpu.enqueue_dma source(%arg9 : memref<100x128xf32, #tpu.memory_space<vmem>>) target(%dma_start3A_51 : memref<100x128xf32, #tpu.memory_space<vmem_shared>>) target_semaphore(%arg12 : memref<!tpu.dma_semaphore, #tpu.memory_space<semaphore_mem>>)
    %dma_start3A_52 = arith.constant 0 : i32
    %dma_start3A_53 = tpu.memref_slice %arg11[%add3A_28, %dma_start3A_52] : memref<10000x128xf32, #tpu.memory_space<vmem_shared>> -> memref<100x128xf32, #tpu.memory_space<vmem_shared>>
    %dma_start3A_54 = arith.constant 0 : i32
    %dma_start3A_55 = tpu.memref_slice %arg11[%add3A_28, %dma_start3A_54] : memref<10000x128xf32, #tpu.memory_space<vmem_shared>> -> memref<100x128xf32, #tpu.memory_space<vmem_shared>>
    tpu.enqueue_dma source(%arg9 : memref<100x128xf32, #tpu.memory_space<vmem>>) target(%dma_start3A_55 : memref<100x128xf32, #tpu.memory_space<vmem_shared>>) target_semaphore(%arg12 : memref<!tpu.dma_semaphore, #tpu.memory_space<semaphore_mem>>)
    %dma_start3A_56 = arith.constant 0 : i32
    %dma_start3A_57 = tpu.memref_slice %arg11[%add3A_32, %dma_start3A_56] : memref<10000x128xf32, #tpu.memory_space<vmem_shared>> -> memref<100x128xf32, #tpu.memory_space<vmem_shared>>
    %dma_start3A_58 = arith.constant 0 : i32
    %dma_start3A_59 = tpu.memref_slice %arg11[%add3A_32, %dma_start3A_58] : memref<10000x128xf32, #tpu.memory_space<vmem_shared>> -> memref<100x128xf32, #tpu.memory_space<vmem_shared>>
    tpu.enqueue_dma source(%arg9 : memref<100x128xf32, #tpu.memory_space<vmem>>) target(%dma_start3A_59 : memref<100x128xf32, #tpu.memory_space<vmem_shared>>) target_semaphore(%arg12 : memref<!tpu.dma_semaphore, #tpu.memory_space<semaphore_mem>>)
    %dma_start3A_60 = arith.constant 0 : i32
    %dma_start3A_61 = arith.constant 0 : i32
    %dma_start3A_62 = tpu.memref_slice %arg9[%dma_start3A_60, %dma_start3A_61] : memref<100x128xf32, #tpu.memory_space<vmem>> -> memref<25x128xf32, #tpu.memory_space<vmem>>
    %dma_start3A_63 = arith.constant 0 : i32
    %dma_start3A_64 = tpu.memref_slice %arg11[%add3A_36, %dma_start3A_63] : memref<10000x128xf32, #tpu.memory_space<vmem_shared>> -> memref<25x128xf32, #tpu.memory_space<vmem_shared>>
    %dma_start3A_65 = arith.constant 0 : i32
    %dma_start3A_66 = tpu.memref_slice %arg11[%add3A_36, %dma_start3A_65] : memref<10000x128xf32, #tpu.memory_space<vmem_shared>> -> memref<25x128xf32, #tpu.memory_space<vmem_shared>>
    %dma_start3A_67 = arith.constant 0 : i32
    %dma_start3A_68 = arith.constant 0 : i32
    %dma_start3A_69 = tpu.memref_slice %arg9[%dma_start3A_67, %dma_start3A_68] : memref<100x128xf32, #tpu.memory_space<vmem>> -> memref<25x128xf32, #tpu.memory_space<vmem>>
    tpu.enqueue_dma source(%dma_start3A_69 : memref<25x128xf32, #tpu.memory_space<vmem>>) target(%dma_start3A_66 : memref<25x128xf32, #tpu.memory_space<vmem_shared>>) target_semaphore(%arg12 : memref<!tpu.dma_semaphore, #tpu.memory_space<semaphore_mem>>)
    %scan3A_70 = arith.constant 0 : i32
    %scan3A_71 = arith.constant 0 : i32
    %scan3A_72 = arith.constant 625 : i32
    %scan3A_73 = arith.addi %scan3A_71, %scan3A_72 : i32
    %scan3A_74 = arith.constant 1 : i32
    scf.for %scan3A_481 = %scan3A_71 to %scan3A_73 step %scan3A_74  : i32 {
      %broadcast_in_dim3A_482 = arith.constant 0.000000e+00 : f32
      %broadcast_in_dim3A_483 = vector.broadcast %broadcast_in_dim3A_482 : f32 to vector<16xf32>
      %swap3A_484 = arith.index_cast %scan3A_481 : i32 to index
      %swap3A_485 = arith.constant 0 : index
      %swap3A_486 = tpu.vector_load %arg14[%swap3A_484, %swap3A_485] {strides = array<i32>} : memref<625x16xf32, #tpu.memory_space<vmem>>, vector<16xf32>,
      tpu.vector_store %arg14[%swap3A_484, %swap3A_485], %broadcast_in_dim3A_483 {strides = array<i32>} : memref<625x16xf32, #tpu.memory_space<vmem>>, vector<16xf32>,
    }
    %scan3A_75 = arith.constant 625 : i32
    %add3A_76 = arith.constant 0 : i32
    %add3A_77 = vector.broadcast %add3A_76 : i32 to vector<16xi32>
    %add3A_78 = arith.addi %iota3A, %add3A_77 : vector<16xi32>
    %swap3A = arith.constant 0 : i32
    %swap3A_79 = arith.index_cast %swap3A : i32 to index
    %swap3A_80 = arith.constant 0 : index
    %swap3A_81 = tpu.vector_load %arg15[%swap3A_79, %swap3A_80] {strides = array<i32>} : memref<5x125xi32, #tpu.memory_space<vmem>>, vector<16xi32>,
    tpu.vector_store %arg15[%swap3A_79, %swap3A_80], %add3A_78 {strides = array<i32>} : memref<5x125xi32, #tpu.memory_space<vmem>>, vector<16xi32>,
    %add3A_82 = arith.constant 16 : i32
    %add3A_83 = vector.broadcast %add3A_82 : i32 to vector<16xi32>
    %add3A_84 = arith.addi %iota3A, %add3A_83 : vector<16xi32>
    %swap3A_85 = arith.constant 0 : i32
    %swap3A_86 = arith.index_cast %swap3A_85 : i32 to index
    %swap3A_87 = arith.constant 16 : index
    %swap3A_88 = tpu.vector_load %arg15[%swap3A_86, %swap3A_87] {strides = array<i32>} : memref<5x125xi32, #tpu.memory_space<vmem>>, vector<16xi32>,
    tpu.vector_store %arg15[%swap3A_86, %swap3A_87], %add3A_84 {strides = array<i32>} : memref<5x125xi32, #tpu.memory_space<vmem>>, vector<16xi32>,
    %add3A_89 = arith.constant 32 : i32
    %add3A_90 = vector.broadcast %add3A_89 : i32 to vector<16xi32>
    %add3A_91 = arith.addi %iota3A, %add3A_90 : vector<16xi32>
    %swap3A_92 = arith.constant 0 : i32
    %swap3A_93 = arith.index_cast %swap3A_92 : i32 to index
    %swap3A_94 = arith.constant 32 : index
    %swap3A_95 = tpu.vector_load %arg15[%swap3A_93, %swap3A_94] {strides = array<i32>} : memref<5x125xi32, #tpu.memory_space<vmem>>, vector<16xi32>,
    tpu.vector_store %arg15[%swap3A_93, %swap3A_94], %add3A_91 {strides = array<i32>} : memref<5x125xi32, #tpu.memory_space<vmem>>, vector<16xi32>,
    %add3A_96 = arith.constant 48 : i32
    %add3A_97 = vector.broadcast %add3A_96 : i32 to vector<16xi32>
    %add3A_98 = arith.addi %iota3A, %add3A_97 : vector<16xi32>
    %swap3A_99 = arith.constant 0 : i32
    %swap3A_100 = arith.index_cast %swap3A_99 : i32 to index
    %swap3A_101 = arith.constant 48 : index
    %swap3A_102 = tpu.vector_load %arg15[%swap3A_100, %swap3A_101] {strides = array<i32>} : memref<5x125xi32, #tpu.memory_space<vmem>>, vector<16xi32>,
    tpu.vector_store %arg15[%swap3A_100, %swap3A_101], %add3A_98 {strides = array<i32>} : memref<5x125xi32, #tpu.memory_space<vmem>>, vector<16xi32>,
    %add3A_103 = arith.constant 64 : i32
    %add3A_104 = vector.broadcast %add3A_103 : i32 to vector<16xi32>
    %add3A_105 = arith.addi %iota3A, %add3A_104 : vector<16xi32>
    %swap3A_106 = arith.constant 0 : i32
    %swap3A_107 = arith.index_cast %swap3A_106 : i32 to index
    %swap3A_108 = arith.constant 64 : index
    %swap3A_109 = tpu.vector_load %arg15[%swap3A_107, %swap3A_108] {strides = array<i32>} : memref<5x125xi32, #tpu.memory_space<vmem>>, vector<16xi32>,
    tpu.vector_store %arg15[%swap3A_107, %swap3A_108], %add3A_105 {strides = array<i32>} : memref<5x125xi32, #tpu.memory_space<vmem>>, vector<16xi32>,
    %add3A_110 = arith.constant 80 : i32
    %add3A_111 = vector.broadcast %add3A_110 : i32 to vector<16xi32>
    %add3A_112 = arith.addi %iota3A, %add3A_111 : vector<16xi32>
    %swap3A_113 = arith.constant 0 : i32
    %swap3A_114 = arith.index_cast %swap3A_113 : i32 to index
    %swap3A_115 = arith.constant 80 : index
    %swap3A_116 = tpu.vector_load %arg15[%swap3A_114, %swap3A_115] {strides = array<i32>} : memref<5x125xi32, #tpu.memory_space<vmem>>, vector<16xi32>,
    tpu.vector_store %arg15[%swap3A_114, %swap3A_115], %add3A_112 {strides = array<i32>} : memref<5x125xi32, #tpu.memory_space<vmem>>, vector<16xi32>,
    %add3A_117 = arith.constant 96 : i32
    %add3A_118 = vector.broadcast %add3A_117 : i32 to vector<16xi32>
    %add3A_119 = arith.addi %iota3A, %add3A_118 : vector<16xi32>
    %swap3A_120 = arith.constant 0 : i32
    %swap3A_121 = arith.index_cast %swap3A_120 : i32 to index
    %swap3A_122 = arith.constant 96 : index
    %swap3A_123 = tpu.vector_load %arg15[%swap3A_121, %swap3A_122] {strides = array<i32>} : memref<5x125xi32, #tpu.memory_space<vmem>>, vector<16xi32>,
    tpu.vector_store %arg15[%swap3A_121, %swap3A_122], %add3A_119 {strides = array<i32>} : memref<5x125xi32, #tpu.memory_space<vmem>>, vector<16xi32>,
    %add3A_124 = arith.constant 109 : i32
    %add3A_125 = vector.broadcast %add3A_124 : i32 to vector<16xi32>
    %add3A_126 = arith.addi %iota3A, %add3A_125 : vector<16xi32>
    %swap3A_127 = arith.constant 0 : i32
    %swap3A_128 = arith.index_cast %swap3A_127 : i32 to index
    %swap3A_129 = arith.constant 109 : index
    %swap3A_130 = tpu.vector_load %arg15[%swap3A_128, %swap3A_129] {strides = array<i32>} : memref<5x125xi32, #tpu.memory_space<vmem>>, vector<16xi32>,
    tpu.vector_store %arg15[%swap3A_128, %swap3A_129], %add3A_126 {strides = array<i32>} : memref<5x125xi32, #tpu.memory_space<vmem>>, vector<16xi32>,
    %add3A_131 = arith.constant 125 : i32
    %add3A_132 = vector.broadcast %add3A_131 : i32 to vector<16xi32>
    %add3A_133 = arith.addi %iota3A, %add3A_132 : vector<16xi32>
    %swap3A_134 = arith.constant 1 : i32
    %swap3A_135 = arith.index_cast %swap3A_134 : i32 to index
    %swap3A_136 = arith.constant 0 : index
    %swap3A_137 = tpu.vector_load %arg15[%swap3A_135, %swap3A_136] {strides = array<i32>} : memref<5x125xi32, #tpu.memory_space<vmem>>, vector<16xi32>,
    tpu.vector_store %arg15[%swap3A_135, %swap3A_136], %add3A_133 {strides = array<i32>} : memref<5x125xi32, #tpu.memory_space<vmem>>, vector<16xi32>,
    %add3A_138 = arith.constant 141 : i32
    %add3A_139 = vector.broadcast %add3A_138 : i32 to vector<16xi32>
    %add3A_140 = arith.addi %iota3A, %add3A_139 : vector<16xi32>
    %swap3A_141 = arith.constant 1 : i32
    %swap3A_142 = arith.index_cast %swap3A_141 : i32 to index
    %swap3A_143 = arith.constant 16 : index
    %swap3A_144 = tpu.vector_load %arg15[%swap3A_142, %swap3A_143] {strides = array<i32>} : memref<5x125xi32, #tpu.memory_space<vmem>>, vector<16xi32>,
    tpu.vector_store %arg15[%swap3A_142, %swap3A_143], %add3A_140 {strides = array<i32>} : memref<5x125xi32, #tpu.memory_space<vmem>>, vector<16xi32>,
    %add3A_145 = arith.constant 157 : i32
    %add3A_146 = vector.broadcast %add3A_145 : i32 to vector<16xi32>
    %add3A_147 = arith.addi %iota3A, %add3A_146 : vector<16xi32>
    %swap3A_148 = arith.constant 1 : i32
    %swap3A_149 = arith.index_cast %swap3A_148 : i32 to index
    %swap3A_150 = arith.constant 32 : index
    %swap3A_151 = tpu.vector_load %arg15[%swap3A_149, %swap3A_150] {strides = array<i32>} : memref<5x125xi32, #tpu.memory_space<vmem>>, vector<16xi32>,
    tpu.vector_store %arg15[%swap3A_149, %swap3A_150], %add3A_147 {strides = array<i32>} : memref<5x125xi32, #tpu.memory_space<vmem>>, vector<16xi32>,
    %add3A_152 = arith.constant 173 : i32
    %add3A_153 = vector.broadcast %add3A_152 : i32 to vector<16xi32>
    %add3A_154 = arith.addi %iota3A, %add3A_153 : vector<16xi32>
    %swap3A_155 = arith.constant 1 : i32
    %swap3A_156 = arith.index_cast %swap3A_155 : i32 to index
    %swap3A_157 = arith.constant 48 : index
    %swap3A_158 = tpu.vector_load %arg15[%swap3A_156, %swap3A_157] {strides = array<i32>} : memref<5x125xi32, #tpu.memory_space<vmem>>, vector<16xi32>,
    tpu.vector_store %arg15[%swap3A_156, %swap3A_157], %add3A_154 {strides = array<i32>} : memref<5x125xi32, #tpu.memory_space<vmem>>, vector<16xi32>,
    %add3A_159 = arith.constant 189 : i32
    %add3A_160 = vector.broadcast %add3A_159 : i32 to vector<16xi32>
    %add3A_161 = arith.addi %iota3A, %add3A_160 : vector<16xi32>
    %swap3A_162 = arith.constant 1 : i32
    %swap3A_163 = arith.index_cast %swap3A_162 : i32 to index
    %swap3A_164 = arith.constant 64 : index
    %swap3A_165 = tpu.vector_load %arg15[%swap3A_163, %swap3A_164] {strides = array<i32>} : memref<5x125xi32, #tpu.memory_space<vmem>>, vector<16xi32>,
    tpu.vector_store %arg15[%swap3A_163, %swap3A_164], %add3A_161 {strides = array<i32>} : memref<5x125xi32, #tpu.memory_space<vmem>>, vector<16xi32>,
    %add3A_166 = arith.constant 205 : i32
    %add3A_167 = vector.broadcast %add3A_166 : i32 to vector<16xi32>
    %add3A_168 = arith.addi %iota3A, %add3A_167 : vector<16xi32>
    %swap3A_169 = arith.constant 1 : i32
    %swap3A_170 = arith.index_cast %swap3A_169 : i32 to index
    %swap3A_171 = arith.constant 80 : index
    %swap3A_172 = tpu.vector_load %arg15[%swap3A_170, %swap3A_171] {strides = array<i32>} : memref<5x125xi32, #tpu.memory_space<vmem>>, vector<16xi32>,
    tpu.vector_store %arg15[%swap3A_170, %swap3A_171], %add3A_168 {strides = array<i32>} : memref<5x125xi32, #tpu.memory_space<vmem>>, vector<16xi32>,
    %add3A_173 = arith.constant 221 : i32
    %add3A_174 = vector.broadcast %add3A_173 : i32 to vector<16xi32>
    %add3A_175 = arith.addi %iota3A, %add3A_174 : vector<16xi32>
    %swap3A_176 = arith.constant 1 : i32
    %swap3A_177 = arith.index_cast %swap3A_176 : i32 to index
    %swap3A_178 = arith.constant 96 : index
    %swap3A_179 = tpu.vector_load %arg15[%swap3A_177, %swap3A_178] {strides = array<i32>} : memref<5x125xi32, #tpu.memory_space<vmem>>, vector<16xi32>,
    tpu.vector_store %arg15[%swap3A_177, %swap3A_178], %add3A_175 {strides = array<i32>} : memref<5x125xi32, #tpu.memory_space<vmem>>, vector<16xi32>,
    %add3A_180 = arith.constant 234 : i32
    %add3A_181 = vector.broadcast %add3A_180 : i32 to vector<16xi32>
    %add3A_182 = arith.addi %iota3A, %add3A_181 : vector<16xi32>
    %swap3A_183 = arith.constant 1 : i32
    %swap3A_184 = arith.index_cast %swap3A_183 : i32 to index
    %swap3A_185 = arith.constant 109 : index
    %swap3A_186 = tpu.vector_load %arg15[%swap3A_184, %swap3A_185] {strides = array<i32>} : memref<5x125xi32, #tpu.memory_space<vmem>>, vector<16xi32>,
    tpu.vector_store %arg15[%swap3A_184, %swap3A_185], %add3A_182 {strides = array<i32>} : memref<5x125xi32, #tpu.memory_space<vmem>>, vector<16xi32>,
    %add3A_187 = arith.constant 250 : i32
    %add3A_188 = vector.broadcast %add3A_187 : i32 to vector<16xi32>
    %add3A_189 = arith.addi %iota3A, %add3A_188 : vector<16xi32>
    %swap3A_190 = arith.constant 2 : i32
    %swap3A_191 = arith.index_cast %swap3A_190 : i32 to index
    %swap3A_192 = arith.constant 0 : index
    %swap3A_193 = tpu.vector_load %arg15[%swap3A_191, %swap3A_192] {strides = array<i32>} : memref<5x125xi32, #tpu.memory_space<vmem>>, vector<16xi32>,
    tpu.vector_store %arg15[%swap3A_191, %swap3A_192], %add3A_189 {strides = array<i32>} : memref<5x125xi32, #tpu.memory_space<vmem>>, vector<16xi32>,
    %add3A_194 = arith.constant 266 : i32
    %add3A_195 = vector.broadcast %add3A_194 : i32 to vector<16xi32>
    %add3A_196 = arith.addi %iota3A, %add3A_195 : vector<16xi32>
    %swap3A_197 = arith.constant 2 : i32
    %swap3A_198 = arith.index_cast %swap3A_197 : i32 to index
    %swap3A_199 = arith.constant 16 : index
    %swap3A_200 = tpu.vector_load %arg15[%swap3A_198, %swap3A_199] {strides = array<i32>} : memref<5x125xi32, #tpu.memory_space<vmem>>, vector<16xi32>,
    tpu.vector_store %arg15[%swap3A_198, %swap3A_199], %add3A_196 {strides = array<i32>} : memref<5x125xi32, #tpu.memory_space<vmem>>, vector<16xi32>,
    %add3A_201 = arith.constant 282 : i32
    %add3A_202 = vector.broadcast %add3A_201 : i32 to vector<16xi32>
    %add3A_203 = arith.addi %iota3A, %add3A_202 : vector<16xi32>
    %swap3A_204 = arith.constant 2 : i32
    %swap3A_205 = arith.index_cast %swap3A_204 : i32 to index
    %swap3A_206 = arith.constant 32 : index
    %swap3A_207 = tpu.vector_load %arg15[%swap3A_205, %swap3A_206] {strides = array<i32>} : memref<5x125xi32, #tpu.memory_space<vmem>>, vector<16xi32>,
    tpu.vector_store %arg15[%swap3A_205, %swap3A_206], %add3A_203 {strides = array<i32>} : memref<5x125xi32, #tpu.memory_space<vmem>>, vector<16xi32>,
    %add3A_208 = arith.constant 298 : i32
    %add3A_209 = vector.broadcast %add3A_208 : i32 to vector<16xi32>
    %add3A_210 = arith.addi %iota3A, %add3A_209 : vector<16xi32>
    %swap3A_211 = arith.constant 2 : i32
    %swap3A_212 = arith.index_cast %swap3A_211 : i32 to index
    %swap3A_213 = arith.constant 48 : index
    %swap3A_214 = tpu.vector_load %arg15[%swap3A_212, %swap3A_213] {strides = array<i32>} : memref<5x125xi32, #tpu.memory_space<vmem>>, vector<16xi32>,
    tpu.vector_store %arg15[%swap3A_212, %swap3A_213], %add3A_210 {strides = array<i32>} : memref<5x125xi32, #tpu.memory_space<vmem>>, vector<16xi32>,
    %add3A_215 = arith.constant 314 : i32
    %add3A_216 = vector.broadcast %add3A_215 : i32 to vector<16xi32>
    %add3A_217 = arith.addi %iota3A, %add3A_216 : vector<16xi32>
    %swap3A_218 = arith.constant 2 : i32
    %swap3A_219 = arith.index_cast %swap3A_218 : i32 to index
    %swap3A_220 = arith.constant 64 : index
    %swap3A_221 = tpu.vector_load %arg15[%swap3A_219, %swap3A_220] {strides = array<i32>} : memref<5x125xi32, #tpu.memory_space<vmem>>, vector<16xi32>,
    tpu.vector_store %arg15[%swap3A_219, %swap3A_220], %add3A_217 {strides = array<i32>} : memref<5x125xi32, #tpu.memory_space<vmem>>, vector<16xi32>,
    %add3A_222 = arith.constant 330 : i32
    %add3A_223 = vector.broadcast %add3A_222 : i32 to vector<16xi32>
    %add3A_224 = arith.addi %iota3A, %add3A_223 : vector<16xi32>
    %swap3A_225 = arith.constant 2 : i32
    %swap3A_226 = arith.index_cast %swap3A_225 : i32 to index
    %swap3A_227 = arith.constant 80 : index
    %swap3A_228 = tpu.vector_load %arg15[%swap3A_226, %swap3A_227] {strides = array<i32>} : memref<5x125xi32, #tpu.memory_space<vmem>>, vector<16xi32>,
    tpu.vector_store %arg15[%swap3A_226, %swap3A_227], %add3A_224 {strides = array<i32>} : memref<5x125xi32, #tpu.memory_space<vmem>>, vector<16xi32>,
    %add3A_229 = arith.constant 346 : i32
    %add3A_230 = vector.broadcast %add3A_229 : i32 to vector<16xi32>
    %add3A_231 = arith.addi %iota3A, %add3A_230 : vector<16xi32>
    %swap3A_232 = arith.constant 2 : i32
    %swap3A_233 = arith.index_cast %swap3A_232 : i32 to index
    %swap3A_234 = arith.constant 96 : index
    %swap3A_235 = tpu.vector_load %arg15[%swap3A_233, %swap3A_234] {strides = array<i32>} : memref<5x125xi32, #tpu.memory_space<vmem>>, vector<16xi32>,
    tpu.vector_store %arg15[%swap3A_233, %swap3A_234], %add3A_231 {strides = array<i32>} : memref<5x125xi32, #tpu.memory_space<vmem>>, vector<16xi32>,
    %add3A_236 = arith.constant 359 : i32
    %add3A_237 = vector.broadcast %add3A_236 : i32 to vector<16xi32>
    %add3A_238 = arith.addi %iota3A, %add3A_237 : vector<16xi32>
    %swap3A_239 = arith.constant 2 : i32
    %swap3A_240 = arith.index_cast %swap3A_239 : i32 to index
    %swap3A_241 = arith.constant 109 : index
    %swap3A_242 = tpu.vector_load %arg15[%swap3A_240, %swap3A_241] {strides = array<i32>} : memref<5x125xi32, #tpu.memory_space<vmem>>, vector<16xi32>,
    tpu.vector_store %arg15[%swap3A_240, %swap3A_241], %add3A_238 {strides = array<i32>} : memref<5x125xi32, #tpu.memory_space<vmem>>, vector<16xi32>,
    %add3A_243 = arith.constant 375 : i32
    %add3A_244 = vector.broadcast %add3A_243 : i32 to vector<16xi32>
    %add3A_245 = arith.addi %iota3A, %add3A_244 : vector<16xi32>
    %swap3A_246 = arith.constant 3 : i32
    %swap3A_247 = arith.index_cast %swap3A_246 : i32 to index
    %swap3A_248 = arith.constant 0 : index
    %swap3A_249 = tpu.vector_load %arg15[%swap3A_247, %swap3A_248] {strides = array<i32>} : memref<5x125xi32, #tpu.memory_space<vmem>>, vector<16xi32>,
    tpu.vector_store %arg15[%swap3A_247, %swap3A_248], %add3A_245 {strides = array<i32>} : memref<5x125xi32, #tpu.memory_space<vmem>>, vector<16xi32>,
    %add3A_250 = arith.constant 391 : i32
    %add3A_251 = vector.broadcast %add3A_250 : i32 to vector<16xi32>
    %add3A_252 = arith.addi %iota3A, %add3A_251 : vector<16xi32>
    %swap3A_253 = arith.constant 3 : i32
    %swap3A_254 = arith.index_cast %swap3A_253 : i32 to index
    %swap3A_255 = arith.constant 16 : index
    %swap3A_256 = tpu.vector_load %arg15[%swap3A_254, %swap3A_255] {strides = array<i32>} : memref<5x125xi32, #tpu.memory_space<vmem>>, vector<16xi32>,
    tpu.vector_store %arg15[%swap3A_254, %swap3A_255], %add3A_252 {strides = array<i32>} : memref<5x125xi32, #tpu.memory_space<vmem>>, vector<16xi32>,
    %add3A_257 = arith.constant 407 : i32
    %add3A_258 = vector.broadcast %add3A_257 : i32 to vector<16xi32>
    %add3A_259 = arith.addi %iota3A, %add3A_258 : vector<16xi32>
    %swap3A_260 = arith.constant 3 : i32
    %swap3A_261 = arith.index_cast %swap3A_260 : i32 to index
    %swap3A_262 = arith.constant 32 : index
    %swap3A_263 = tpu.vector_load %arg15[%swap3A_261, %swap3A_262] {strides = array<i32>} : memref<5x125xi32, #tpu.memory_space<vmem>>, vector<16xi32>,
    tpu.vector_store %arg15[%swap3A_261, %swap3A_262], %add3A_259 {strides = array<i32>} : memref<5x125xi32, #tpu.memory_space<vmem>>, vector<16xi32>,
    %add3A_264 = arith.constant 423 : i32
    %add3A_265 = vector.broadcast %add3A_264 : i32 to vector<16xi32>
    %add3A_266 = arith.addi %iota3A, %add3A_265 : vector<16xi32>
    %swap3A_267 = arith.constant 3 : i32
    %swap3A_268 = arith.index_cast %swap3A_267 : i32 to index
    %swap3A_269 = arith.constant 48 : index
    %swap3A_270 = tpu.vector_load %arg15[%swap3A_268, %swap3A_269] {strides = array<i32>} : memref<5x125xi32, #tpu.memory_space<vmem>>, vector<16xi32>,
    tpu.vector_store %arg15[%swap3A_268, %swap3A_269], %add3A_266 {strides = array<i32>} : memref<5x125xi32, #tpu.memory_space<vmem>>, vector<16xi32>,
    %add3A_271 = arith.constant 439 : i32
    %add3A_272 = vector.broadcast %add3A_271 : i32 to vector<16xi32>
    %add3A_273 = arith.addi %iota3A, %add3A_272 : vector<16xi32>
    %swap3A_274 = arith.constant 3 : i32
    %swap3A_275 = arith.index_cast %swap3A_274 : i32 to index
    %swap3A_276 = arith.constant 64 : index
    %swap3A_277 = tpu.vector_load %arg15[%swap3A_275, %swap3A_276] {strides = array<i32>} : memref<5x125xi32, #tpu.memory_space<vmem>>, vector<16xi32>,
    tpu.vector_store %arg15[%swap3A_275, %swap3A_276], %add3A_273 {strides = array<i32>} : memref<5x125xi32, #tpu.memory_space<vmem>>, vector<16xi32>,
    %add3A_278 = arith.constant 455 : i32
    %add3A_279 = vector.broadcast %add3A_278 : i32 to vector<16xi32>
    %add3A_280 = arith.addi %iota3A, %add3A_279 : vector<16xi32>
    %swap3A_281 = arith.constant 3 : i32
    %swap3A_282 = arith.index_cast %swap3A_281 : i32 to index
    %swap3A_283 = arith.constant 80 : index
    %swap3A_284 = tpu.vector_load %arg15[%swap3A_282, %swap3A_283] {strides = array<i32>} : memref<5x125xi32, #tpu.memory_space<vmem>>, vector<16xi32>,
    tpu.vector_store %arg15[%swap3A_282, %swap3A_283], %add3A_280 {strides = array<i32>} : memref<5x125xi32, #tpu.memory_space<vmem>>, vector<16xi32>,
    %add3A_285 = arith.constant 471 : i32
    %add3A_286 = vector.broadcast %add3A_285 : i32 to vector<16xi32>
    %add3A_287 = arith.addi %iota3A, %add3A_286 : vector<16xi32>
    %swap3A_288 = arith.constant 3 : i32
    %swap3A_289 = arith.index_cast %swap3A_288 : i32 to index
    %swap3A_290 = arith.constant 96 : index
    %swap3A_291 = tpu.vector_load %arg15[%swap3A_289, %swap3A_290] {strides = array<i32>} : memref<5x125xi32, #tpu.memory_space<vmem>>, vector<16xi32>,
    tpu.vector_store %arg15[%swap3A_289, %swap3A_290], %add3A_287 {strides = array<i32>} : memref<5x125xi32, #tpu.memory_space<vmem>>, vector<16xi32>,
    %add3A_292 = arith.constant 484 : i32
    %add3A_293 = vector.broadcast %add3A_292 : i32 to vector<16xi32>
    %add3A_294 = arith.addi %iota3A, %add3A_293 : vector<16xi32>
    %swap3A_295 = arith.constant 3 : i32
    %swap3A_296 = arith.index_cast %swap3A_295 : i32 to index
    %swap3A_297 = arith.constant 109 : index
    %swap3A_298 = tpu.vector_load %arg15[%swap3A_296, %swap3A_297] {strides = array<i32>} : memref<5x125xi32, #tpu.memory_space<vmem>>, vector<16xi32>,
    tpu.vector_store %arg15[%swap3A_296, %swap3A_297], %add3A_294 {strides = array<i32>} : memref<5x125xi32, #tpu.memory_space<vmem>>, vector<16xi32>,
    %add3A_299 = arith.constant 500 : i32
    %add3A_300 = vector.broadcast %add3A_299 : i32 to vector<16xi32>
    %add3A_301 = arith.addi %iota3A, %add3A_300 : vector<16xi32>
    %swap3A_302 = arith.constant 4 : i32
    %swap3A_303 = arith.index_cast %swap3A_302 : i32 to index
    %swap3A_304 = arith.constant 0 : index
    %swap3A_305 = tpu.vector_load %arg15[%swap3A_303, %swap3A_304] {strides = array<i32>} : memref<5x125xi32, #tpu.memory_space<vmem>>, vector<16xi32>,
    tpu.vector_store %arg15[%swap3A_303, %swap3A_304], %add3A_301 {strides = array<i32>} : memref<5x125xi32, #tpu.memory_space<vmem>>, vector<16xi32>,
    %add3A_306 = arith.constant 516 : i32
    %add3A_307 = vector.broadcast %add3A_306 : i32 to vector<16xi32>
    %add3A_308 = arith.addi %iota3A, %add3A_307 : vector<16xi32>
    %swap3A_309 = arith.constant 4 : i32
    %swap3A_310 = arith.index_cast %swap3A_309 : i32 to index
    %swap3A_311 = arith.constant 16 : index
    %swap3A_312 = tpu.vector_load %arg15[%swap3A_310, %swap3A_311] {strides = array<i32>} : memref<5x125xi32, #tpu.memory_space<vmem>>, vector<16xi32>,
    tpu.vector_store %arg15[%swap3A_310, %swap3A_311], %add3A_308 {strides = array<i32>} : memref<5x125xi32, #tpu.memory_space<vmem>>, vector<16xi32>,
    %add3A_313 = arith.constant 532 : i32
    %add3A_314 = vector.broadcast %add3A_313 : i32 to vector<16xi32>
    %add3A_315 = arith.addi %iota3A, %add3A_314 : vector<16xi32>
    %swap3A_316 = arith.constant 4 : i32
    %swap3A_317 = arith.index_cast %swap3A_316 : i32 to index
    %swap3A_318 = arith.constant 32 : index
    %swap3A_319 = tpu.vector_load %arg15[%swap3A_317, %swap3A_318] {strides = array<i32>} : memref<5x125xi32, #tpu.memory_space<vmem>>, vector<16xi32>,
    tpu.vector_store %arg15[%swap3A_317, %swap3A_318], %add3A_315 {strides = array<i32>} : memref<5x125xi32, #tpu.memory_space<vmem>>, vector<16xi32>,
    %add3A_320 = arith.constant 548 : i32
    %add3A_321 = vector.broadcast %add3A_320 : i32 to vector<16xi32>
    %add3A_322 = arith.addi %iota3A, %add3A_321 : vector<16xi32>
    %swap3A_323 = arith.constant 4 : i32
    %swap3A_324 = arith.index_cast %swap3A_323 : i32 to index
    %swap3A_325 = arith.constant 48 : index
    %swap3A_326 = tpu.vector_load %arg15[%swap3A_324, %swap3A_325] {strides = array<i32>} : memref<5x125xi32, #tpu.memory_space<vmem>>, vector<16xi32>,
    tpu.vector_store %arg15[%swap3A_324, %swap3A_325], %add3A_322 {strides = array<i32>} : memref<5x125xi32, #tpu.memory_space<vmem>>, vector<16xi32>,
    %add3A_327 = arith.constant 564 : i32
    %add3A_328 = vector.broadcast %add3A_327 : i32 to vector<16xi32>
    %add3A_329 = arith.addi %iota3A, %add3A_328 : vector<16xi32>
    %swap3A_330 = arith.constant 4 : i32
    %swap3A_331 = arith.index_cast %swap3A_330 : i32 to index
    %swap3A_332 = arith.constant 64 : index
    %swap3A_333 = tpu.vector_load %arg15[%swap3A_331, %swap3A_332] {strides = array<i32>} : memref<5x125xi32, #tpu.memory_space<vmem>>, vector<16xi32>,
    tpu.vector_store %arg15[%swap3A_331, %swap3A_332], %add3A_329 {strides = array<i32>} : memref<5x125xi32, #tpu.memory_space<vmem>>, vector<16xi32>,
    %add3A_334 = arith.constant 580 : i32
    %add3A_335 = vector.broadcast %add3A_334 : i32 to vector<16xi32>
    %add3A_336 = arith.addi %iota3A, %add3A_335 : vector<16xi32>
    %swap3A_337 = arith.constant 4 : i32
    %swap3A_338 = arith.index_cast %swap3A_337 : i32 to index
    %swap3A_339 = arith.constant 80 : index
    %swap3A_340 = tpu.vector_load %arg15[%swap3A_338, %swap3A_339] {strides = array<i32>} : memref<5x125xi32, #tpu.memory_space<vmem>>, vector<16xi32>,
    tpu.vector_store %arg15[%swap3A_338, %swap3A_339], %add3A_336 {strides = array<i32>} : memref<5x125xi32, #tpu.memory_space<vmem>>, vector<16xi32>,
    %add3A_341 = arith.constant 596 : i32
    %add3A_342 = vector.broadcast %add3A_341 : i32 to vector<16xi32>
    %add3A_343 = arith.addi %iota3A, %add3A_342 : vector<16xi32>
    %swap3A_344 = arith.constant 4 : i32
    %swap3A_345 = arith.index_cast %swap3A_344 : i32 to index
    %swap3A_346 = arith.constant 96 : index
    %swap3A_347 = tpu.vector_load %arg15[%swap3A_345, %swap3A_346] {strides = array<i32>} : memref<5x125xi32, #tpu.memory_space<vmem>>, vector<16xi32>,
    tpu.vector_store %arg15[%swap3A_345, %swap3A_346], %add3A_343 {strides = array<i32>} : memref<5x125xi32, #tpu.memory_space<vmem>>, vector<16xi32>,
    %add3A_348 = arith.constant 609 : i32
    %add3A_349 = vector.broadcast %add3A_348 : i32 to vector<16xi32>
    %add3A_350 = arith.addi %iota3A, %add3A_349 : vector<16xi32>
    %swap3A_351 = arith.constant 4 : i32
    %swap3A_352 = arith.index_cast %swap3A_351 : i32 to index
    %swap3A_353 = arith.constant 109 : index
    %swap3A_354 = tpu.vector_load %arg15[%swap3A_352, %swap3A_353] {strides = array<i32>} : memref<5x125xi32, #tpu.memory_space<vmem>>, vector<16xi32>,
    tpu.vector_store %arg15[%swap3A_352, %swap3A_353], %add3A_350 {strides = array<i32>} : memref<5x125xi32, #tpu.memory_space<vmem>>, vector<16xi32>,
    %eq3A = arith.constant 0 : i32
    %eq3A_355 = arith.cmpi eq, %arg1, %eq3A : i32
    %convert_element_type3A = arith.extui %eq3A_355 : i1 to i32
    %cond3A = arith.constant 0 : i32
    %cond3A_356 = arith.cmpi ne, %convert_element_type3A, %cond3A : i32
    scf.if %cond3A_356 {
      "tpu.region"() ({
        %run_scoped3A_481 = tpu.sem_alloc : memref<!tpu.dma_semaphore, #tpu.memory_space<semaphore_mem>>
        tpu.enqueue_dma source(%arg14 : memref<625x16xf32, #tpu.memory_space<vmem>>) target(%arg16 : memref<625x16xf32, #tpu.memory_space<vmem_shared>>) target_semaphore(%run_scoped3A_481 : memref<!tpu.dma_semaphore, #tpu.memory_space<semaphore_mem>>)
        tpu.wait_dma2 semaphore(%run_scoped3A_481 : memref<!tpu.dma_semaphore, #tpu.memory_space<semaphore_mem>>) src(%arg14 : memref<625x16xf32, #tpu.memory_space<vmem>>) dst(%arg16 : memref<625x16xf32, #tpu.memory_space<vmem_shared>>)
        tpu.yield
      }) : () -> ()
    } else {
    }
    %dma_wait3A = arith.constant 0 : i32
    %dma_wait3A_357 = tpu.memref_slice %arg11[%add3A_12, %dma_wait3A] : memref<10000x128xf32, #tpu.memory_space<vmem_shared>> -> memref<100x128xf32, #tpu.memory_space<vmem_shared>>
    %dma_wait3A_358 = arith.constant 0 : i32
    %dma_wait3A_359 = tpu.memref_slice %arg11[%add3A_12, %dma_wait3A_358] : memref<10000x128xf32, #tpu.memory_space<vmem_shared>> -> memref<100x128xf32, #tpu.memory_space<vmem_shared>>
    tpu.wait_dma2 semaphore(%arg12 : memref<!tpu.dma_semaphore, #tpu.memory_space<semaphore_mem>>) src(%arg9 : memref<100x128xf32, #tpu.memory_space<vmem>>) dst(%dma_wait3A_359 : memref<100x128xf32, #tpu.memory_space<vmem_shared>>)
    %dma_wait3A_360 = arith.constant 0 : i32
    %dma_wait3A_361 = tpu.memref_slice %arg11[%add3A_16, %dma_wait3A_360] : memref<10000x128xf32, #tpu.memory_space<vmem_shared>> -> memref<100x128xf32, #tpu.memory_space<vmem_shared>>
    %dma_wait3A_362 = arith.constant 0 : i32
    %dma_wait3A_363 = tpu.memref_slice %arg11[%add3A_16, %dma_wait3A_362] : memref<10000x128xf32, #tpu.memory_space<vmem_shared>> -> memref<100x128xf32, #tpu.memory_space<vmem_shared>>
    tpu.wait_dma2 semaphore(%arg12 : memref<!tpu.dma_semaphore, #tpu.memory_space<semaphore_mem>>) src(%arg9 : memref<100x128xf32, #tpu.memory_space<vmem>>) dst(%dma_wait3A_363 : memref<100x128xf32, #tpu.memory_space<vmem_shared>>)
    %dma_wait3A_364 = arith.constant 0 : i32
    %dma_wait3A_365 = tpu.memref_slice %arg11[%add3A_20, %dma_wait3A_364] : memref<10000x128xf32, #tpu.memory_space<vmem_shared>> -> memref<100x128xf32, #tpu.memory_space<vmem_shared>>
    %dma_wait3A_366 = arith.constant 0 : i32
    %dma_wait3A_367 = tpu.memref_slice %arg11[%add3A_20, %dma_wait3A_366] : memref<10000x128xf32, #tpu.memory_space<vmem_shared>> -> memref<100x128xf32, #tpu.memory_space<vmem_shared>>
    tpu.wait_dma2 semaphore(%arg12 : memref<!tpu.dma_semaphore, #tpu.memory_space<semaphore_mem>>) src(%arg9 : memref<100x128xf32, #tpu.memory_space<vmem>>) dst(%dma_wait3A_367 : memref<100x128xf32, #tpu.memory_space<vmem_shared>>)
    %dma_wait3A_368 = arith.constant 0 : i32
    %dma_wait3A_369 = tpu.memref_slice %arg11[%add3A_24, %dma_wait3A_368] : memref<10000x128xf32, #tpu.memory_space<vmem_shared>> -> memref<100x128xf32, #tpu.memory_space<vmem_shared>>
    %dma_wait3A_370 = arith.constant 0 : i32
    %dma_wait3A_371 = tpu.memref_slice %arg11[%add3A_24, %dma_wait3A_370] : memref<10000x128xf32, #tpu.memory_space<vmem_shared>> -> memref<100x128xf32, #tpu.memory_space<vmem_shared>>
    tpu.wait_dma2 semaphore(%arg12 : memref<!tpu.dma_semaphore, #tpu.memory_space<semaphore_mem>>) src(%arg9 : memref<100x128xf32, #tpu.memory_space<vmem>>) dst(%dma_wait3A_371 : memref<100x128xf32, #tpu.memory_space<vmem_shared>>)
    %dma_wait3A_372 = arith.constant 0 : i32
    %dma_wait3A_373 = tpu.memref_slice %arg11[%add3A_28, %dma_wait3A_372] : memref<10000x128xf32, #tpu.memory_space<vmem_shared>> -> memref<100x128xf32, #tpu.memory_space<vmem_shared>>
    %dma_wait3A_374 = arith.constant 0 : i32
    %dma_wait3A_375 = tpu.memref_slice %arg11[%add3A_28, %dma_wait3A_374] : memref<10000x128xf32, #tpu.memory_space<vmem_shared>> -> memref<100x128xf32, #tpu.memory_space<vmem_shared>>
    tpu.wait_dma2 semaphore(%arg12 : memref<!tpu.dma_semaphore, #tpu.memory_space<semaphore_mem>>) src(%arg9 : memref<100x128xf32, #tpu.memory_space<vmem>>) dst(%dma_wait3A_375 : memref<100x128xf32, #tpu.memory_space<vmem_shared>>)
    %dma_wait3A_376 = arith.constant 0 : i32
    %dma_wait3A_377 = tpu.memref_slice %arg11[%add3A_32, %dma_wait3A_376] : memref<10000x128xf32, #tpu.memory_space<vmem_shared>> -> memref<100x128xf32, #tpu.memory_space<vmem_shared>>
    %dma_wait3A_378 = arith.constant 0 : i32
    %dma_wait3A_379 = tpu.memref_slice %arg11[%add3A_32, %dma_wait3A_378] : memref<10000x128xf32, #tpu.memory_space<vmem_shared>> -> memref<100x128xf32, #tpu.memory_space<vmem_shared>>
    tpu.wait_dma2 semaphore(%arg12 : memref<!tpu.dma_semaphore, #tpu.memory_space<semaphore_mem>>) src(%arg9 : memref<100x128xf32, #tpu.memory_space<vmem>>) dst(%dma_wait3A_379 : memref<100x128xf32, #tpu.memory_space<vmem_shared>>)
    %dma_wait3A_380 = arith.constant 0 : i32
    %dma_wait3A_381 = arith.constant 0 : i32
    %dma_wait3A_382 = tpu.memref_slice %arg9[%dma_wait3A_380, %dma_wait3A_381] : memref<100x128xf32, #tpu.memory_space<vmem>> -> memref<25x128xf32, #tpu.memory_space<vmem>>
    %dma_wait3A_383 = arith.constant 0 : i32
    %dma_wait3A_384 = tpu.memref_slice %arg11[%add3A_36, %dma_wait3A_383] : memref<10000x128xf32, #tpu.memory_space<vmem_shared>> -> memref<25x128xf32, #tpu.memory_space<vmem_shared>>
    %dma_wait3A_385 = arith.constant 0 : i32
    %dma_wait3A_386 = tpu.memref_slice %arg11[%add3A_36, %dma_wait3A_385] : memref<10000x128xf32, #tpu.memory_space<vmem_shared>> -> memref<25x128xf32, #tpu.memory_space<vmem_shared>>
    %dma_wait3A_387 = arith.constant 0 : i32
    %dma_wait3A_388 = arith.constant 0 : i32
    %dma_wait3A_389 = tpu.memref_slice %arg9[%dma_wait3A_387, %dma_wait3A_388] : memref<100x128xf32, #tpu.memory_space<vmem>> -> memref<25x128xf32, #tpu.memory_space<vmem>>
    tpu.wait_dma2 semaphore(%arg12 : memref<!tpu.dma_semaphore, #tpu.memory_space<semaphore_mem>>) src(%dma_wait3A_389 : memref<25x128xf32, #tpu.memory_space<vmem>>) dst(%dma_wait3A_386 : memref<25x128xf32, #tpu.memory_space<vmem_shared>>)
    %barrier3A = arith.constant 0 : index
    tpu.barrier barrier_id(%barrier3A)
    %mul3A_390 = arith.constant 100 : i32
    %mul3A_391 = arith.muli %add3A, %mul3A_390 : i32
    %add3A_392 = arith.constant 0 : i32
    %add3A_393 = arith.addi %mul3A_391, %add3A_392 : i32
    %mul3A_394 = arith.constant 100 : i32
    %mul3A_395 = arith.muli %add3A, %mul3A_394 : i32
    %add3A_396 = arith.constant 0 : i32
    %add3A_397 = arith.addi %mul3A_395, %add3A_396 : i32
    %dma_start3A_398 = arith.constant 0 : i32
    %dma_start3A_399 = tpu.memref_slice %arg3[%add3A_393, %dma_start3A_398] : memref<3200x100xi32, #tpu.memory_space<hbm>> -> memref<50x100xi32, #tpu.memory_space<hbm>>
    %dma_start3A_400 = arith.constant 0 : i32
    %dma_start3A_401 = tpu.memref_slice %arg3[%add3A_393, %dma_start3A_400] : memref<3200x100xi32, #tpu.memory_space<hbm>> -> memref<50x100xi32, #tpu.memory_space<hbm>>
    tpu.enqueue_dma source(%dma_start3A_401 : memref<50x100xi32, #tpu.memory_space<hbm>>) target(%arg7 : memref<50x100xi32, #tpu.memory_space<vmem>>) target_semaphore(%arg12 : memref<!tpu.dma_semaphore, #tpu.memory_space<semaphore_mem>>)
    %dma_start3A_402 = arith.constant 0 : i32
    %dma_start3A_403 = tpu.memref_slice %arg4[%add3A_397, %dma_start3A_402] : memref<3200x100xi32, #tpu.memory_space<hbm>> -> memref<50x100xi32, #tpu.memory_space<hbm>>
    %dma_start3A_404 = arith.constant 0 : i32
    %dma_start3A_405 = tpu.memref_slice %arg4[%add3A_397, %dma_start3A_404] : memref<3200x100xi32, #tpu.memory_space<hbm>> -> memref<50x100xi32, #tpu.memory_space<hbm>>
    tpu.enqueue_dma source(%dma_start3A_405 : memref<50x100xi32, #tpu.memory_space<hbm>>) target(%arg8 : memref<50x100xi32, #tpu.memory_space<vmem>>) target_semaphore(%arg13 : memref<!tpu.dma_semaphore, #tpu.memory_space<semaphore_mem>>)
    %dma_wait3A_406 = arith.constant 0 : i32
    %dma_wait3A_407 = tpu.memref_slice %arg3[%add3A_393, %dma_wait3A_406] : memref<3200x100xi32, #tpu.memory_space<hbm>> -> memref<50x100xi32, #tpu.memory_space<hbm>>
    %dma_wait3A_408 = arith.constant 0 : i32
    %dma_wait3A_409 = tpu.memref_slice %arg3[%add3A_393, %dma_wait3A_408] : memref<3200x100xi32, #tpu.memory_space<hbm>> -> memref<50x100xi32, #tpu.memory_space<hbm>>
    tpu.wait_dma2 semaphore(%arg12 : memref<!tpu.dma_semaphore, #tpu.memory_space<semaphore_mem>>) src(%dma_wait3A_409 : memref<50x100xi32, #tpu.memory_space<hbm>>) dst(%arg7 : memref<50x100xi32, #tpu.memory_space<vmem>>)
    %dma_wait3A_410 = arith.constant 0 : i32
    %dma_wait3A_411 = tpu.memref_slice %arg4[%add3A_397, %dma_wait3A_410] : memref<3200x100xi32, #tpu.memory_space<hbm>> -> memref<50x100xi32, #tpu.memory_space<hbm>>
    %dma_wait3A_412 = arith.constant 0 : i32
    %dma_wait3A_413 = tpu.memref_slice %arg4[%add3A_397, %dma_wait3A_412] : memref<3200x100xi32, #tpu.memory_space<hbm>> -> memref<50x100xi32, #tpu.memory_space<hbm>>
    tpu.wait_dma2 semaphore(%arg13 : memref<!tpu.dma_semaphore, #tpu.memory_space<semaphore_mem>>) src(%dma_wait3A_413 : memref<50x100xi32, #tpu.memory_space<hbm>>) dst(%arg8 : memref<50x100xi32, #tpu.memory_space<vmem>>)
    %dma_start3A_414 = arith.constant 0 : i32
    %dma_start3A_415 = arith.constant 0 : i32
    %dma_start3A_416 = tpu.memref_slice %arg7[%dma_start3A_414, %dma_start3A_415] : memref<50x100xi32, #tpu.memory_space<vmem>> -> memref<1x100xi32, #tpu.memory_space<vmem>>
    %dma_start3A_417 = tpu.memref_squeeze %dma_start3A_416 : memref<1x100xi32, #tpu.memory_space<vmem>> -> memref<100xi32, #tpu.memory_space<vmem>>
    %dma_start3A_418 = arith.constant 0 : i32
    %dma_start3A_419 = arith.constant 0 : i32
    %dma_start3A_420 = tpu.memref_slice %arg2[%dma_start3A_418, %dma_start3A_419] : memref<10000x128xf32, #tpu.memory_space<hbm>> -> memref<10000x128xf32, #tpu.memory_space<hbm>>
    tpu.enqueue_indirect_dma source(%dma_start3A_420 : memref<10000x128xf32, #tpu.memory_space<hbm>>) target(%arg9 : memref<100x128xf32, #tpu.memory_space<vmem>>) offsets(%dma_start3A_417 : memref<100xi32, #tpu.memory_space<vmem>>) semaphore(%arg12 : memref<!tpu.dma_semaphore, #tpu.memory_space<semaphore_mem>>)
    %scan3A_421 = arith.constant 0 : i32
    %scan3A_422 = arith.constant 0 : i32
    %scan3A_423 = arith.constant 25 : i32
    %scan3A_424 = arith.addi %scan3A_422, %scan3A_423 : i32
    %scan3A_425 = arith.constant 1 : i32
    scf.for %scan3A_481 = %scan3A_422 to %scan3A_424 step %scan3A_425  : i32 {
      %mul3A_482 = arith.constant 2 : i32
      %mul3A_483 = arith.muli %mul3A_482, %scan3A_481 : i32
      %add3A_484 = arith.constant 1 : i32
      %add3A_485 = arith.addi %mul3A_483, %add3A_484 : i32
      %dma_start3A_486 = arith.constant 0 : i32
      %dma_start3A_487 = tpu.memref_slice %arg7[%add3A_485, %dma_start3A_486] : memref<50x100xi32, #tpu.memory_space<vmem>> -> memref<1x100xi32, #tpu.memory_space<vmem>>
      %dma_start3A_488 = tpu.memref_squeeze %dma_start3A_487 : memref<1x100xi32, #tpu.memory_space<vmem>> -> memref<100xi32, #tpu.memory_space<vmem>>
      %dma_start3A_489 = arith.constant 0 : i32
      %dma_start3A_490 = arith.constant 0 : i32
      %dma_start3A_491 = tpu.memref_slice %arg2[%dma_start3A_489, %dma_start3A_490] : memref<10000x128xf32, #tpu.memory_space<hbm>> -> memref<10000x128xf32, #tpu.memory_space<hbm>>
      tpu.enqueue_indirect_dma source(%dma_start3A_491 : memref<10000x128xf32, #tpu.memory_space<hbm>>) target(%arg10 : memref<100x128xf32, #tpu.memory_space<vmem>>) offsets(%dma_start3A_488 : memref<100xi32, #tpu.memory_space<vmem>>) semaphore(%arg13 : memref<!tpu.dma_semaphore, #tpu.memory_space<semaphore_mem>>)
      %get3A = arith.index_cast %mul3A_483 : i32 to index
      %get3A_492 = arith.constant 0 : index
      %get3A_493 = tpu.vector_load %arg8[%get3A, %get3A_492] {strides = array<i32>} : memref<50x100xi32, #tpu.memory_space<vmem>>, vector<16xi32>,
      %shift_right_arithmetic3A = arith.constant 4 : i32
      %shift_right_arithmetic3A_494 = vector.broadcast %shift_right_arithmetic3A : i32 to vector<16xi32>
      %shift_right_arithmetic3A_495 = arith.shrsi %get3A_493, %shift_right_arithmetic3A_494 : vector<16xi32>
      %and3A = arith.constant 15 : i32
      %and3A_496 = vector.broadcast %and3A : i32 to vector<16xi32>
      %and3A_497 = arith.andi %get3A_493, %and3A_496 : vector<16xi32>
      tpu.vector_store_idx %arg14[%shift_right_arithmetic3A_495, %and3A_497], %broadcast_in_dim3A_1 {add = true} : memref<625x16xf32, #tpu.memory_space<vmem>>[vector<16xi32>, vector<16xi32>], vector<16xf32>,
      %get3A_498 = arith.index_cast %mul3A_483 : i32 to index
      %get3A_499 = arith.constant 16 : index
      %get3A_500 = tpu.vector_load %arg8[%get3A_498, %get3A_499] {strides = array<i32>} : memref<50x100xi32, #tpu.memory_space<vmem>>, vector<16xi32>,
      %shift_right_arithmetic3A_501 = arith.constant 4 : i32
      %shift_right_arithmetic3A_502 = vector.broadcast %shift_right_arithmetic3A_501 : i32 to vector<16xi32>
      %shift_right_arithmetic3A_503 = arith.shrsi %get3A_500, %shift_right_arithmetic3A_502 : vector<16xi32>
      %and3A_504 = arith.constant 15 : i32
      %and3A_505 = vector.broadcast %and3A_504 : i32 to vector<16xi32>
      %and3A_506 = arith.andi %get3A_500, %and3A_505 : vector<16xi32>
      tpu.vector_store_idx %arg14[%shift_right_arithmetic3A_503, %and3A_506], %broadcast_in_dim3A_1 {add = true} : memref<625x16xf32, #tpu.memory_space<vmem>>[vector<16xi32>, vector<16xi32>], vector<16xf32>,
      %get3A_507 = arith.index_cast %mul3A_483 : i32 to index
      %get3A_508 = arith.constant 32 : index
      %get3A_509 = tpu.vector_load %arg8[%get3A_507, %get3A_508] {strides = array<i32>} : memref<50x100xi32, #tpu.memory_space<vmem>>, vector<16xi32>,
      %shift_right_arithmetic3A_510 = arith.constant 4 : i32
      %shift_right_arithmetic3A_511 = vector.broadcast %shift_right_arithmetic3A_510 : i32 to vector<16xi32>
      %shift_right_arithmetic3A_512 = arith.shrsi %get3A_509, %shift_right_arithmetic3A_511 : vector<16xi32>
      %and3A_513 = arith.constant 15 : i32
      %and3A_514 = vector.broadcast %and3A_513 : i32 to vector<16xi32>
      %and3A_515 = arith.andi %get3A_509, %and3A_514 : vector<16xi32>
      tpu.vector_store_idx %arg14[%shift_right_arithmetic3A_512, %and3A_515], %broadcast_in_dim3A_1 {add = true} : memref<625x16xf32, #tpu.memory_space<vmem>>[vector<16xi32>, vector<16xi32>], vector<16xf32>,
      %get3A_516 = arith.index_cast %mul3A_483 : i32 to index
      %get3A_517 = arith.constant 48 : index
      %get3A_518 = tpu.vector_load %arg8[%get3A_516, %get3A_517] {strides = array<i32>} : memref<50x100xi32, #tpu.memory_space<vmem>>, vector<16xi32>,
      %shift_right_arithmetic3A_519 = arith.constant 4 : i32
      %shift_right_arithmetic3A_520 = vector.broadcast %shift_right_arithmetic3A_519 : i32 to vector<16xi32>
      %shift_right_arithmetic3A_521 = arith.shrsi %get3A_518, %shift_right_arithmetic3A_520 : vector<16xi32>
      %and3A_522 = arith.constant 15 : i32
      %and3A_523 = vector.broadcast %and3A_522 : i32 to vector<16xi32>
      %and3A_524 = arith.andi %get3A_518, %and3A_523 : vector<16xi32>
      tpu.vector_store_idx %arg14[%shift_right_arithmetic3A_521, %and3A_524], %broadcast_in_dim3A_1 {add = true} : memref<625x16xf32, #tpu.memory_space<vmem>>[vector<16xi32>, vector<16xi32>], vector<16xf32>,
      %get3A_525 = arith.index_cast %mul3A_483 : i32 to index
      %get3A_526 = arith.constant 64 : index
      %get3A_527 = tpu.vector_load %arg8[%get3A_525, %get3A_526] {strides = array<i32>} : memref<50x100xi32, #tpu.memory_space<vmem>>, vector<16xi32>,
      %shift_right_arithmetic3A_528 = arith.constant 4 : i32
      %shift_right_arithmetic3A_529 = vector.broadcast %shift_right_arithmetic3A_528 : i32 to vector<16xi32>
      %shift_right_arithmetic3A_530 = arith.shrsi %get3A_527, %shift_right_arithmetic3A_529 : vector<16xi32>
      %and3A_531 = arith.constant 15 : i32
      %and3A_532 = vector.broadcast %and3A_531 : i32 to vector<16xi32>
      %and3A_533 = arith.andi %get3A_527, %and3A_532 : vector<16xi32>
      tpu.vector_store_idx %arg14[%shift_right_arithmetic3A_530, %and3A_533], %broadcast_in_dim3A_1 {add = true} : memref<625x16xf32, #tpu.memory_space<vmem>>[vector<16xi32>, vector<16xi32>], vector<16xf32>,
      %get3A_534 = arith.index_cast %mul3A_483 : i32 to index
      %get3A_535 = arith.constant 80 : index
      %get3A_536 = tpu.vector_load %arg8[%get3A_534, %get3A_535] {strides = array<i32>} : memref<50x100xi32, #tpu.memory_space<vmem>>, vector<16xi32>,
      %shift_right_arithmetic3A_537 = arith.constant 4 : i32
      %shift_right_arithmetic3A_538 = vector.broadcast %shift_right_arithmetic3A_537 : i32 to vector<16xi32>
      %shift_right_arithmetic3A_539 = arith.shrsi %get3A_536, %shift_right_arithmetic3A_538 : vector<16xi32>
      %and3A_540 = arith.constant 15 : i32
      %and3A_541 = vector.broadcast %and3A_540 : i32 to vector<16xi32>
      %and3A_542 = arith.andi %get3A_536, %and3A_541 : vector<16xi32>
      tpu.vector_store_idx %arg14[%shift_right_arithmetic3A_539, %and3A_542], %broadcast_in_dim3A_1 {add = true} : memref<625x16xf32, #tpu.memory_space<vmem>>[vector<16xi32>, vector<16xi32>], vector<16xf32>,
      %get3A_543 = arith.index_cast %mul3A_483 : i32 to index
      %get3A_544 = arith.constant 84 : index
      %get3A_545 = tpu.vector_load %arg8[%get3A_543, %get3A_544] {strides = array<i32>} : memref<50x100xi32, #tpu.memory_space<vmem>>, vector<16xi32>,
      %shift_right_arithmetic3A_546 = arith.constant 4 : i32
      %shift_right_arithmetic3A_547 = vector.broadcast %shift_right_arithmetic3A_546 : i32 to vector<16xi32>
      %shift_right_arithmetic3A_548 = arith.shrsi %get3A_545, %shift_right_arithmetic3A_547 : vector<16xi32>
      %and3A_549 = arith.constant 15 : i32
      %and3A_550 = vector.broadcast %and3A_549 : i32 to vector<16xi32>
      %and3A_551 = arith.andi %get3A_545, %and3A_550 : vector<16xi32>
      tpu.vector_store_idx %arg14[%shift_right_arithmetic3A_548, %and3A_551], %broadcast_in_dim3A_1 masked %ge3A_3 {add = true} : memref<625x16xf32, #tpu.memory_space<vmem>>[vector<16xi32>, vector<16xi32>], vector<16xf32>, vector<16xi1>
      %dma_wait3A_552 = arith.constant 0 : i32
      %dma_wait3A_553 = tpu.memref_slice %arg7[%mul3A_483, %dma_wait3A_552] : memref<50x100xi32, #tpu.memory_space<vmem>> -> memref<1x100xi32, #tpu.memory_space<vmem>>
      %dma_wait3A_554 = tpu.memref_squeeze %dma_wait3A_553 : memref<1x100xi32, #tpu.memory_space<vmem>> -> memref<100xi32, #tpu.memory_space<vmem>>
      %dma_wait3A_555 = arith.constant 0 : i32
      %dma_wait3A_556 = arith.constant 0 : i32
      %dma_wait3A_557 = tpu.memref_slice %arg2[%dma_wait3A_555, %dma_wait3A_556] : memref<10000x128xf32, #tpu.memory_space<hbm>> -> memref<10000x128xf32, #tpu.memory_space<hbm>>
      tpu.wait_indirect_dma semaphore(%arg12 : memref<!tpu.dma_semaphore, #tpu.memory_space<semaphore_mem>>) src(%dma_wait3A_557 : memref<10000x128xf32, #tpu.memory_space<hbm>>) dst(%arg9 : memref<100x128xf32, #tpu.memory_space<vmem>>)
      "tpu.region"() ({
        %run_scoped3A_637 = tpu.sem_alloc : memref<!tpu.dma_semaphore, #tpu.memory_space<semaphore_mem>>
        %dma_start3A_638 = arith.constant 0 : i32
        %dma_start3A_639 = tpu.memref_slice %arg8[%mul3A_483, %dma_start3A_638] : memref<50x100xi32, #tpu.memory_space<vmem>> -> memref<1x100xi32, #tpu.memory_space<vmem>>
        %dma_start3A_640 = tpu.memref_squeeze %dma_start3A_639 : memref<1x100xi32, #tpu.memory_space<vmem>> -> memref<100xi32, #tpu.memory_space<vmem>>
        %dma_start3A_641 = arith.constant 0 : i32
        %dma_start3A_642 = arith.constant 0 : i32
        %dma_start3A_643 = tpu.memref_slice %arg11[%dma_start3A_641, %dma_start3A_642] : memref<10000x128xf32, #tpu.memory_space<vmem_shared>> -> memref<10000x128xf32, #tpu.memory_space<vmem_shared>>
        tpu.enqueue_indirect_dma source(%arg9 : memref<100x128xf32, #tpu.memory_space<vmem>>) target(%dma_start3A_643 : memref<10000x128xf32, #tpu.memory_space<vmem_shared>>) offsets(%dma_start3A_640 : memref<100xi32, #tpu.memory_space<vmem>>) semaphore(%run_scoped3A_637 : memref<!tpu.dma_semaphore, #tpu.memory_space<semaphore_mem>>) {add = true}
        %dma_wait3A_644 = arith.constant 0 : i32
        %dma_wait3A_645 = tpu.memref_slice %arg8[%mul3A_483, %dma_wait3A_644] : memref<50x100xi32, #tpu.memory_space<vmem>> -> memref<1x100xi32, #tpu.memory_space<vmem>>
        %dma_wait3A_646 = tpu.memref_squeeze %dma_wait3A_645 : memref<1x100xi32, #tpu.memory_space<vmem>> -> memref<100xi32, #tpu.memory_space<vmem>>
        %dma_wait3A_647 = arith.constant 0 : i32
        %dma_wait3A_648 = arith.constant 0 : i32
        %dma_wait3A_649 = tpu.memref_slice %arg11[%dma_wait3A_647, %dma_wait3A_648] : memref<10000x128xf32, #tpu.memory_space<vmem_shared>> -> memref<10000x128xf32, #tpu.memory_space<vmem_shared>>
        tpu.wait_indirect_dma semaphore(%run_scoped3A_637 : memref<!tpu.dma_semaphore, #tpu.memory_space<semaphore_mem>>) src(%arg9 : memref<100x128xf32, #tpu.memory_space<vmem>>) dst(%dma_wait3A_649 : memref<10000x128xf32, #tpu.memory_space<vmem_shared>>)
        tpu.yield
      }) : () -> ()
      %lt3A = arith.constant 24 : i32
      %lt3A_558 = arith.cmpi slt, %scan3A_481, %lt3A : i32
      %convert_element_type3A_559 = arith.extui %lt3A_558 : i1 to i32
      %cond3A_560 = arith.constant 0 : i32
      %cond3A_561 = arith.cmpi ne, %convert_element_type3A_559, %cond3A_560 : i32
      scf.if %cond3A_561 {
        %add3A_637 = arith.constant 2 : i32
        %add3A_638 = arith.addi %mul3A_483, %add3A_637 : i32
        %dma_start3A_639 = arith.constant 0 : i32
        %dma_start3A_640 = tpu.memref_slice %arg7[%add3A_638, %dma_start3A_639] : memref<50x100xi32, #tpu.memory_space<vmem>> -> memref<1x100xi32, #tpu.memory_space<vmem>>
        %dma_start3A_641 = tpu.memref_squeeze %dma_start3A_640 : memref<1x100xi32, #tpu.memory_space<vmem>> -> memref<100xi32, #tpu.memory_space<vmem>>
        %dma_start3A_642 = arith.constant 0 : i32
        %dma_start3A_643 = arith.constant 0 : i32
        %dma_start3A_644 = tpu.memref_slice %arg2[%dma_start3A_642, %dma_start3A_643] : memref<10000x128xf32, #tpu.memory_space<hbm>> -> memref<10000x128xf32, #tpu.memory_space<hbm>>
        tpu.enqueue_indirect_dma source(%dma_start3A_644 : memref<10000x128xf32, #tpu.memory_space<hbm>>) target(%arg9 : memref<100x128xf32, #tpu.memory_space<vmem>>) offsets(%dma_start3A_641 : memref<100xi32, #tpu.memory_space<vmem>>) semaphore(%arg12 : memref<!tpu.dma_semaphore, #tpu.memory_space<semaphore_mem>>)
      } else {
      }
      %add3A_562 = arith.constant 1 : i32
      %add3A_563 = arith.addi %mul3A_483, %add3A_562 : i32
      %get3A_564 = arith.index_cast %add3A_563 : i32 to index
      %get3A_565 = arith.constant 0 : index
      %get3A_566 = tpu.vector_load %arg8[%get3A_564, %get3A_565] {strides = array<i32>} : memref<50x100xi32, #tpu.memory_space<vmem>>, vector<16xi32>,
      %shift_right_arithmetic3A_567 = arith.constant 4 : i32
      %shift_right_arithmetic3A_568 = vector.broadcast %shift_right_arithmetic3A_567 : i32 to vector<16xi32>
      %shift_right_arithmetic3A_569 = arith.shrsi %get3A_566, %shift_right_arithmetic3A_568 : vector<16xi32>
      %and3A_570 = arith.constant 15 : i32
      %and3A_571 = vector.broadcast %and3A_570 : i32 to vector<16xi32>
      %and3A_572 = arith.andi %get3A_566, %and3A_571 : vector<16xi32>
      tpu.vector_store_idx %arg14[%shift_right_arithmetic3A_569, %and3A_572], %broadcast_in_dim3A_1 {add = true} : memref<625x16xf32, #tpu.memory_space<vmem>>[vector<16xi32>, vector<16xi32>], vector<16xf32>,
      %get3A_573 = arith.index_cast %add3A_563 : i32 to index
      %get3A_574 = arith.constant 16 : index
      %get3A_575 = tpu.vector_load %arg8[%get3A_573, %get3A_574] {strides = array<i32>} : memref<50x100xi32, #tpu.memory_space<vmem>>, vector<16xi32>,
      %shift_right_arithmetic3A_576 = arith.constant 4 : i32
      %shift_right_arithmetic3A_577 = vector.broadcast %shift_right_arithmetic3A_576 : i32 to vector<16xi32>
      %shift_right_arithmetic3A_578 = arith.shrsi %get3A_575, %shift_right_arithmetic3A_577 : vector<16xi32>
      %and3A_579 = arith.constant 15 : i32
      %and3A_580 = vector.broadcast %and3A_579 : i32 to vector<16xi32>
      %and3A_581 = arith.andi %get3A_575, %and3A_580 : vector<16xi32>
      tpu.vector_store_idx %arg14[%shift_right_arithmetic3A_578, %and3A_581], %broadcast_in_dim3A_1 {add = true} : memref<625x16xf32, #tpu.memory_space<vmem>>[vector<16xi32>, vector<16xi32>], vector<16xf32>,
      %get3A_582 = arith.index_cast %add3A_563 : i32 to index
      %get3A_583 = arith.constant 32 : index
      %get3A_584 = tpu.vector_load %arg8[%get3A_582, %get3A_583] {strides = array<i32>} : memref<50x100xi32, #tpu.memory_space<vmem>>, vector<16xi32>,
      %shift_right_arithmetic3A_585 = arith.constant 4 : i32
      %shift_right_arithmetic3A_586 = vector.broadcast %shift_right_arithmetic3A_585 : i32 to vector<16xi32>
      %shift_right_arithmetic3A_587 = arith.shrsi %get3A_584, %shift_right_arithmetic3A_586 : vector<16xi32>
      %and3A_588 = arith.constant 15 : i32
      %and3A_589 = vector.broadcast %and3A_588 : i32 to vector<16xi32>
      %and3A_590 = arith.andi %get3A_584, %and3A_589 : vector<16xi32>
      tpu.vector_store_idx %arg14[%shift_right_arithmetic3A_587, %and3A_590], %broadcast_in_dim3A_1 {add = true} : memref<625x16xf32, #tpu.memory_space<vmem>>[vector<16xi32>, vector<16xi32>], vector<16xf32>,
      %get3A_591 = arith.index_cast %add3A_563 : i32 to index
      %get3A_592 = arith.constant 48 : index
      %get3A_593 = tpu.vector_load %arg8[%get3A_591, %get3A_592] {strides = array<i32>} : memref<50x100xi32, #tpu.memory_space<vmem>>, vector<16xi32>,
      %shift_right_arithmetic3A_594 = arith.constant 4 : i32
      %shift_right_arithmetic3A_595 = vector.broadcast %shift_right_arithmetic3A_594 : i32 to vector<16xi32>
      %shift_right_arithmetic3A_596 = arith.shrsi %get3A_593, %shift_right_arithmetic3A_595 : vector<16xi32>
      %and3A_597 = arith.constant 15 : i32
      %and3A_598 = vector.broadcast %and3A_597 : i32 to vector<16xi32>
      %and3A_599 = arith.andi %get3A_593, %and3A_598 : vector<16xi32>
      tpu.vector_store_idx %arg14[%shift_right_arithmetic3A_596, %and3A_599], %broadcast_in_dim3A_1 {add = true} : memref<625x16xf32, #tpu.memory_space<vmem>>[vector<16xi32>, vector<16xi32>], vector<16xf32>,
      %get3A_600 = arith.index_cast %add3A_563 : i32 to index
      %get3A_601 = arith.constant 64 : index
      %get3A_602 = tpu.vector_load %arg8[%get3A_600, %get3A_601] {strides = array<i32>} : memref<50x100xi32, #tpu.memory_space<vmem>>, vector<16xi32>,
      %shift_right_arithmetic3A_603 = arith.constant 4 : i32
      %shift_right_arithmetic3A_604 = vector.broadcast %shift_right_arithmetic3A_603 : i32 to vector<16xi32>
      %shift_right_arithmetic3A_605 = arith.shrsi %get3A_602, %shift_right_arithmetic3A_604 : vector<16xi32>
      %and3A_606 = arith.constant 15 : i32
      %and3A_607 = vector.broadcast %and3A_606 : i32 to vector<16xi32>
      %and3A_608 = arith.andi %get3A_602, %and3A_607 : vector<16xi32>
      tpu.vector_store_idx %arg14[%shift_right_arithmetic3A_605, %and3A_608], %broadcast_in_dim3A_1 {add = true} : memref<625x16xf32, #tpu.memory_space<vmem>>[vector<16xi32>, vector<16xi32>], vector<16xf32>,
      %get3A_609 = arith.index_cast %add3A_563 : i32 to index
      %get3A_610 = arith.constant 80 : index
      %get3A_611 = tpu.vector_load %arg8[%get3A_609, %get3A_610] {strides = array<i32>} : memref<50x100xi32, #tpu.memory_space<vmem>>, vector<16xi32>,
      %shift_right_arithmetic3A_612 = arith.constant 4 : i32
      %shift_right_arithmetic3A_613 = vector.broadcast %shift_right_arithmetic3A_612 : i32 to vector<16xi32>
      %shift_right_arithmetic3A_614 = arith.shrsi %get3A_611, %shift_right_arithmetic3A_613 : vector<16xi32>
      %and3A_615 = arith.constant 15 : i32
      %and3A_616 = vector.broadcast %and3A_615 : i32 to vector<16xi32>
      %and3A_617 = arith.andi %get3A_611, %and3A_616 : vector<16xi32>
      tpu.vector_store_idx %arg14[%shift_right_arithmetic3A_614, %and3A_617], %broadcast_in_dim3A_1 {add = true} : memref<625x16xf32, #tpu.memory_space<vmem>>[vector<16xi32>, vector<16xi32>], vector<16xf32>,
      %get3A_618 = arith.index_cast %add3A_563 : i32 to index
      %get3A_619 = arith.constant 84 : index
      %get3A_620 = tpu.vector_load %arg8[%get3A_618, %get3A_619] {strides = array<i32>} : memref<50x100xi32, #tpu.memory_space<vmem>>, vector<16xi32>,
      %shift_right_arithmetic3A_621 = arith.constant 4 : i32
      %shift_right_arithmetic3A_622 = vector.broadcast %shift_right_arithmetic3A_621 : i32 to vector<16xi32>
      %shift_right_arithmetic3A_623 = arith.shrsi %get3A_620, %shift_right_arithmetic3A_622 : vector<16xi32>
      %and3A_624 = arith.constant 15 : i32
      %and3A_625 = vector.broadcast %and3A_624 : i32 to vector<16xi32>
      %and3A_626 = arith.andi %get3A_620, %and3A_625 : vector<16xi32>
      tpu.vector_store_idx %arg14[%shift_right_arithmetic3A_623, %and3A_626], %broadcast_in_dim3A_1 masked %ge3A_3 {add = true} : memref<625x16xf32, #tpu.memory_space<vmem>>[vector<16xi32>, vector<16xi32>], vector<16xf32>, vector<16xi1>
      %add3A_627 = arith.constant 1 : i32
      %add3A_628 = arith.addi %mul3A_483, %add3A_627 : i32
      %dma_wait3A_629 = arith.constant 0 : i32
      %dma_wait3A_630 = tpu.memref_slice %arg7[%add3A_628, %dma_wait3A_629] : memref<50x100xi32, #tpu.memory_space<vmem>> -> memref<1x100xi32, #tpu.memory_space<vmem>>
      %dma_wait3A_631 = tpu.memref_squeeze %dma_wait3A_630 : memref<1x100xi32, #tpu.memory_space<vmem>> -> memref<100xi32, #tpu.memory_space<vmem>>
      %dma_wait3A_632 = arith.constant 0 : i32
      %dma_wait3A_633 = arith.constant 0 : i32
      %dma_wait3A_634 = tpu.memref_slice %arg2[%dma_wait3A_632, %dma_wait3A_633] : memref<10000x128xf32, #tpu.memory_space<hbm>> -> memref<10000x128xf32, #tpu.memory_space<hbm>>
      tpu.wait_indirect_dma semaphore(%arg13 : memref<!tpu.dma_semaphore, #tpu.memory_space<semaphore_mem>>) src(%dma_wait3A_634 : memref<10000x128xf32, #tpu.memory_space<hbm>>) dst(%arg10 : memref<100x128xf32, #tpu.memory_space<vmem>>)
      %add3A_635 = arith.constant 1 : i32
      %add3A_636 = arith.addi %mul3A_483, %add3A_635 : i32
      "tpu.region"() ({
        %run_scoped3A_637 = tpu.sem_alloc : memref<!tpu.dma_semaphore, #tpu.memory_space<semaphore_mem>>
        %dma_start3A_638 = arith.constant 0 : i32
        %dma_start3A_639 = tpu.memref_slice %arg8[%add3A_636, %dma_start3A_638] : memref<50x100xi32, #tpu.memory_space<vmem>> -> memref<1x100xi32, #tpu.memory_space<vmem>>
        %dma_start3A_640 = tpu.memref_squeeze %dma_start3A_639 : memref<1x100xi32, #tpu.memory_space<vmem>> -> memref<100xi32, #tpu.memory_space<vmem>>
        %dma_start3A_641 = arith.constant 0 : i32
        %dma_start3A_642 = arith.constant 0 : i32
        %dma_start3A_643 = tpu.memref_slice %arg11[%dma_start3A_641, %dma_start3A_642] : memref<10000x128xf32, #tpu.memory_space<vmem_shared>> -> memref<10000x128xf32, #tpu.memory_space<vmem_shared>>
        tpu.enqueue_indirect_dma source(%arg10 : memref<100x128xf32, #tpu.memory_space<vmem>>) target(%dma_start3A_643 : memref<10000x128xf32, #tpu.memory_space<vmem_shared>>) offsets(%dma_start3A_640 : memref<100xi32, #tpu.memory_space<vmem>>) semaphore(%run_scoped3A_637 : memref<!tpu.dma_semaphore, #tpu.memory_space<semaphore_mem>>) {add = true}
        %dma_wait3A_644 = arith.constant 0 : i32
        %dma_wait3A_645 = tpu.memref_slice %arg8[%add3A_636, %dma_wait3A_644] : memref<50x100xi32, #tpu.memory_space<vmem>> -> memref<1x100xi32, #tpu.memory_space<vmem>>
        %dma_wait3A_646 = tpu.memref_squeeze %dma_wait3A_645 : memref<1x100xi32, #tpu.memory_space<vmem>> -> memref<100xi32, #tpu.memory_space<vmem>>
        %dma_wait3A_647 = arith.constant 0 : i32
        %dma_wait3A_648 = arith.constant 0 : i32
        %dma_wait3A_649 = tpu.memref_slice %arg11[%dma_wait3A_647, %dma_wait3A_648] : memref<10000x128xf32, #tpu.memory_space<vmem_shared>> -> memref<10000x128xf32, #tpu.memory_space<vmem_shared>>
        tpu.wait_indirect_dma semaphore(%run_scoped3A_637 : memref<!tpu.dma_semaphore, #tpu.memory_space<semaphore_mem>>) src(%arg10 : memref<100x128xf32, #tpu.memory_space<vmem>>) dst(%dma_wait3A_649 : memref<10000x128xf32, #tpu.memory_space<vmem_shared>>)
        tpu.yield
      }) : () -> ()
    }
    %scan3A_426 = arith.constant 25 : i32
    %mul3A_427 = arith.constant 100 : i32
    %mul3A_428 = arith.muli %add3A, %mul3A_427 : i32
    %add3A_429 = arith.constant 50 : i32
    %add3A_430 = arith.addi %mul3A_428, %add3A_429 : i32
    %mul3A_431 = arith.constant 100 : i32
    %mul3A_432 = arith.muli %add3A, %mul3A_431 : i32
    %add3A_433 = arith.constant 50 : i32
    %add3A_434 = arith.addi %mul3A_432, %add3A_433 : i32
    %dma_start3A_435 = arith.constant 0 : i32
    %dma_start3A_436 = tpu.memref_slice %arg3[%add3A_430, %dma_start3A_435] : memref<3200x100xi32, #tpu.memory_space<hbm>> -> memref<50x100xi32, #tpu.memory_space<hbm>>
    %dma_start3A_437 = arith.constant 0 : i32
    %dma_start3A_438 = tpu.memref_slice %arg3[%add3A_430, %dma_start3A_437] : memref<3200x100xi32, #tpu.memory_space<hbm>> -> memref<50x100xi32, #tpu.memory_space<hbm>>
    tpu.enqueue_dma source(%dma_start3A_438 : memref<50x100xi32, #tpu.memory_space<hbm>>) target(%arg7 : memref<50x100xi32, #tpu.memory_space<vmem>>) target_semaphore(%arg12 : memref<!tpu.dma_semaphore, #tpu.memory_space<semaphore_mem>>)
    %dma_start3A_439 = arith.constant 0 : i32
    %dma_start3A_440 = tpu.memref_slice %arg4[%add3A_434, %dma_start3A_439] : memref<3200x100xi32, #tpu.memory_space<hbm>> -> memref<50x100xi32, #tpu.memory_space<hbm>>
    %dma_start3A_441 = arith.constant 0 : i32
    %dma_start3A_442 = tpu.memref_slice %arg4[%add3A_434, %dma_start3A_441] : memref<3200x100xi32, #tpu.memory_space<hbm>> -> memref<50x100xi32, #tpu.memory_space<hbm>>
    tpu.enqueue_dma source(%dma_start3A_442 : memref<50x100xi32, #tpu.memory_space<hbm>>) target(%arg8 : memref<50x100xi32, #tpu.memory_space<vmem>>) target_semaphore(%arg13 : memref<!tpu.dma_semaphore, #tpu.memory_space<semaphore_mem>>)
    %dma_wait3A_443 = arith.constant 0 : i32
    %dma_wait3A_444 = tpu.memref_slice %arg3[%add3A_430, %dma_wait3A_443] : memref<3200x100xi32, #tpu.memory_space<hbm>> -> memref<50x100xi32, #tpu.memory_space<hbm>>
    %dma_wait3A_445 = arith.constant 0 : i32
    %dma_wait3A_446 = tpu.memref_slice %arg3[%add3A_430, %dma_wait3A_445] : memref<3200x100xi32, #tpu.memory_space<hbm>> -> memref<50x100xi32, #tpu.memory_space<hbm>>
    tpu.wait_dma2 semaphore(%arg12 : memref<!tpu.dma_semaphore, #tpu.memory_space<semaphore_mem>>) src(%dma_wait3A_446 : memref<50x100xi32, #tpu.memory_space<hbm>>) dst(%arg7 : memref<50x100xi32, #tpu.memory_space<vmem>>)
    %dma_wait3A_447 = arith.constant 0 : i32
    %dma_wait3A_448 = tpu.memref_slice %arg4[%add3A_434, %dma_wait3A_447] : memref<3200x100xi32, #tpu.memory_space<hbm>> -> memref<50x100xi32, #tpu.memory_space<hbm>>
    %dma_wait3A_449 = arith.constant 0 : i32
    %dma_wait3A_450 = tpu.memref_slice %arg4[%add3A_434, %dma_wait3A_449] : memref<3200x100xi32, #tpu.memory_space<hbm>> -> memref<50x100xi32, #tpu.memory_space<hbm>>
    tpu.wait_dma2 semaphore(%arg13 : memref<!tpu.dma_semaphore, #tpu.memory_space<semaphore_mem>>) src(%dma_wait3A_450 : memref<50x100xi32, #tpu.memory_space<hbm>>) dst(%arg8 : memref<50x100xi32, #tpu.memory_space<vmem>>)
    %dma_start3A_451 = arith.constant 0 : i32
    %dma_start3A_452 = arith.constant 0 : i32
    %dma_start3A_453 = tpu.memref_slice %arg7[%dma_start3A_451, %dma_start3A_452] : memref<50x100xi32, #tpu.memory_space<vmem>> -> memref<1x100xi32, #tpu.memory_space<vmem>>
    %dma_start3A_454 = tpu.memref_squeeze %dma_start3A_453 : memref<1x100xi32, #tpu.memory_space<vmem>> -> memref<100xi32, #tpu.memory_space<vmem>>
    %dma_start3A_455 = arith.constant 0 : i32
    %dma_start3A_456 = arith.constant 0 : i32
    %dma_start3A_457 = tpu.memref_slice %arg2[%dma_start3A_455, %dma_start3A_456] : memref<10000x128xf32, #tpu.memory_space<hbm>> -> memref<10000x128xf32, #tpu.memory_space<hbm>>
    tpu.enqueue_indirect_dma source(%dma_start3A_457 : memref<10000x128xf32, #tpu.memory_space<hbm>>) target(%arg9 : memref<100x128xf32, #tpu.memory_space<vmem>>) offsets(%dma_start3A_454 : memref<100xi32, #tpu.memory_space<vmem>>) semaphore(%arg12 : memref<!tpu.dma_semaphore, #tpu.memory_space<semaphore_mem>>)
    %scan3A_458 = arith.constant 0 : i32
    %scan3A_459 = arith.constant 0 : i32
    %scan3A_460 = arith.constant 25 : i32
    %scan3A_461 = arith.addi %scan3A_459, %scan3A_460 : i32
    %scan3A_462 = arith.constant 1 : i32
    scf.for %scan3A_481 = %scan3A_459 to %scan3A_461 step %scan3A_462  : i32 {
      %mul3A_482 = arith.constant 2 : i32
      %mul3A_483 = arith.muli %mul3A_482, %scan3A_481 : i32
      %add3A_484 = arith.constant 1 : i32
      %add3A_485 = arith.addi %mul3A_483, %add3A_484 : i32
      %dma_start3A_486 = arith.constant 0 : i32
      %dma_start3A_487 = tpu.memref_slice %arg7[%add3A_485, %dma_start3A_486] : memref<50x100xi32, #tpu.memory_space<vmem>> -> memref<1x100xi32, #tpu.memory_space<vmem>>
      %dma_start3A_488 = tpu.memref_squeeze %dma_start3A_487 : memref<1x100xi32, #tpu.memory_space<vmem>> -> memref<100xi32, #tpu.memory_space<vmem>>
      %dma_start3A_489 = arith.constant 0 : i32
      %dma_start3A_490 = arith.constant 0 : i32
      %dma_start3A_491 = tpu.memref_slice %arg2[%dma_start3A_489, %dma_start3A_490] : memref<10000x128xf32, #tpu.memory_space<hbm>> -> memref<10000x128xf32, #tpu.memory_space<hbm>>
      tpu.enqueue_indirect_dma source(%dma_start3A_491 : memref<10000x128xf32, #tpu.memory_space<hbm>>) target(%arg10 : memref<100x128xf32, #tpu.memory_space<vmem>>) offsets(%dma_start3A_488 : memref<100xi32, #tpu.memory_space<vmem>>) semaphore(%arg13 : memref<!tpu.dma_semaphore, #tpu.memory_space<semaphore_mem>>)
      %get3A = arith.index_cast %mul3A_483 : i32 to index
      %get3A_492 = arith.constant 0 : index
      %get3A_493 = tpu.vector_load %arg8[%get3A, %get3A_492] {strides = array<i32>} : memref<50x100xi32, #tpu.memory_space<vmem>>, vector<16xi32>,
      %shift_right_arithmetic3A = arith.constant 4 : i32
      %shift_right_arithmetic3A_494 = vector.broadcast %shift_right_arithmetic3A : i32 to vector<16xi32>
      %shift_right_arithmetic3A_495 = arith.shrsi %get3A_493, %shift_right_arithmetic3A_494 : vector<16xi32>
      %and3A = arith.constant 15 : i32
      %and3A_496 = vector.broadcast %and3A : i32 to vector<16xi32>
      %and3A_497 = arith.andi %get3A_493, %and3A_496 : vector<16xi32>
      tpu.vector_store_idx %arg14[%shift_right_arithmetic3A_495, %and3A_497], %broadcast_in_dim3A_1 {add = true} : memref<625x16xf32, #tpu.memory_space<vmem>>[vector<16xi32>, vector<16xi32>], vector<16xf32>,
      %get3A_498 = arith.index_cast %mul3A_483 : i32 to index
      %get3A_499 = arith.constant 16 : index
      %get3A_500 = tpu.vector_load %arg8[%get3A_498, %get3A_499] {strides = array<i32>} : memref<50x100xi32, #tpu.memory_space<vmem>>, vector<16xi32>,
      %shift_right_arithmetic3A_501 = arith.constant 4 : i32
      %shift_right_arithmetic3A_502 = vector.broadcast %shift_right_arithmetic3A_501 : i32 to vector<16xi32>
      %shift_right_arithmetic3A_503 = arith.shrsi %get3A_500, %shift_right_arithmetic3A_502 : vector<16xi32>
      %and3A_504 = arith.constant 15 : i32
      %and3A_505 = vector.broadcast %and3A_504 : i32 to vector<16xi32>
      %and3A_506 = arith.andi %get3A_500, %and3A_505 : vector<16xi32>
      tpu.vector_store_idx %arg14[%shift_right_arithmetic3A_503, %and3A_506], %broadcast_in_dim3A_1 {add = true} : memref<625x16xf32, #tpu.memory_space<vmem>>[vector<16xi32>, vector<16xi32>], vector<16xf32>,
      %get3A_507 = arith.index_cast %mul3A_483 : i32 to index
      %get3A_508 = arith.constant 32 : index
      %get3A_509 = tpu.vector_load %arg8[%get3A_507, %get3A_508] {strides = array<i32>} : memref<50x100xi32, #tpu.memory_space<vmem>>, vector<16xi32>,
      %shift_right_arithmetic3A_510 = arith.constant 4 : i32
      %shift_right_arithmetic3A_511 = vector.broadcast %shift_right_arithmetic3A_510 : i32 to vector<16xi32>
      %shift_right_arithmetic3A_512 = arith.shrsi %get3A_509, %shift_right_arithmetic3A_511 : vector<16xi32>
      %and3A_513 = arith.constant 15 : i32
      %and3A_514 = vector.broadcast %and3A_513 : i32 to vector<16xi32>
      %and3A_515 = arith.andi %get3A_509, %and3A_514 : vector<16xi32>
      tpu.vector_store_idx %arg14[%shift_right_arithmetic3A_512, %and3A_515], %broadcast_in_dim3A_1 {add = true} : memref<625x16xf32, #tpu.memory_space<vmem>>[vector<16xi32>, vector<16xi32>], vector<16xf32>,
      %get3A_516 = arith.index_cast %mul3A_483 : i32 to index
      %get3A_517 = arith.constant 48 : index
      %get3A_518 = tpu.vector_load %arg8[%get3A_516, %get3A_517] {strides = array<i32>} : memref<50x100xi32, #tpu.memory_space<vmem>>, vector<16xi32>,
      %shift_right_arithmetic3A_519 = arith.constant 4 : i32
      %shift_right_arithmetic3A_520 = vector.broadcast %shift_right_arithmetic3A_519 : i32 to vector<16xi32>
      %shift_right_arithmetic3A_521 = arith.shrsi %get3A_518, %shift_right_arithmetic3A_520 : vector<16xi32>
      %and3A_522 = arith.constant 15 : i32
      %and3A_523 = vector.broadcast %and3A_522 : i32 to vector<16xi32>
      %and3A_524 = arith.andi %get3A_518, %and3A_523 : vector<16xi32>
      tpu.vector_store_idx %arg14[%shift_right_arithmetic3A_521, %and3A_524], %broadcast_in_dim3A_1 {add = true} : memref<625x16xf32, #tpu.memory_space<vmem>>[vector<16xi32>, vector<16xi32>], vector<16xf32>,
      %get3A_525 = arith.index_cast %mul3A_483 : i32 to index
      %get3A_526 = arith.constant 64 : index
      %get3A_527 = tpu.vector_load %arg8[%get3A_525, %get3A_526] {strides = array<i32>} : memref<50x100xi32, #tpu.memory_space<vmem>>, vector<16xi32>,
      %shift_right_arithmetic3A_528 = arith.constant 4 : i32
      %shift_right_arithmetic3A_529 = vector.broadcast %shift_right_arithmetic3A_528 : i32 to vector<16xi32>
      %shift_right_arithmetic3A_530 = arith.shrsi %get3A_527, %shift_right_arithmetic3A_529 : vector<16xi32>
      %and3A_531 = arith.constant 15 : i32
      %and3A_532 = vector.broadcast %and3A_531 : i32 to vector<16xi32>
      %and3A_533 = arith.andi %get3A_527, %and3A_532 : vector<16xi32>
      tpu.vector_store_idx %arg14[%shift_right_arithmetic3A_530, %and3A_533], %broadcast_in_dim3A_1 {add = true} : memref<625x16xf32, #tpu.memory_space<vmem>>[vector<16xi32>, vector<16xi32>], vector<16xf32>,
      %get3A_534 = arith.index_cast %mul3A_483 : i32 to index
      %get3A_535 = arith.constant 80 : index
      %get3A_536 = tpu.vector_load %arg8[%get3A_534, %get3A_535] {strides = array<i32>} : memref<50x100xi32, #tpu.memory_space<vmem>>, vector<16xi32>,
      %shift_right_arithmetic3A_537 = arith.constant 4 : i32
      %shift_right_arithmetic3A_538 = vector.broadcast %shift_right_arithmetic3A_537 : i32 to vector<16xi32>
      %shift_right_arithmetic3A_539 = arith.shrsi %get3A_536, %shift_right_arithmetic3A_538 : vector<16xi32>
      %and3A_540 = arith.constant 15 : i32
      %and3A_541 = vector.broadcast %and3A_540 : i32 to vector<16xi32>
      %and3A_542 = arith.andi %get3A_536, %and3A_541 : vector<16xi32>
      tpu.vector_store_idx %arg14[%shift_right_arithmetic3A_539, %and3A_542], %broadcast_in_dim3A_1 {add = true} : memref<625x16xf32, #tpu.memory_space<vmem>>[vector<16xi32>, vector<16xi32>], vector<16xf32>,
      %get3A_543 = arith.index_cast %mul3A_483 : i32 to index
      %get3A_544 = arith.constant 84 : index
      %get3A_545 = tpu.vector_load %arg8[%get3A_543, %get3A_544] {strides = array<i32>} : memref<50x100xi32, #tpu.memory_space<vmem>>, vector<16xi32>,
      %shift_right_arithmetic3A_546 = arith.constant 4 : i32
      %shift_right_arithmetic3A_547 = vector.broadcast %shift_right_arithmetic3A_546 : i32 to vector<16xi32>
      %shift_right_arithmetic3A_548 = arith.shrsi %get3A_545, %shift_right_arithmetic3A_547 : vector<16xi32>
      %and3A_549 = arith.constant 15 : i32
      %and3A_550 = vector.broadcast %and3A_549 : i32 to vector<16xi32>
      %and3A_551 = arith.andi %get3A_545, %and3A_550 : vector<16xi32>
      tpu.vector_store_idx %arg14[%shift_right_arithmetic3A_548, %and3A_551], %broadcast_in_dim3A_1 masked %ge3A_3 {add = true} : memref<625x16xf32, #tpu.memory_space<vmem>>[vector<16xi32>, vector<16xi32>], vector<16xf32>, vector<16xi1>
      %dma_wait3A_552 = arith.constant 0 : i32
      %dma_wait3A_553 = tpu.memref_slice %arg7[%mul3A_483, %dma_wait3A_552] : memref<50x100xi32, #tpu.memory_space<vmem>> -> memref<1x100xi32, #tpu.memory_space<vmem>>
      %dma_wait3A_554 = tpu.memref_squeeze %dma_wait3A_553 : memref<1x100xi32, #tpu.memory_space<vmem>> -> memref<100xi32, #tpu.memory_space<vmem>>
      %dma_wait3A_555 = arith.constant 0 : i32
      %dma_wait3A_556 = arith.constant 0 : i32
      %dma_wait3A_557 = tpu.memref_slice %arg2[%dma_wait3A_555, %dma_wait3A_556] : memref<10000x128xf32, #tpu.memory_space<hbm>> -> memref<10000x128xf32, #tpu.memory_space<hbm>>
      tpu.wait_indirect_dma semaphore(%arg12 : memref<!tpu.dma_semaphore, #tpu.memory_space<semaphore_mem>>) src(%dma_wait3A_557 : memref<10000x128xf32, #tpu.memory_space<hbm>>) dst(%arg9 : memref<100x128xf32, #tpu.memory_space<vmem>>)
      "tpu.region"() ({
        %run_scoped3A_637 = tpu.sem_alloc : memref<!tpu.dma_semaphore, #tpu.memory_space<semaphore_mem>>
        %dma_start3A_638 = arith.constant 0 : i32
        %dma_start3A_639 = tpu.memref_slice %arg8[%mul3A_483, %dma_start3A_638] : memref<50x100xi32, #tpu.memory_space<vmem>> -> memref<1x100xi32, #tpu.memory_space<vmem>>
        %dma_start3A_640 = tpu.memref_squeeze %dma_start3A_639 : memref<1x100xi32, #tpu.memory_space<vmem>> -> memref<100xi32, #tpu.memory_space<vmem>>
        %dma_start3A_641 = arith.constant 0 : i32
        %dma_start3A_642 = arith.constant 0 : i32
        %dma_start3A_643 = tpu.memref_slice %arg11[%dma_start3A_641, %dma_start3A_642] : memref<10000x128xf32, #tpu.memory_space<vmem_shared>> -> memref<10000x128xf32, #tpu.memory_space<vmem_shared>>
        tpu.enqueue_indirect_dma source(%arg9 : memref<100x128xf32, #tpu.memory_space<vmem>>) target(%dma_start3A_643 : memref<10000x128xf32, #tpu.memory_space<vmem_shared>>) offsets(%dma_start3A_640 : memref<100xi32, #tpu.memory_space<vmem>>) semaphore(%run_scoped3A_637 : memref<!tpu.dma_semaphore, #tpu.memory_space<semaphore_mem>>) {add = true}
        %dma_wait3A_644 = arith.constant 0 : i32
        %dma_wait3A_645 = tpu.memref_slice %arg8[%mul3A_483, %dma_wait3A_644] : memref<50x100xi32, #tpu.memory_space<vmem>> -> memref<1x100xi32, #tpu.memory_space<vmem>>
        %dma_wait3A_646 = tpu.memref_squeeze %dma_wait3A_645 : memref<1x100xi32, #tpu.memory_space<vmem>> -> memref<100xi32, #tpu.memory_space<vmem>>
        %dma_wait3A_647 = arith.constant 0 : i32
        %dma_wait3A_648 = arith.constant 0 : i32
        %dma_wait3A_649 = tpu.memref_slice %arg11[%dma_wait3A_647, %dma_wait3A_648] : memref<10000x128xf32, #tpu.memory_space<vmem_shared>> -> memref<10000x128xf32, #tpu.memory_space<vmem_shared>>
        tpu.wait_indirect_dma semaphore(%run_scoped3A_637 : memref<!tpu.dma_semaphore, #tpu.memory_space<semaphore_mem>>) src(%arg9 : memref<100x128xf32, #tpu.memory_space<vmem>>) dst(%dma_wait3A_649 : memref<10000x128xf32, #tpu.memory_space<vmem_shared>>)
        tpu.yield
      }) : () -> ()
      %lt3A = arith.constant 24 : i32
      %lt3A_558 = arith.cmpi slt, %scan3A_481, %lt3A : i32
      %convert_element_type3A_559 = arith.extui %lt3A_558 : i1 to i32
      %cond3A_560 = arith.constant 0 : i32
      %cond3A_561 = arith.cmpi ne, %convert_element_type3A_559, %cond3A_560 : i32
      scf.if %cond3A_561 {
        %add3A_637 = arith.constant 2 : i32
        %add3A_638 = arith.addi %mul3A_483, %add3A_637 : i32
        %dma_start3A_639 = arith.constant 0 : i32
        %dma_start3A_640 = tpu.memref_slice %arg7[%add3A_638, %dma_start3A_639] : memref<50x100xi32, #tpu.memory_space<vmem>> -> memref<1x100xi32, #tpu.memory_space<vmem>>
        %dma_start3A_641 = tpu.memref_squeeze %dma_start3A_640 : memref<1x100xi32, #tpu.memory_space<vmem>> -> memref<100xi32, #tpu.memory_space<vmem>>
        %dma_start3A_642 = arith.constant 0 : i32
        %dma_start3A_643 = arith.constant 0 : i32
        %dma_start3A_644 = tpu.memref_slice %arg2[%dma_start3A_642, %dma_start3A_643] : memref<10000x128xf32, #tpu.memory_space<hbm>> -> memref<10000x128xf32, #tpu.memory_space<hbm>>
        tpu.enqueue_indirect_dma source(%dma_start3A_644 : memref<10000x128xf32, #tpu.memory_space<hbm>>) target(%arg9 : memref<100x128xf32, #tpu.memory_space<vmem>>) offsets(%dma_start3A_641 : memref<100xi32, #tpu.memory_space<vmem>>) semaphore(%arg12 : memref<!tpu.dma_semaphore, #tpu.memory_space<semaphore_mem>>)
      } else {
      }
      %add3A_562 = arith.constant 1 : i32
      %add3A_563 = arith.addi %mul3A_483, %add3A_562 : i32
      %get3A_564 = arith.index_cast %add3A_563 : i32 to index
      %get3A_565 = arith.constant 0 : index
      %get3A_566 = tpu.vector_load %arg8[%get3A_564, %get3A_565] {strides = array<i32>} : memref<50x100xi32, #tpu.memory_space<vmem>>, vector<16xi32>,
      %shift_right_arithmetic3A_567 = arith.constant 4 : i32
      %shift_right_arithmetic3A_568 = vector.broadcast %shift_right_arithmetic3A_567 : i32 to vector<16xi32>
      %shift_right_arithmetic3A_569 = arith.shrsi %get3A_566, %shift_right_arithmetic3A_568 : vector<16xi32>
      %and3A_570 = arith.constant 15 : i32
      %and3A_571 = vector.broadcast %and3A_570 : i32 to vector<16xi32>
      %and3A_572 = arith.andi %get3A_566, %and3A_571 : vector<16xi32>
      tpu.vector_store_idx %arg14[%shift_right_arithmetic3A_569, %and3A_572], %broadcast_in_dim3A_1 {add = true} : memref<625x16xf32, #tpu.memory_space<vmem>>[vector<16xi32>, vector<16xi32>], vector<16xf32>,
      %get3A_573 = arith.index_cast %add3A_563 : i32 to index
      %get3A_574 = arith.constant 16 : index
      %get3A_575 = tpu.vector_load %arg8[%get3A_573, %get3A_574] {strides = array<i32>} : memref<50x100xi32, #tpu.memory_space<vmem>>, vector<16xi32>,
      %shift_right_arithmetic3A_576 = arith.constant 4 : i32
      %shift_right_arithmetic3A_577 = vector.broadcast %shift_right_arithmetic3A_576 : i32 to vector<16xi32>
      %shift_right_arithmetic3A_578 = arith.shrsi %get3A_575, %shift_right_arithmetic3A_577 : vector<16xi32>
      %and3A_579 = arith.constant 15 : i32
      %and3A_580 = vector.broadcast %and3A_579 : i32 to vector<16xi32>
      %and3A_581 = arith.andi %get3A_575, %and3A_580 : vector<16xi32>
      tpu.vector_store_idx %arg14[%shift_right_arithmetic3A_578, %and3A_581], %broadcast_in_dim3A_1 {add = true} : memref<625x16xf32, #tpu.memory_space<vmem>>[vector<16xi32>, vector<16xi32>], vector<16xf32>,
      %get3A_582 = arith.index_cast %add3A_563 : i32 to index
      %get3A_583 = arith.constant 32 : index
      %get3A_584 = tpu.vector_load %arg8[%get3A_582, %get3A_583] {strides = array<i32>} : memref<50x100xi32, #tpu.memory_space<vmem>>, vector<16xi32>,
      %shift_right_arithmetic3A_585 = arith.constant 4 : i32
      %shift_right_arithmetic3A_586 = vector.broadcast %shift_right_arithmetic3A_585 : i32 to vector<16xi32>
      %shift_right_arithmetic3A_587 = arith.shrsi %get3A_584, %shift_right_arithmetic3A_586 : vector<16xi32>
      %and3A_588 = arith.constant 15 : i32
      %and3A_589 = vector.broadcast %and3A_588 : i32 to vector<16xi32>
      %and3A_590 = arith.andi %get3A_584, %and3A_589 : vector<16xi32>
      tpu.vector_store_idx %arg14[%shift_right_arithmetic3A_587, %and3A_590], %broadcast_in_dim3A_1 {add = true} : memref<625x16xf32, #tpu.memory_space<vmem>>[vector<16xi32>, vector<16xi32>], vector<16xf32>,
      %get3A_591 = arith.index_cast %add3A_563 : i32 to index
      %get3A_592 = arith.constant 48 : index
      %get3A_593 = tpu.vector_load %arg8[%get3A_591, %get3A_592] {strides = array<i32>} : memref<50x100xi32, #tpu.memory_space<vmem>>, vector<16xi32>,
      %shift_right_arithmetic3A_594 = arith.constant 4 : i32
      %shift_right_arithmetic3A_595 = vector.broadcast %shift_right_arithmetic3A_594 : i32 to vector<16xi32>
      %shift_right_arithmetic3A_596 = arith.shrsi %get3A_593, %shift_right_arithmetic3A_595 : vector<16xi32>
      %and3A_597 = arith.constant 15 : i32
      %and3A_598 = vector.broadcast %and3A_597 : i32 to vector<16xi32>
      %and3A_599 = arith.andi %get3A_593, %and3A_598 : vector<16xi32>
      tpu.vector_store_idx %arg14[%shift_right_arithmetic3A_596, %and3A_599], %broadcast_in_dim3A_1 {add = true} : memref<625x16xf32, #tpu.memory_space<vmem>>[vector<16xi32>, vector<16xi32>], vector<16xf32>,
      %get3A_600 = arith.index_cast %add3A_563 : i32 to index
      %get3A_601 = arith.constant 64 : index
      %get3A_602 = tpu.vector_load %arg8[%get3A_600, %get3A_601] {strides = array<i32>} : memref<50x100xi32, #tpu.memory_space<vmem>>, vector<16xi32>,
      %shift_right_arithmetic3A_603 = arith.constant 4 : i32
      %shift_right_arithmetic3A_604 = vector.broadcast %shift_right_arithmetic3A_603 : i32 to vector<16xi32>
      %shift_right_arithmetic3A_605 = arith.shrsi %get3A_602, %shift_right_arithmetic3A_604 : vector<16xi32>
      %and3A_606 = arith.constant 15 : i32
      %and3A_607 = vector.broadcast %and3A_606 : i32 to vector<16xi32>
      %and3A_608 = arith.andi %get3A_602, %and3A_607 : vector<16xi32>
      tpu.vector_store_idx %arg14[%shift_right_arithmetic3A_605, %and3A_608], %broadcast_in_dim3A_1 {add = true} : memref<625x16xf32, #tpu.memory_space<vmem>>[vector<16xi32>, vector<16xi32>], vector<16xf32>,
      %get3A_609 = arith.index_cast %add3A_563 : i32 to index
      %get3A_610 = arith.constant 80 : index
      %get3A_611 = tpu.vector_load %arg8[%get3A_609, %get3A_610] {strides = array<i32>} : memref<50x100xi32, #tpu.memory_space<vmem>>, vector<16xi32>,
      %shift_right_arithmetic3A_612 = arith.constant 4 : i32
      %shift_right_arithmetic3A_613 = vector.broadcast %shift_right_arithmetic3A_612 : i32 to vector<16xi32>
      %shift_right_arithmetic3A_614 = arith.shrsi %get3A_611, %shift_right_arithmetic3A_613 : vector<16xi32>
      %and3A_615 = arith.constant 15 : i32
      %and3A_616 = vector.broadcast %and3A_615 : i32 to vector<16xi32>
      %and3A_617 = arith.andi %get3A_611, %and3A_616 : vector<16xi32>
      tpu.vector_store_idx %arg14[%shift_right_arithmetic3A_614, %and3A_617], %broadcast_in_dim3A_1 {add = true} : memref<625x16xf32, #tpu.memory_space<vmem>>[vector<16xi32>, vector<16xi32>], vector<16xf32>,
      %get3A_618 = arith.index_cast %add3A_563 : i32 to index
      %get3A_619 = arith.constant 84 : index
      %get3A_620 = tpu.vector_load %arg8[%get3A_618, %get3A_619] {strides = array<i32>} : memref<50x100xi32, #tpu.memory_space<vmem>>, vector<16xi32>,
      %shift_right_arithmetic3A_621 = arith.constant 4 : i32
      %shift_right_arithmetic3A_622 = vector.broadcast %shift_right_arithmetic3A_621 : i32 to vector<16xi32>
      %shift_right_arithmetic3A_623 = arith.shrsi %get3A_620, %shift_right_arithmetic3A_622 : vector<16xi32>
      %and3A_624 = arith.constant 15 : i32
      %and3A_625 = vector.broadcast %and3A_624 : i32 to vector<16xi32>
      %and3A_626 = arith.andi %get3A_620, %and3A_625 : vector<16xi32>
      tpu.vector_store_idx %arg14[%shift_right_arithmetic3A_623, %and3A_626], %broadcast_in_dim3A_1 masked %ge3A_3 {add = true} : memref<625x16xf32, #tpu.memory_space<vmem>>[vector<16xi32>, vector<16xi32>], vector<16xf32>, vector<16xi1>
      %add3A_627 = arith.constant 1 : i32
      %add3A_628 = arith.addi %mul3A_483, %add3A_627 : i32
      %dma_wait3A_629 = arith.constant 0 : i32
      %dma_wait3A_630 = tpu.memref_slice %arg7[%add3A_628, %dma_wait3A_629] : memref<50x100xi32, #tpu.memory_space<vmem>> -> memref<1x100xi32, #tpu.memory_space<vmem>>
      %dma_wait3A_631 = tpu.memref_squeeze %dma_wait3A_630 : memref<1x100xi32, #tpu.memory_space<vmem>> -> memref<100xi32, #tpu.memory_space<vmem>>
      %dma_wait3A_632 = arith.constant 0 : i32
      %dma_wait3A_633 = arith.constant 0 : i32
      %dma_wait3A_634 = tpu.memref_slice %arg2[%dma_wait3A_632, %dma_wait3A_633] : memref<10000x128xf32, #tpu.memory_space<hbm>> -> memref<10000x128xf32, #tpu.memory_space<hbm>>
      tpu.wait_indirect_dma semaphore(%arg13 : memref<!tpu.dma_semaphore, #tpu.memory_space<semaphore_mem>>) src(%dma_wait3A_634 : memref<10000x128xf32, #tpu.memory_space<hbm>>) dst(%arg10 : memref<100x128xf32, #tpu.memory_space<vmem>>)
      %add3A_635 = arith.constant 1 : i32
      %add3A_636 = arith.addi %mul3A_483, %add3A_635 : i32
      "tpu.region"() ({
        %run_scoped3A_637 = tpu.sem_alloc : memref<!tpu.dma_semaphore, #tpu.memory_space<semaphore_mem>>
        %dma_start3A_638 = arith.constant 0 : i32
        %dma_start3A_639 = tpu.memref_slice %arg8[%add3A_636, %dma_start3A_638] : memref<50x100xi32, #tpu.memory_space<vmem>> -> memref<1x100xi32, #tpu.memory_space<vmem>>
        %dma_start3A_640 = tpu.memref_squeeze %dma_start3A_639 : memref<1x100xi32, #tpu.memory_space<vmem>> -> memref<100xi32, #tpu.memory_space<vmem>>
        %dma_start3A_641 = arith.constant 0 : i32
        %dma_start3A_642 = arith.constant 0 : i32
        %dma_start3A_643 = tpu.memref_slice %arg11[%dma_start3A_641, %dma_start3A_642] : memref<10000x128xf32, #tpu.memory_space<vmem_shared>> -> memref<10000x128xf32, #tpu.memory_space<vmem_shared>>
        tpu.enqueue_indirect_dma source(%arg10 : memref<100x128xf32, #tpu.memory_space<vmem>>) target(%dma_start3A_643 : memref<10000x128xf32, #tpu.memory_space<vmem_shared>>) offsets(%dma_start3A_640 : memref<100xi32, #tpu.memory_space<vmem>>) semaphore(%run_scoped3A_637 : memref<!tpu.dma_semaphore, #tpu.memory_space<semaphore_mem>>) {add = true}
        %dma_wait3A_644 = arith.constant 0 : i32
        %dma_wait3A_645 = tpu.memref_slice %arg8[%add3A_636, %dma_wait3A_644] : memref<50x100xi32, #tpu.memory_space<vmem>> -> memref<1x100xi32, #tpu.memory_space<vmem>>
        %dma_wait3A_646 = tpu.memref_squeeze %dma_wait3A_645 : memref<1x100xi32, #tpu.memory_space<vmem>> -> memref<100xi32, #tpu.memory_space<vmem>>
        %dma_wait3A_647 = arith.constant 0 : i32
        %dma_wait3A_648 = arith.constant 0 : i32
        %dma_wait3A_649 = tpu.memref_slice %arg11[%dma_wait3A_647, %dma_wait3A_648] : memref<10000x128xf32, #tpu.memory_space<vmem_shared>> -> memref<10000x128xf32, #tpu.memory_space<vmem_shared>>
        tpu.wait_indirect_dma semaphore(%run_scoped3A_637 : memref<!tpu.dma_semaphore, #tpu.memory_space<semaphore_mem>>) src(%arg10 : memref<100x128xf32, #tpu.memory_space<vmem>>) dst(%dma_wait3A_649 : memref<10000x128xf32, #tpu.memory_space<vmem_shared>>)
        tpu.yield
      }) : () -> ()
    }
    %scan3A_463 = arith.constant 25 : i32
    %run_scoped3A = arith.constant 0 : i32
    "tpu.region"() ({
      %run_scoped3A_481 = tpu.sem_alloc : memref<!tpu.dma_semaphore, #tpu.memory_space<semaphore_mem>>
      %dma_start3A_482 = arith.constant 0 : i32
      %dma_start3A_483 = arith.constant 0 : i32
      %dma_start3A_484 = tpu.memref_slice %arg14[%dma_start3A_482, %dma_start3A_483] : memref<625x16xf32, #tpu.memory_space<vmem>> -> memref<125x16xf32, #tpu.memory_space<vmem>>
      %dma_start3A_485 = arith.constant 0 : i32
      %dma_start3A_486 = tpu.memref_slice %arg15[%run_scoped3A, %dma_start3A_485] : memref<5x125xi32, #tpu.memory_space<vmem>> -> memref<1x125xi32, #tpu.memory_space<vmem>>
      %dma_start3A_487 = tpu.memref_squeeze %dma_start3A_486 : memref<1x125xi32, #tpu.memory_space<vmem>> -> memref<125xi32, #tpu.memory_space<vmem>>
      %dma_start3A_488 = arith.constant 0 : i32
      %dma_start3A_489 = arith.constant 0 : i32
      %dma_start3A_490 = tpu.memref_slice %arg16[%dma_start3A_488, %dma_start3A_489] : memref<625x16xf32, #tpu.memory_space<vmem_shared>> -> memref<625x16xf32, #tpu.memory_space<vmem_shared>>
      tpu.enqueue_indirect_dma source(%dma_start3A_484 : memref<125x16xf32, #tpu.memory_space<vmem>>) target(%dma_start3A_490 : memref<625x16xf32, #tpu.memory_space<vmem_shared>>) offsets(%dma_start3A_487 : memref<125xi32, #tpu.memory_space<vmem>>) semaphore(%run_scoped3A_481 : memref<!tpu.dma_semaphore, #tpu.memory_space<semaphore_mem>>) {add = true}
      %dma_wait3A_491 = arith.constant 0 : i32
      %dma_wait3A_492 = arith.constant 0 : i32
      %dma_wait3A_493 = tpu.memref_slice %arg14[%dma_wait3A_491, %dma_wait3A_492] : memref<625x16xf32, #tpu.memory_space<vmem>> -> memref<125x16xf32, #tpu.memory_space<vmem>>
      %dma_wait3A_494 = arith.constant 0 : i32
      %dma_wait3A_495 = tpu.memref_slice %arg15[%run_scoped3A, %dma_wait3A_494] : memref<5x125xi32, #tpu.memory_space<vmem>> -> memref<1x125xi32, #tpu.memory_space<vmem>>
      %dma_wait3A_496 = tpu.memref_squeeze %dma_wait3A_495 : memref<1x125xi32, #tpu.memory_space<vmem>> -> memref<125xi32, #tpu.memory_space<vmem>>
      %dma_wait3A_497 = arith.constant 0 : i32
      %dma_wait3A_498 = arith.constant 0 : i32
      %dma_wait3A_499 = tpu.memref_slice %arg16[%dma_wait3A_497, %dma_wait3A_498] : memref<625x16xf32, #tpu.memory_space<vmem_shared>> -> memref<625x16xf32, #tpu.memory_space<vmem_shared>>
      tpu.wait_indirect_dma semaphore(%run_scoped3A_481 : memref<!tpu.dma_semaphore, #tpu.memory_space<semaphore_mem>>) src(%dma_wait3A_493 : memref<125x16xf32, #tpu.memory_space<vmem>>) dst(%dma_wait3A_499 : memref<625x16xf32, #tpu.memory_space<vmem_shared>>)
      tpu.yield
    }) : () -> ()
    %run_scoped3A_464 = arith.constant 1 : i32
    "tpu.region"() ({
      %run_scoped3A_481 = tpu.sem_alloc : memref<!tpu.dma_semaphore, #tpu.memory_space<semaphore_mem>>
      %dma_start3A_482 = arith.constant 125 : i32
      %dma_start3A_483 = arith.constant 0 : i32
      %dma_start3A_484 = tpu.memref_slice %arg14[%dma_start3A_482, %dma_start3A_483] : memref<625x16xf32, #tpu.memory_space<vmem>> -> memref<125x16xf32, #tpu.memory_space<vmem>>
      %dma_start3A_485 = arith.constant 0 : i32
      %dma_start3A_486 = tpu.memref_slice %arg15[%run_scoped3A_464, %dma_start3A_485] : memref<5x125xi32, #tpu.memory_space<vmem>> -> memref<1x125xi32, #tpu.memory_space<vmem>>
      %dma_start3A_487 = tpu.memref_squeeze %dma_start3A_486 : memref<1x125xi32, #tpu.memory_space<vmem>> -> memref<125xi32, #tpu.memory_space<vmem>>
      %dma_start3A_488 = arith.constant 0 : i32
      %dma_start3A_489 = arith.constant 0 : i32
      %dma_start3A_490 = tpu.memref_slice %arg16[%dma_start3A_488, %dma_start3A_489] : memref<625x16xf32, #tpu.memory_space<vmem_shared>> -> memref<625x16xf32, #tpu.memory_space<vmem_shared>>
      tpu.enqueue_indirect_dma source(%dma_start3A_484 : memref<125x16xf32, #tpu.memory_space<vmem>>) target(%dma_start3A_490 : memref<625x16xf32, #tpu.memory_space<vmem_shared>>) offsets(%dma_start3A_487 : memref<125xi32, #tpu.memory_space<vmem>>) semaphore(%run_scoped3A_481 : memref<!tpu.dma_semaphore, #tpu.memory_space<semaphore_mem>>) {add = true}
      %dma_wait3A_491 = arith.constant 125 : i32
      %dma_wait3A_492 = arith.constant 0 : i32
      %dma_wait3A_493 = tpu.memref_slice %arg14[%dma_wait3A_491, %dma_wait3A_492] : memref<625x16xf32, #tpu.memory_space<vmem>> -> memref<125x16xf32, #tpu.memory_space<vmem>>
      %dma_wait3A_494 = arith.constant 0 : i32
      %dma_wait3A_495 = tpu.memref_slice %arg15[%run_scoped3A_464, %dma_wait3A_494] : memref<5x125xi32, #tpu.memory_space<vmem>> -> memref<1x125xi32, #tpu.memory_space<vmem>>
      %dma_wait3A_496 = tpu.memref_squeeze %dma_wait3A_495 : memref<1x125xi32, #tpu.memory_space<vmem>> -> memref<125xi32, #tpu.memory_space<vmem>>
      %dma_wait3A_497 = arith.constant 0 : i32
      %dma_wait3A_498 = arith.constant 0 : i32
      %dma_wait3A_499 = tpu.memref_slice %arg16[%dma_wait3A_497, %dma_wait3A_498] : memref<625x16xf32, #tpu.memory_space<vmem_shared>> -> memref<625x16xf32, #tpu.memory_space<vmem_shared>>
      tpu.wait_indirect_dma semaphore(%run_scoped3A_481 : memref<!tpu.dma_semaphore, #tpu.memory_space<semaphore_mem>>) src(%dma_wait3A_493 : memref<125x16xf32, #tpu.memory_space<vmem>>) dst(%dma_wait3A_499 : memref<625x16xf32, #tpu.memory_space<vmem_shared>>)
      tpu.yield
    }) : () -> ()
    %run_scoped3A_465 = arith.constant 2 : i32
    "tpu.region"() ({
      %run_scoped3A_481 = tpu.sem_alloc : memref<!tpu.dma_semaphore, #tpu.memory_space<semaphore_mem>>
      %dma_start3A_482 = arith.constant 250 : i32
      %dma_start3A_483 = arith.constant 0 : i32
      %dma_start3A_484 = tpu.memref_slice %arg14[%dma_start3A_482, %dma_start3A_483] : memref<625x16xf32, #tpu.memory_space<vmem>> -> memref<125x16xf32, #tpu.memory_space<vmem>>
      %dma_start3A_485 = arith.constant 0 : i32
      %dma_start3A_486 = tpu.memref_slice %arg15[%run_scoped3A_465, %dma_start3A_485] : memref<5x125xi32, #tpu.memory_space<vmem>> -> memref<1x125xi32, #tpu.memory_space<vmem>>
      %dma_start3A_487 = tpu.memref_squeeze %dma_start3A_486 : memref<1x125xi32, #tpu.memory_space<vmem>> -> memref<125xi32, #tpu.memory_space<vmem>>
      %dma_start3A_488 = arith.constant 0 : i32
      %dma_start3A_489 = arith.constant 0 : i32
      %dma_start3A_490 = tpu.memref_slice %arg16[%dma_start3A_488, %dma_start3A_489] : memref<625x16xf32, #tpu.memory_space<vmem_shared>> -> memref<625x16xf32, #tpu.memory_space<vmem_shared>>
      tpu.enqueue_indirect_dma source(%dma_start3A_484 : memref<125x16xf32, #tpu.memory_space<vmem>>) target(%dma_start3A_490 : memref<625x16xf32, #tpu.memory_space<vmem_shared>>) offsets(%dma_start3A_487 : memref<125xi32, #tpu.memory_space<vmem>>) semaphore(%run_scoped3A_481 : memref<!tpu.dma_semaphore, #tpu.memory_space<semaphore_mem>>) {add = true}
      %dma_wait3A_491 = arith.constant 250 : i32
      %dma_wait3A_492 = arith.constant 0 : i32
      %dma_wait3A_493 = tpu.memref_slice %arg14[%dma_wait3A_491, %dma_wait3A_492] : memref<625x16xf32, #tpu.memory_space<vmem>> -> memref<125x16xf32, #tpu.memory_space<vmem>>
      %dma_wait3A_494 = arith.constant 0 : i32
      %dma_wait3A_495 = tpu.memref_slice %arg15[%run_scoped3A_465, %dma_wait3A_494] : memref<5x125xi32, #tpu.memory_space<vmem>> -> memref<1x125xi32, #tpu.memory_space<vmem>>
      %dma_wait3A_496 = tpu.memref_squeeze %dma_wait3A_495 : memref<1x125xi32, #tpu.memory_space<vmem>> -> memref<125xi32, #tpu.memory_space<vmem>>
      %dma_wait3A_497 = arith.constant 0 : i32
      %dma_wait3A_498 = arith.constant 0 : i32
      %dma_wait3A_499 = tpu.memref_slice %arg16[%dma_wait3A_497, %dma_wait3A_498] : memref<625x16xf32, #tpu.memory_space<vmem_shared>> -> memref<625x16xf32, #tpu.memory_space<vmem_shared>>
      tpu.wait_indirect_dma semaphore(%run_scoped3A_481 : memref<!tpu.dma_semaphore, #tpu.memory_space<semaphore_mem>>) src(%dma_wait3A_493 : memref<125x16xf32, #tpu.memory_space<vmem>>) dst(%dma_wait3A_499 : memref<625x16xf32, #tpu.memory_space<vmem_shared>>)
      tpu.yield
    }) : () -> ()
    %run_scoped3A_466 = arith.constant 3 : i32
    "tpu.region"() ({
      %run_scoped3A_481 = tpu.sem_alloc : memref<!tpu.dma_semaphore, #tpu.memory_space<semaphore_mem>>
      %dma_start3A_482 = arith.constant 375 : i32
      %dma_start3A_483 = arith.constant 0 : i32
      %dma_start3A_484 = tpu.memref_slice %arg14[%dma_start3A_482, %dma_start3A_483] : memref<625x16xf32, #tpu.memory_space<vmem>> -> memref<125x16xf32, #tpu.memory_space<vmem>>
      %dma_start3A_485 = arith.constant 0 : i32
      %dma_start3A_486 = tpu.memref_slice %arg15[%run_scoped3A_466, %dma_start3A_485] : memref<5x125xi32, #tpu.memory_space<vmem>> -> memref<1x125xi32, #tpu.memory_space<vmem>>
      %dma_start3A_487 = tpu.memref_squeeze %dma_start3A_486 : memref<1x125xi32, #tpu.memory_space<vmem>> -> memref<125xi32, #tpu.memory_space<vmem>>
      %dma_start3A_488 = arith.constant 0 : i32
      %dma_start3A_489 = arith.constant 0 : i32
      %dma_start3A_490 = tpu.memref_slice %arg16[%dma_start3A_488, %dma_start3A_489] : memref<625x16xf32, #tpu.memory_space<vmem_shared>> -> memref<625x16xf32, #tpu.memory_space<vmem_shared>>
      tpu.enqueue_indirect_dma source(%dma_start3A_484 : memref<125x16xf32, #tpu.memory_space<vmem>>) target(%dma_start3A_490 : memref<625x16xf32, #tpu.memory_space<vmem_shared>>) offsets(%dma_start3A_487 : memref<125xi32, #tpu.memory_space<vmem>>) semaphore(%run_scoped3A_481 : memref<!tpu.dma_semaphore, #tpu.memory_space<semaphore_mem>>) {add = true}
      %dma_wait3A_491 = arith.constant 375 : i32
      %dma_wait3A_492 = arith.constant 0 : i32
      %dma_wait3A_493 = tpu.memref_slice %arg14[%dma_wait3A_491, %dma_wait3A_492] : memref<625x16xf32, #tpu.memory_space<vmem>> -> memref<125x16xf32, #tpu.memory_space<vmem>>
      %dma_wait3A_494 = arith.constant 0 : i32
      %dma_wait3A_495 = tpu.memref_slice %arg15[%run_scoped3A_466, %dma_wait3A_494] : memref<5x125xi32, #tpu.memory_space<vmem>> -> memref<1x125xi32, #tpu.memory_space<vmem>>
      %dma_wait3A_496 = tpu.memref_squeeze %dma_wait3A_495 : memref<1x125xi32, #tpu.memory_space<vmem>> -> memref<125xi32, #tpu.memory_space<vmem>>
      %dma_wait3A_497 = arith.constant 0 : i32
      %dma_wait3A_498 = arith.constant 0 : i32
      %dma_wait3A_499 = tpu.memref_slice %arg16[%dma_wait3A_497, %dma_wait3A_498] : memref<625x16xf32, #tpu.memory_space<vmem_shared>> -> memref<625x16xf32, #tpu.memory_space<vmem_shared>>
      tpu.wait_indirect_dma semaphore(%run_scoped3A_481 : memref<!tpu.dma_semaphore, #tpu.memory_space<semaphore_mem>>) src(%dma_wait3A_493 : memref<125x16xf32, #tpu.memory_space<vmem>>) dst(%dma_wait3A_499 : memref<625x16xf32, #tpu.memory_space<vmem_shared>>)
      tpu.yield
    }) : () -> ()
    %run_scoped3A_467 = arith.constant 4 : i32
    "tpu.region"() ({
      %run_scoped3A_481 = tpu.sem_alloc : memref<!tpu.dma_semaphore, #tpu.memory_space<semaphore_mem>>
      %dma_start3A_482 = arith.constant 500 : i32
      %dma_start3A_483 = arith.constant 0 : i32
      %dma_start3A_484 = tpu.memref_slice %arg14[%dma_start3A_482, %dma_start3A_483] : memref<625x16xf32, #tpu.memory_space<vmem>> -> memref<125x16xf32, #tpu.memory_space<vmem>>
      %dma_start3A_485 = arith.constant 0 : i32
      %dma_start3A_486 = tpu.memref_slice %arg15[%run_scoped3A_467, %dma_start3A_485] : memref<5x125xi32, #tpu.memory_space<vmem>> -> memref<1x125xi32, #tpu.memory_space<vmem>>
      %dma_start3A_487 = tpu.memref_squeeze %dma_start3A_486 : memref<1x125xi32, #tpu.memory_space<vmem>> -> memref<125xi32, #tpu.memory_space<vmem>>
      %dma_start3A_488 = arith.constant 0 : i32
      %dma_start3A_489 = arith.constant 0 : i32
      %dma_start3A_490 = tpu.memref_slice %arg16[%dma_start3A_488, %dma_start3A_489] : memref<625x16xf32, #tpu.memory_space<vmem_shared>> -> memref<625x16xf32, #tpu.memory_space<vmem_shared>>
      tpu.enqueue_indirect_dma source(%dma_start3A_484 : memref<125x16xf32, #tpu.memory_space<vmem>>) target(%dma_start3A_490 : memref<625x16xf32, #tpu.memory_space<vmem_shared>>) offsets(%dma_start3A_487 : memref<125xi32, #tpu.memory_space<vmem>>) semaphore(%run_scoped3A_481 : memref<!tpu.dma_semaphore, #tpu.memory_space<semaphore_mem>>) {add = true}
      %dma_wait3A_491 = arith.constant 500 : i32
      %dma_wait3A_492 = arith.constant 0 : i32
      %dma_wait3A_493 = tpu.memref_slice %arg14[%dma_wait3A_491, %dma_wait3A_492] : memref<625x16xf32, #tpu.memory_space<vmem>> -> memref<125x16xf32, #tpu.memory_space<vmem>>
      %dma_wait3A_494 = arith.constant 0 : i32
      %dma_wait3A_495 = tpu.memref_slice %arg15[%run_scoped3A_467, %dma_wait3A_494] : memref<5x125xi32, #tpu.memory_space<vmem>> -> memref<1x125xi32, #tpu.memory_space<vmem>>
      %dma_wait3A_496 = tpu.memref_squeeze %dma_wait3A_495 : memref<1x125xi32, #tpu.memory_space<vmem>> -> memref<125xi32, #tpu.memory_space<vmem>>
      %dma_wait3A_497 = arith.constant 0 : i32
      %dma_wait3A_498 = arith.constant 0 : i32
      %dma_wait3A_499 = tpu.memref_slice %arg16[%dma_wait3A_497, %dma_wait3A_498] : memref<625x16xf32, #tpu.memory_space<vmem_shared>> -> memref<625x16xf32, #tpu.memory_space<vmem_shared>>
      tpu.wait_indirect_dma semaphore(%run_scoped3A_481 : memref<!tpu.dma_semaphore, #tpu.memory_space<semaphore_mem>>) src(%dma_wait3A_493 : memref<125x16xf32, #tpu.memory_space<vmem>>) dst(%dma_wait3A_499 : memref<625x16xf32, #tpu.memory_space<vmem_shared>>)
      tpu.yield
    }) : () -> ()
    %barrier3A_468 = arith.constant 0 : index
    tpu.barrier barrier_id(%barrier3A_468)
    %mul3A_469 = arith.constant 625 : i32
    %mul3A_470 = arith.muli %arg1, %mul3A_469 : i32
    %mul3A_471 = arith.constant 10000 : i32
    %mul3A_472 = arith.muli %arg0, %mul3A_471 : i32
    %mul3A_473 = arith.constant 625 : i32
    %mul3A_474 = arith.muli %arg1, %mul3A_473 : i32
    %add3A_475 = arith.addi %mul3A_472, %mul3A_474 : i32
    "tpu.region"() ({
      %run_scoped3A_481 = tpu.sem_alloc : memref<!tpu.dma_semaphore, #tpu.memory_space<semaphore_mem>>
      %dma_start3A_482 = arith.constant 0 : i32
      %dma_start3A_483 = tpu.memref_slice %arg5[%add3A_475, %dma_start3A_482] : memref<20000x128xf32, #tpu.memory_space<hbm>> -> memref<625x128xf32, #tpu.memory_space<hbm>>
      %dma_start3A_484 = arith.constant 0 : i32
      %dma_start3A_485 = tpu.memref_slice %arg11[%mul3A_470, %dma_start3A_484] : memref<10000x128xf32, #tpu.memory_space<vmem_shared>> -> memref<625x128xf32, #tpu.memory_space<vmem_shared>>
      tpu.enqueue_dma source(%dma_start3A_485 : memref<625x128xf32, #tpu.memory_space<vmem_shared>>) target(%dma_start3A_483 : memref<625x128xf32, #tpu.memory_space<hbm>>) target_semaphore(%run_scoped3A_481 : memref<!tpu.dma_semaphore, #tpu.memory_space<semaphore_mem>>)
      %dma_wait3A_486 = arith.constant 0 : i32
      %dma_wait3A_487 = tpu.memref_slice %arg5[%add3A_475, %dma_wait3A_486] : memref<20000x128xf32, #tpu.memory_space<hbm>> -> memref<625x128xf32, #tpu.memory_space<hbm>>
      %dma_wait3A_488 = arith.constant 0 : i32
      %dma_wait3A_489 = tpu.memref_slice %arg11[%mul3A_470, %dma_wait3A_488] : memref<10000x128xf32, #tpu.memory_space<vmem_shared>> -> memref<625x128xf32, #tpu.memory_space<vmem_shared>>
      tpu.wait_dma2 semaphore(%run_scoped3A_481 : memref<!tpu.dma_semaphore, #tpu.memory_space<semaphore_mem>>) src(%dma_wait3A_489 : memref<625x128xf32, #tpu.memory_space<vmem_shared>>) dst(%dma_wait3A_487 : memref<625x128xf32, #tpu.memory_space<hbm>>)
      tpu.yield
    }) : () -> ()
    %eq3A_476 = arith.constant 0 : i32
    %eq3A_477 = arith.cmpi eq, %arg1, %eq3A_476 : i32
    %convert_element_type3A_478 = arith.extui %eq3A_477 : i1 to i32
    %cond3A_479 = arith.constant 0 : i32
    %cond3A_480 = arith.cmpi ne, %convert_element_type3A_478, %cond3A_479 : i32
    scf.if %cond3A_480 {
      %mul3A_481 = arith.constant 625 : i32
      %mul3A_482 = arith.muli %arg0, %mul3A_481 : i32
      "tpu.region"() ({
        %run_scoped3A_483 = tpu.sem_alloc : memref<!tpu.dma_semaphore, #tpu.memory_space<semaphore_mem>>
        %dma_start3A_484 = arith.constant 0 : i32
        %dma_start3A_485 = tpu.memref_slice %arg6[%mul3A_482, %dma_start3A_484] : memref<1250x16xf32, #tpu.memory_space<hbm>> -> memref<625x16xf32, #tpu.memory_space<hbm>>
        tpu.enqueue_dma source(%arg16 : memref<625x16xf32, #tpu.memory_space<vmem_shared>>) target(%dma_start3A_485 : memref<625x16xf32, #tpu.memory_space<hbm>>) target_semaphore(%run_scoped3A_483 : memref<!tpu.dma_semaphore, #tpu.memory_space<semaphore_mem>>)
        %dma_wait3A_486 = arith.constant 0 : i32
        %dma_wait3A_487 = tpu.memref_slice %arg6[%mul3A_482, %dma_wait3A_486] : memref<1250x16xf32, #tpu.memory_space<hbm>> -> memref<625x16xf32, #tpu.memory_space<hbm>>
        tpu.wait_dma2 semaphore(%run_scoped3A_483 : memref<!tpu.dma_semaphore, #tpu.memory_space<semaphore_mem>>) src(%arg16 : memref<625x16xf32, #tpu.memory_space<vmem_shared>>) dst(%dma_wait3A_487 : memref<625x16xf32, #tpu.memory_space<hbm>>)
        tpu.yield
      }) : () -> ()
    } else {
    }
    return
  }
}

#map = affine_map<(d0, d1) -> (0, 0)>
module attributes {stable_mosaic.version = 14 : i64} {
  func.func @sc_agg(%arg0: i32, %arg1: i32, %arg2: memref<10000x128xf32, #tpu.memory_space<hbm>>, %arg3: memref<2560x125xi32, #tpu.memory_space<hbm>>, %arg4: memref<2560x125xi32, #tpu.memory_space<hbm>>, %arg5: memref<20000x128xf32, #tpu.memory_space<hbm>>, %arg6: memref<40x125xi32, #tpu.memory_space<vmem>>, %arg7: memref<40x125xi32, #tpu.memory_space<vmem>>, %arg8: memref<125x128xf32, #tpu.memory_space<vmem>>, %arg9: memref<125x128xf32, #tpu.memory_space<vmem>>, %arg10: memref<10000x128xf32, #tpu.memory_space<vmem_shared>>, %arg11: memref<!tpu.dma_semaphore, #tpu.memory_space<semaphore_mem>>, %arg12: memref<!tpu.dma_semaphore, #tpu.memory_space<semaphore_mem>>) attributes {dimension_semantics = [#tpu.dimension_semantics<core_parallel>, #tpu.dimension_semantics<subcore_parallel>], iteration_bounds = array<i64: 2, 16>, scalar_prefetch = 0 : i64, scratch_operands = 7 : i64, tpu.core_type = #tpu.core_type<sc_vector_subcore>, window_params = [{transform_indices = #map}, {transform_indices = #map}, {transform_indices = #map}, {transform_indices = #map}]} {
    %mul3A = arith.constant 16 : i32
    %mul3A_0 = arith.muli %arg0, %mul3A : i32
    %add3A = arith.addi %mul3A_0, %arg1 : i32
    %broadcast_in_dim3A = arith.constant 1.000000e+00 : f32
    %broadcast_in_dim3A_1 = vector.broadcast %broadcast_in_dim3A : f32 to vector<16xf32>
    %iota3A = tpu.iota {dimensions = array<i32: 0>} : vector<16xi32>
    %ge3A = arith.constant 3 : i32
    %ge3A_2 = vector.broadcast %ge3A : i32 to vector<16xi32>
    %ge3A_3 = arith.cmpi sge, %iota3A, %ge3A_2 : vector<16xi32>
    %scan3A = arith.constant 0 : i32
    %scan3A_4 = arith.constant 0 : i32
    %scan3A_5 = arith.constant 125 : i32
    %scan3A_6 = arith.addi %scan3A_4, %scan3A_5 : i32
    %scan3A_7 = arith.constant 1 : i32
    scf.for %scan3A_149 = %scan3A_4 to %scan3A_6 step %scan3A_7  : i32 {
      %broadcast_in_dim3A_150 = arith.constant 0.000000e+00 : f32
      %broadcast_in_dim3A_151 = vector.broadcast %broadcast_in_dim3A_150 : f32 to vector<16xf32>
      %swap3A = arith.index_cast %scan3A_149 : i32 to index
      %swap3A_152 = arith.constant 0 : index
      %swap3A_153 = tpu.vector_load %arg8[%swap3A, %swap3A_152] {strides = array<i32>} : memref<125x128xf32, #tpu.memory_space<vmem>>, vector<16xf32>,
      tpu.vector_store %arg8[%swap3A, %swap3A_152], %broadcast_in_dim3A_151 {strides = array<i32>} : memref<125x128xf32, #tpu.memory_space<vmem>>, vector<16xf32>,
      %broadcast_in_dim3A_154 = arith.constant 0.000000e+00 : f32
      %broadcast_in_dim3A_155 = vector.broadcast %broadcast_in_dim3A_154 : f32 to vector<16xf32>
      %swap3A_156 = arith.index_cast %scan3A_149 : i32 to index
      %swap3A_157 = arith.constant 16 : index
      %swap3A_158 = tpu.vector_load %arg8[%swap3A_156, %swap3A_157] {strides = array<i32>} : memref<125x128xf32, #tpu.memory_space<vmem>>, vector<16xf32>,
      tpu.vector_store %arg8[%swap3A_156, %swap3A_157], %broadcast_in_dim3A_155 {strides = array<i32>} : memref<125x128xf32, #tpu.memory_space<vmem>>, vector<16xf32>,
      %broadcast_in_dim3A_159 = arith.constant 0.000000e+00 : f32
      %broadcast_in_dim3A_160 = vector.broadcast %broadcast_in_dim3A_159 : f32 to vector<16xf32>
      %swap3A_161 = arith.index_cast %scan3A_149 : i32 to index
      %swap3A_162 = arith.constant 32 : index
      %swap3A_163 = tpu.vector_load %arg8[%swap3A_161, %swap3A_162] {strides = array<i32>} : memref<125x128xf32, #tpu.memory_space<vmem>>, vector<16xf32>,
      tpu.vector_store %arg8[%swap3A_161, %swap3A_162], %broadcast_in_dim3A_160 {strides = array<i32>} : memref<125x128xf32, #tpu.memory_space<vmem>>, vector<16xf32>,
      %broadcast_in_dim3A_164 = arith.constant 0.000000e+00 : f32
      %broadcast_in_dim3A_165 = vector.broadcast %broadcast_in_dim3A_164 : f32 to vector<16xf32>
      %swap3A_166 = arith.index_cast %scan3A_149 : i32 to index
      %swap3A_167 = arith.constant 48 : index
      %swap3A_168 = tpu.vector_load %arg8[%swap3A_166, %swap3A_167] {strides = array<i32>} : memref<125x128xf32, #tpu.memory_space<vmem>>, vector<16xf32>,
      tpu.vector_store %arg8[%swap3A_166, %swap3A_167], %broadcast_in_dim3A_165 {strides = array<i32>} : memref<125x128xf32, #tpu.memory_space<vmem>>, vector<16xf32>,
      %broadcast_in_dim3A_169 = arith.constant 0.000000e+00 : f32
      %broadcast_in_dim3A_170 = vector.broadcast %broadcast_in_dim3A_169 : f32 to vector<16xf32>
      %swap3A_171 = arith.index_cast %scan3A_149 : i32 to index
      %swap3A_172 = arith.constant 64 : index
      %swap3A_173 = tpu.vector_load %arg8[%swap3A_171, %swap3A_172] {strides = array<i32>} : memref<125x128xf32, #tpu.memory_space<vmem>>, vector<16xf32>,
      tpu.vector_store %arg8[%swap3A_171, %swap3A_172], %broadcast_in_dim3A_170 {strides = array<i32>} : memref<125x128xf32, #tpu.memory_space<vmem>>, vector<16xf32>,
      %broadcast_in_dim3A_174 = arith.constant 0.000000e+00 : f32
      %broadcast_in_dim3A_175 = vector.broadcast %broadcast_in_dim3A_174 : f32 to vector<16xf32>
      %swap3A_176 = arith.index_cast %scan3A_149 : i32 to index
      %swap3A_177 = arith.constant 80 : index
      %swap3A_178 = tpu.vector_load %arg8[%swap3A_176, %swap3A_177] {strides = array<i32>} : memref<125x128xf32, #tpu.memory_space<vmem>>, vector<16xf32>,
      tpu.vector_store %arg8[%swap3A_176, %swap3A_177], %broadcast_in_dim3A_175 {strides = array<i32>} : memref<125x128xf32, #tpu.memory_space<vmem>>, vector<16xf32>,
      %broadcast_in_dim3A_179 = arith.constant 0.000000e+00 : f32
      %broadcast_in_dim3A_180 = vector.broadcast %broadcast_in_dim3A_179 : f32 to vector<16xf32>
      %swap3A_181 = arith.index_cast %scan3A_149 : i32 to index
      %swap3A_182 = arith.constant 96 : index
      %swap3A_183 = tpu.vector_load %arg8[%swap3A_181, %swap3A_182] {strides = array<i32>} : memref<125x128xf32, #tpu.memory_space<vmem>>, vector<16xf32>,
      tpu.vector_store %arg8[%swap3A_181, %swap3A_182], %broadcast_in_dim3A_180 {strides = array<i32>} : memref<125x128xf32, #tpu.memory_space<vmem>>, vector<16xf32>,
      %broadcast_in_dim3A_184 = arith.constant 0.000000e+00 : f32
      %broadcast_in_dim3A_185 = vector.broadcast %broadcast_in_dim3A_184 : f32 to vector<16xf32>
      %swap3A_186 = arith.index_cast %scan3A_149 : i32 to index
      %swap3A_187 = arith.constant 112 : index
      %swap3A_188 = tpu.vector_load %arg8[%swap3A_186, %swap3A_187] {strides = array<i32>} : memref<125x128xf32, #tpu.memory_space<vmem>>, vector<16xf32>,
      tpu.vector_store %arg8[%swap3A_186, %swap3A_187], %broadcast_in_dim3A_185 {strides = array<i32>} : memref<125x128xf32, #tpu.memory_space<vmem>>, vector<16xf32>,
    }
    %scan3A_8 = arith.constant 125 : i32
    %mul3A_9 = arith.constant 625 : i32
    %mul3A_10 = arith.muli %arg1, %mul3A_9 : i32
    %add3A_11 = arith.constant 0 : i32
    %add3A_12 = arith.addi %mul3A_10, %add3A_11 : i32
    %mul3A_13 = arith.constant 625 : i32
    %mul3A_14 = arith.muli %arg1, %mul3A_13 : i32
    %add3A_15 = arith.constant 125 : i32
    %add3A_16 = arith.addi %mul3A_14, %add3A_15 : i32
    %mul3A_17 = arith.constant 625 : i32
    %mul3A_18 = arith.muli %arg1, %mul3A_17 : i32
    %add3A_19 = arith.constant 250 : i32
    %add3A_20 = arith.addi %mul3A_18, %add3A_19 : i32
    %mul3A_21 = arith.constant 625 : i32
    %mul3A_22 = arith.muli %arg1, %mul3A_21 : i32
    %add3A_23 = arith.constant 375 : i32
    %add3A_24 = arith.addi %mul3A_22, %add3A_23 : i32
    %mul3A_25 = arith.constant 625 : i32
    %mul3A_26 = arith.muli %arg1, %mul3A_25 : i32
    %add3A_27 = arith.constant 500 : i32
    %add3A_28 = arith.addi %mul3A_26, %add3A_27 : i32
    %dma_start3A = arith.constant 0 : i32
    %dma_start3A_29 = tpu.memref_slice %arg10[%add3A_12, %dma_start3A] : memref<10000x128xf32, #tpu.memory_space<vmem_shared>> -> memref<125x128xf32, #tpu.memory_space<vmem_shared>>
    %dma_start3A_30 = arith.constant 0 : i32
    %dma_start3A_31 = tpu.memref_slice %arg10[%add3A_12, %dma_start3A_30] : memref<10000x128xf32, #tpu.memory_space<vmem_shared>> -> memref<125x128xf32, #tpu.memory_space<vmem_shared>>
    tpu.enqueue_dma source(%arg8 : memref<125x128xf32, #tpu.memory_space<vmem>>) target(%dma_start3A_31 : memref<125x128xf32, #tpu.memory_space<vmem_shared>>) target_semaphore(%arg11 : memref<!tpu.dma_semaphore, #tpu.memory_space<semaphore_mem>>)
    %dma_start3A_32 = arith.constant 0 : i32
    %dma_start3A_33 = tpu.memref_slice %arg10[%add3A_16, %dma_start3A_32] : memref<10000x128xf32, #tpu.memory_space<vmem_shared>> -> memref<125x128xf32, #tpu.memory_space<vmem_shared>>
    %dma_start3A_34 = arith.constant 0 : i32
    %dma_start3A_35 = tpu.memref_slice %arg10[%add3A_16, %dma_start3A_34] : memref<10000x128xf32, #tpu.memory_space<vmem_shared>> -> memref<125x128xf32, #tpu.memory_space<vmem_shared>>
    tpu.enqueue_dma source(%arg8 : memref<125x128xf32, #tpu.memory_space<vmem>>) target(%dma_start3A_35 : memref<125x128xf32, #tpu.memory_space<vmem_shared>>) target_semaphore(%arg11 : memref<!tpu.dma_semaphore, #tpu.memory_space<semaphore_mem>>)
    %dma_start3A_36 = arith.constant 0 : i32
    %dma_start3A_37 = tpu.memref_slice %arg10[%add3A_20, %dma_start3A_36] : memref<10000x128xf32, #tpu.memory_space<vmem_shared>> -> memref<125x128xf32, #tpu.memory_space<vmem_shared>>
    %dma_start3A_38 = arith.constant 0 : i32
    %dma_start3A_39 = tpu.memref_slice %arg10[%add3A_20, %dma_start3A_38] : memref<10000x128xf32, #tpu.memory_space<vmem_shared>> -> memref<125x128xf32, #tpu.memory_space<vmem_shared>>
    tpu.enqueue_dma source(%arg8 : memref<125x128xf32, #tpu.memory_space<vmem>>) target(%dma_start3A_39 : memref<125x128xf32, #tpu.memory_space<vmem_shared>>) target_semaphore(%arg11 : memref<!tpu.dma_semaphore, #tpu.memory_space<semaphore_mem>>)
    %dma_start3A_40 = arith.constant 0 : i32
    %dma_start3A_41 = tpu.memref_slice %arg10[%add3A_24, %dma_start3A_40] : memref<10000x128xf32, #tpu.memory_space<vmem_shared>> -> memref<125x128xf32, #tpu.memory_space<vmem_shared>>
    %dma_start3A_42 = arith.constant 0 : i32
    %dma_start3A_43 = tpu.memref_slice %arg10[%add3A_24, %dma_start3A_42] : memref<10000x128xf32, #tpu.memory_space<vmem_shared>> -> memref<125x128xf32, #tpu.memory_space<vmem_shared>>
    tpu.enqueue_dma source(%arg8 : memref<125x128xf32, #tpu.memory_space<vmem>>) target(%dma_start3A_43 : memref<125x128xf32, #tpu.memory_space<vmem_shared>>) target_semaphore(%arg11 : memref<!tpu.dma_semaphore, #tpu.memory_space<semaphore_mem>>)
    %dma_start3A_44 = arith.constant 0 : i32
    %dma_start3A_45 = tpu.memref_slice %arg10[%add3A_28, %dma_start3A_44] : memref<10000x128xf32, #tpu.memory_space<vmem_shared>> -> memref<125x128xf32, #tpu.memory_space<vmem_shared>>
    %dma_start3A_46 = arith.constant 0 : i32
    %dma_start3A_47 = tpu.memref_slice %arg10[%add3A_28, %dma_start3A_46] : memref<10000x128xf32, #tpu.memory_space<vmem_shared>> -> memref<125x128xf32, #tpu.memory_space<vmem_shared>>
    tpu.enqueue_dma source(%arg8 : memref<125x128xf32, #tpu.memory_space<vmem>>) target(%dma_start3A_47 : memref<125x128xf32, #tpu.memory_space<vmem_shared>>) target_semaphore(%arg11 : memref<!tpu.dma_semaphore, #tpu.memory_space<semaphore_mem>>)
    %dma_wait3A = arith.constant 0 : i32
    %dma_wait3A_48 = tpu.memref_slice %arg10[%add3A_12, %dma_wait3A] : memref<10000x128xf32, #tpu.memory_space<vmem_shared>> -> memref<125x128xf32, #tpu.memory_space<vmem_shared>>
    %dma_wait3A_49 = arith.constant 0 : i32
    %dma_wait3A_50 = tpu.memref_slice %arg10[%add3A_12, %dma_wait3A_49] : memref<10000x128xf32, #tpu.memory_space<vmem_shared>> -> memref<125x128xf32, #tpu.memory_space<vmem_shared>>
    tpu.wait_dma2 semaphore(%arg11 : memref<!tpu.dma_semaphore, #tpu.memory_space<semaphore_mem>>) src(%arg8 : memref<125x128xf32, #tpu.memory_space<vmem>>) dst(%dma_wait3A_50 : memref<125x128xf32, #tpu.memory_space<vmem_shared>>)
    %dma_wait3A_51 = arith.constant 0 : i32
    %dma_wait3A_52 = tpu.memref_slice %arg10[%add3A_16, %dma_wait3A_51] : memref<10000x128xf32, #tpu.memory_space<vmem_shared>> -> memref<125x128xf32, #tpu.memory_space<vmem_shared>>
    %dma_wait3A_53 = arith.constant 0 : i32
    %dma_wait3A_54 = tpu.memref_slice %arg10[%add3A_16, %dma_wait3A_53] : memref<10000x128xf32, #tpu.memory_space<vmem_shared>> -> memref<125x128xf32, #tpu.memory_space<vmem_shared>>
    tpu.wait_dma2 semaphore(%arg11 : memref<!tpu.dma_semaphore, #tpu.memory_space<semaphore_mem>>) src(%arg8 : memref<125x128xf32, #tpu.memory_space<vmem>>) dst(%dma_wait3A_54 : memref<125x128xf32, #tpu.memory_space<vmem_shared>>)
    %dma_wait3A_55 = arith.constant 0 : i32
    %dma_wait3A_56 = tpu.memref_slice %arg10[%add3A_20, %dma_wait3A_55] : memref<10000x128xf32, #tpu.memory_space<vmem_shared>> -> memref<125x128xf32, #tpu.memory_space<vmem_shared>>
    %dma_wait3A_57 = arith.constant 0 : i32
    %dma_wait3A_58 = tpu.memref_slice %arg10[%add3A_20, %dma_wait3A_57] : memref<10000x128xf32, #tpu.memory_space<vmem_shared>> -> memref<125x128xf32, #tpu.memory_space<vmem_shared>>
    tpu.wait_dma2 semaphore(%arg11 : memref<!tpu.dma_semaphore, #tpu.memory_space<semaphore_mem>>) src(%arg8 : memref<125x128xf32, #tpu.memory_space<vmem>>) dst(%dma_wait3A_58 : memref<125x128xf32, #tpu.memory_space<vmem_shared>>)
    %dma_wait3A_59 = arith.constant 0 : i32
    %dma_wait3A_60 = tpu.memref_slice %arg10[%add3A_24, %dma_wait3A_59] : memref<10000x128xf32, #tpu.memory_space<vmem_shared>> -> memref<125x128xf32, #tpu.memory_space<vmem_shared>>
    %dma_wait3A_61 = arith.constant 0 : i32
    %dma_wait3A_62 = tpu.memref_slice %arg10[%add3A_24, %dma_wait3A_61] : memref<10000x128xf32, #tpu.memory_space<vmem_shared>> -> memref<125x128xf32, #tpu.memory_space<vmem_shared>>
    tpu.wait_dma2 semaphore(%arg11 : memref<!tpu.dma_semaphore, #tpu.memory_space<semaphore_mem>>) src(%arg8 : memref<125x128xf32, #tpu.memory_space<vmem>>) dst(%dma_wait3A_62 : memref<125x128xf32, #tpu.memory_space<vmem_shared>>)
    %dma_wait3A_63 = arith.constant 0 : i32
    %dma_wait3A_64 = tpu.memref_slice %arg10[%add3A_28, %dma_wait3A_63] : memref<10000x128xf32, #tpu.memory_space<vmem_shared>> -> memref<125x128xf32, #tpu.memory_space<vmem_shared>>
    %dma_wait3A_65 = arith.constant 0 : i32
    %dma_wait3A_66 = tpu.memref_slice %arg10[%add3A_28, %dma_wait3A_65] : memref<10000x128xf32, #tpu.memory_space<vmem_shared>> -> memref<125x128xf32, #tpu.memory_space<vmem_shared>>
    tpu.wait_dma2 semaphore(%arg11 : memref<!tpu.dma_semaphore, #tpu.memory_space<semaphore_mem>>) src(%arg8 : memref<125x128xf32, #tpu.memory_space<vmem>>) dst(%dma_wait3A_66 : memref<125x128xf32, #tpu.memory_space<vmem_shared>>)
    %barrier3A = arith.constant 0 : index
    tpu.barrier barrier_id(%barrier3A)
    %mul3A_67 = arith.constant 80 : i32
    %mul3A_68 = arith.muli %add3A, %mul3A_67 : i32
    %add3A_69 = arith.constant 0 : i32
    %add3A_70 = arith.addi %mul3A_68, %add3A_69 : i32
    %mul3A_71 = arith.constant 80 : i32
    %mul3A_72 = arith.muli %add3A, %mul3A_71 : i32
    %add3A_73 = arith.constant 0 : i32
    %add3A_74 = arith.addi %mul3A_72, %add3A_73 : i32
    %dma_start3A_75 = arith.constant 0 : i32
    %dma_start3A_76 = tpu.memref_slice %arg3[%add3A_70, %dma_start3A_75] : memref<2560x125xi32, #tpu.memory_space<hbm>> -> memref<40x125xi32, #tpu.memory_space<hbm>>
    %dma_start3A_77 = arith.constant 0 : i32
    %dma_start3A_78 = tpu.memref_slice %arg3[%add3A_70, %dma_start3A_77] : memref<2560x125xi32, #tpu.memory_space<hbm>> -> memref<40x125xi32, #tpu.memory_space<hbm>>
    tpu.enqueue_dma source(%dma_start3A_78 : memref<40x125xi32, #tpu.memory_space<hbm>>) target(%arg6 : memref<40x125xi32, #tpu.memory_space<vmem>>) target_semaphore(%arg11 : memref<!tpu.dma_semaphore, #tpu.memory_space<semaphore_mem>>)
    %dma_start3A_79 = arith.constant 0 : i32
    %dma_start3A_80 = tpu.memref_slice %arg4[%add3A_74, %dma_start3A_79] : memref<2560x125xi32, #tpu.memory_space<hbm>> -> memref<40x125xi32, #tpu.memory_space<hbm>>
    %dma_start3A_81 = arith.constant 0 : i32
    %dma_start3A_82 = tpu.memref_slice %arg4[%add3A_74, %dma_start3A_81] : memref<2560x125xi32, #tpu.memory_space<hbm>> -> memref<40x125xi32, #tpu.memory_space<hbm>>
    tpu.enqueue_dma source(%dma_start3A_82 : memref<40x125xi32, #tpu.memory_space<hbm>>) target(%arg7 : memref<40x125xi32, #tpu.memory_space<vmem>>) target_semaphore(%arg12 : memref<!tpu.dma_semaphore, #tpu.memory_space<semaphore_mem>>)
    %dma_wait3A_83 = arith.constant 0 : i32
    %dma_wait3A_84 = tpu.memref_slice %arg3[%add3A_70, %dma_wait3A_83] : memref<2560x125xi32, #tpu.memory_space<hbm>> -> memref<40x125xi32, #tpu.memory_space<hbm>>
    %dma_wait3A_85 = arith.constant 0 : i32
    %dma_wait3A_86 = tpu.memref_slice %arg3[%add3A_70, %dma_wait3A_85] : memref<2560x125xi32, #tpu.memory_space<hbm>> -> memref<40x125xi32, #tpu.memory_space<hbm>>
    tpu.wait_dma2 semaphore(%arg11 : memref<!tpu.dma_semaphore, #tpu.memory_space<semaphore_mem>>) src(%dma_wait3A_86 : memref<40x125xi32, #tpu.memory_space<hbm>>) dst(%arg6 : memref<40x125xi32, #tpu.memory_space<vmem>>)
    %dma_wait3A_87 = arith.constant 0 : i32
    %dma_wait3A_88 = tpu.memref_slice %arg4[%add3A_74, %dma_wait3A_87] : memref<2560x125xi32, #tpu.memory_space<hbm>> -> memref<40x125xi32, #tpu.memory_space<hbm>>
    %dma_wait3A_89 = arith.constant 0 : i32
    %dma_wait3A_90 = tpu.memref_slice %arg4[%add3A_74, %dma_wait3A_89] : memref<2560x125xi32, #tpu.memory_space<hbm>> -> memref<40x125xi32, #tpu.memory_space<hbm>>
    tpu.wait_dma2 semaphore(%arg12 : memref<!tpu.dma_semaphore, #tpu.memory_space<semaphore_mem>>) src(%dma_wait3A_90 : memref<40x125xi32, #tpu.memory_space<hbm>>) dst(%arg7 : memref<40x125xi32, #tpu.memory_space<vmem>>)
    %dma_start3A_91 = arith.constant 0 : i32
    %dma_start3A_92 = arith.constant 0 : i32
    %dma_start3A_93 = tpu.memref_slice %arg6[%dma_start3A_91, %dma_start3A_92] : memref<40x125xi32, #tpu.memory_space<vmem>> -> memref<1x125xi32, #tpu.memory_space<vmem>>
    %dma_start3A_94 = tpu.memref_squeeze %dma_start3A_93 : memref<1x125xi32, #tpu.memory_space<vmem>> -> memref<125xi32, #tpu.memory_space<vmem>>
    %dma_start3A_95 = arith.constant 0 : i32
    %dma_start3A_96 = arith.constant 0 : i32
    %dma_start3A_97 = tpu.memref_slice %arg2[%dma_start3A_95, %dma_start3A_96] : memref<10000x128xf32, #tpu.memory_space<hbm>> -> memref<10000x128xf32, #tpu.memory_space<hbm>>
    tpu.enqueue_indirect_dma source(%dma_start3A_97 : memref<10000x128xf32, #tpu.memory_space<hbm>>) target(%arg8 : memref<125x128xf32, #tpu.memory_space<vmem>>) offsets(%dma_start3A_94 : memref<125xi32, #tpu.memory_space<vmem>>) semaphore(%arg11 : memref<!tpu.dma_semaphore, #tpu.memory_space<semaphore_mem>>)
    %scan3A_98 = arith.constant 0 : i32
    %scan3A_99 = arith.constant 0 : i32
    %scan3A_100 = arith.constant 20 : i32
    %scan3A_101 = arith.addi %scan3A_99, %scan3A_100 : i32
    %scan3A_102 = arith.constant 1 : i32
    scf.for %scan3A_149 = %scan3A_99 to %scan3A_101 step %scan3A_102  : i32 {
      %mul3A_150 = arith.constant 2 : i32
      %mul3A_151 = arith.muli %mul3A_150, %scan3A_149 : i32
      %add3A_152 = arith.constant 1 : i32
      %add3A_153 = arith.addi %mul3A_151, %add3A_152 : i32
      %dma_start3A_154 = arith.constant 0 : i32
      %dma_start3A_155 = tpu.memref_slice %arg6[%add3A_153, %dma_start3A_154] : memref<40x125xi32, #tpu.memory_space<vmem>> -> memref<1x125xi32, #tpu.memory_space<vmem>>
      %dma_start3A_156 = tpu.memref_squeeze %dma_start3A_155 : memref<1x125xi32, #tpu.memory_space<vmem>> -> memref<125xi32, #tpu.memory_space<vmem>>
      %dma_start3A_157 = arith.constant 0 : i32
      %dma_start3A_158 = arith.constant 0 : i32
      %dma_start3A_159 = tpu.memref_slice %arg2[%dma_start3A_157, %dma_start3A_158] : memref<10000x128xf32, #tpu.memory_space<hbm>> -> memref<10000x128xf32, #tpu.memory_space<hbm>>
      tpu.enqueue_indirect_dma source(%dma_start3A_159 : memref<10000x128xf32, #tpu.memory_space<hbm>>) target(%arg9 : memref<125x128xf32, #tpu.memory_space<vmem>>) offsets(%dma_start3A_156 : memref<125xi32, #tpu.memory_space<vmem>>) semaphore(%arg12 : memref<!tpu.dma_semaphore, #tpu.memory_space<semaphore_mem>>)
      %dma_wait3A_160 = arith.constant 0 : i32
      %dma_wait3A_161 = tpu.memref_slice %arg6[%mul3A_151, %dma_wait3A_160] : memref<40x125xi32, #tpu.memory_space<vmem>> -> memref<1x125xi32, #tpu.memory_space<vmem>>
      %dma_wait3A_162 = tpu.memref_squeeze %dma_wait3A_161 : memref<1x125xi32, #tpu.memory_space<vmem>> -> memref<125xi32, #tpu.memory_space<vmem>>
      %dma_wait3A_163 = arith.constant 0 : i32
      %dma_wait3A_164 = arith.constant 0 : i32
      %dma_wait3A_165 = tpu.memref_slice %arg2[%dma_wait3A_163, %dma_wait3A_164] : memref<10000x128xf32, #tpu.memory_space<hbm>> -> memref<10000x128xf32, #tpu.memory_space<hbm>>
      tpu.wait_indirect_dma semaphore(%arg11 : memref<!tpu.dma_semaphore, #tpu.memory_space<semaphore_mem>>) src(%dma_wait3A_165 : memref<10000x128xf32, #tpu.memory_space<hbm>>) dst(%arg8 : memref<125x128xf32, #tpu.memory_space<vmem>>)
      "tpu.region"() ({
        %run_scoped3A = tpu.sem_alloc : memref<!tpu.dma_semaphore, #tpu.memory_space<semaphore_mem>>
        %dma_start3A_178 = arith.constant 0 : i32
        %dma_start3A_179 = tpu.memref_slice %arg7[%mul3A_151, %dma_start3A_178] : memref<40x125xi32, #tpu.memory_space<vmem>> -> memref<1x125xi32, #tpu.memory_space<vmem>>
        %dma_start3A_180 = tpu.memref_squeeze %dma_start3A_179 : memref<1x125xi32, #tpu.memory_space<vmem>> -> memref<125xi32, #tpu.memory_space<vmem>>
        %dma_start3A_181 = arith.constant 0 : i32
        %dma_start3A_182 = arith.constant 0 : i32
        %dma_start3A_183 = tpu.memref_slice %arg10[%dma_start3A_181, %dma_start3A_182] : memref<10000x128xf32, #tpu.memory_space<vmem_shared>> -> memref<10000x128xf32, #tpu.memory_space<vmem_shared>>
        tpu.enqueue_indirect_dma source(%arg8 : memref<125x128xf32, #tpu.memory_space<vmem>>) target(%dma_start3A_183 : memref<10000x128xf32, #tpu.memory_space<vmem_shared>>) offsets(%dma_start3A_180 : memref<125xi32, #tpu.memory_space<vmem>>) semaphore(%run_scoped3A : memref<!tpu.dma_semaphore, #tpu.memory_space<semaphore_mem>>) {add = true}
        %dma_wait3A_184 = arith.constant 0 : i32
        %dma_wait3A_185 = tpu.memref_slice %arg7[%mul3A_151, %dma_wait3A_184] : memref<40x125xi32, #tpu.memory_space<vmem>> -> memref<1x125xi32, #tpu.memory_space<vmem>>
        %dma_wait3A_186 = tpu.memref_squeeze %dma_wait3A_185 : memref<1x125xi32, #tpu.memory_space<vmem>> -> memref<125xi32, #tpu.memory_space<vmem>>
        %dma_wait3A_187 = arith.constant 0 : i32
        %dma_wait3A_188 = arith.constant 0 : i32
        %dma_wait3A_189 = tpu.memref_slice %arg10[%dma_wait3A_187, %dma_wait3A_188] : memref<10000x128xf32, #tpu.memory_space<vmem_shared>> -> memref<10000x128xf32, #tpu.memory_space<vmem_shared>>
        tpu.wait_indirect_dma semaphore(%run_scoped3A : memref<!tpu.dma_semaphore, #tpu.memory_space<semaphore_mem>>) src(%arg8 : memref<125x128xf32, #tpu.memory_space<vmem>>) dst(%dma_wait3A_189 : memref<10000x128xf32, #tpu.memory_space<vmem_shared>>)
        tpu.yield
      }) : () -> ()
      %lt3A = arith.constant 19 : i32
      %lt3A_166 = arith.cmpi slt, %scan3A_149, %lt3A : i32
      %convert_element_type3A = arith.extui %lt3A_166 : i1 to i32
      %cond3A = arith.constant 0 : i32
      %cond3A_167 = arith.cmpi ne, %convert_element_type3A, %cond3A : i32
      scf.if %cond3A_167 {
        %add3A_178 = arith.constant 2 : i32
        %add3A_179 = arith.addi %mul3A_151, %add3A_178 : i32
        %dma_start3A_180 = arith.constant 0 : i32
        %dma_start3A_181 = tpu.memref_slice %arg6[%add3A_179, %dma_start3A_180] : memref<40x125xi32, #tpu.memory_space<vmem>> -> memref<1x125xi32, #tpu.memory_space<vmem>>
        %dma_start3A_182 = tpu.memref_squeeze %dma_start3A_181 : memref<1x125xi32, #tpu.memory_space<vmem>> -> memref<125xi32, #tpu.memory_space<vmem>>
        %dma_start3A_183 = arith.constant 0 : i32
        %dma_start3A_184 = arith.constant 0 : i32
        %dma_start3A_185 = tpu.memref_slice %arg2[%dma_start3A_183, %dma_start3A_184] : memref<10000x128xf32, #tpu.memory_space<hbm>> -> memref<10000x128xf32, #tpu.memory_space<hbm>>
        tpu.enqueue_indirect_dma source(%dma_start3A_185 : memref<10000x128xf32, #tpu.memory_space<hbm>>) target(%arg8 : memref<125x128xf32, #tpu.memory_space<vmem>>) offsets(%dma_start3A_182 : memref<125xi32, #tpu.memory_space<vmem>>) semaphore(%arg11 : memref<!tpu.dma_semaphore, #tpu.memory_space<semaphore_mem>>)
      } else {
      }
      %add3A_168 = arith.constant 1 : i32
      %add3A_169 = arith.addi %mul3A_151, %add3A_168 : i32
      %dma_wait3A_170 = arith.constant 0 : i32
      %dma_wait3A_171 = tpu.memref_slice %arg6[%add3A_169, %dma_wait3A_170] : memref<40x125xi32, #tpu.memory_space<vmem>> -> memref<1x125xi32, #tpu.memory_space<vmem>>
      %dma_wait3A_172 = tpu.memref_squeeze %dma_wait3A_171 : memref<1x125xi32, #tpu.memory_space<vmem>> -> memref<125xi32, #tpu.memory_space<vmem>>
      %dma_wait3A_173 = arith.constant 0 : i32
      %dma_wait3A_174 = arith.constant 0 : i32
      %dma_wait3A_175 = tpu.memref_slice %arg2[%dma_wait3A_173, %dma_wait3A_174] : memref<10000x128xf32, #tpu.memory_space<hbm>> -> memref<10000x128xf32, #tpu.memory_space<hbm>>
      tpu.wait_indirect_dma semaphore(%arg12 : memref<!tpu.dma_semaphore, #tpu.memory_space<semaphore_mem>>) src(%dma_wait3A_175 : memref<10000x128xf32, #tpu.memory_space<hbm>>) dst(%arg9 : memref<125x128xf32, #tpu.memory_space<vmem>>)
      %add3A_176 = arith.constant 1 : i32
      %add3A_177 = arith.addi %mul3A_151, %add3A_176 : i32
      "tpu.region"() ({
        %run_scoped3A = tpu.sem_alloc : memref<!tpu.dma_semaphore, #tpu.memory_space<semaphore_mem>>
        %dma_start3A_178 = arith.constant 0 : i32
        %dma_start3A_179 = tpu.memref_slice %arg7[%add3A_177, %dma_start3A_178] : memref<40x125xi32, #tpu.memory_space<vmem>> -> memref<1x125xi32, #tpu.memory_space<vmem>>
        %dma_start3A_180 = tpu.memref_squeeze %dma_start3A_179 : memref<1x125xi32, #tpu.memory_space<vmem>> -> memref<125xi32, #tpu.memory_space<vmem>>
        %dma_start3A_181 = arith.constant 0 : i32
        %dma_start3A_182 = arith.constant 0 : i32
        %dma_start3A_183 = tpu.memref_slice %arg10[%dma_start3A_181, %dma_start3A_182] : memref<10000x128xf32, #tpu.memory_space<vmem_shared>> -> memref<10000x128xf32, #tpu.memory_space<vmem_shared>>
        tpu.enqueue_indirect_dma source(%arg9 : memref<125x128xf32, #tpu.memory_space<vmem>>) target(%dma_start3A_183 : memref<10000x128xf32, #tpu.memory_space<vmem_shared>>) offsets(%dma_start3A_180 : memref<125xi32, #tpu.memory_space<vmem>>) semaphore(%run_scoped3A : memref<!tpu.dma_semaphore, #tpu.memory_space<semaphore_mem>>) {add = true}
        %dma_wait3A_184 = arith.constant 0 : i32
        %dma_wait3A_185 = tpu.memref_slice %arg7[%add3A_177, %dma_wait3A_184] : memref<40x125xi32, #tpu.memory_space<vmem>> -> memref<1x125xi32, #tpu.memory_space<vmem>>
        %dma_wait3A_186 = tpu.memref_squeeze %dma_wait3A_185 : memref<1x125xi32, #tpu.memory_space<vmem>> -> memref<125xi32, #tpu.memory_space<vmem>>
        %dma_wait3A_187 = arith.constant 0 : i32
        %dma_wait3A_188 = arith.constant 0 : i32
        %dma_wait3A_189 = tpu.memref_slice %arg10[%dma_wait3A_187, %dma_wait3A_188] : memref<10000x128xf32, #tpu.memory_space<vmem_shared>> -> memref<10000x128xf32, #tpu.memory_space<vmem_shared>>
        tpu.wait_indirect_dma semaphore(%run_scoped3A : memref<!tpu.dma_semaphore, #tpu.memory_space<semaphore_mem>>) src(%arg9 : memref<125x128xf32, #tpu.memory_space<vmem>>) dst(%dma_wait3A_189 : memref<10000x128xf32, #tpu.memory_space<vmem_shared>>)
        tpu.yield
      }) : () -> ()
    }
    %scan3A_103 = arith.constant 20 : i32
    %mul3A_104 = arith.constant 80 : i32
    %mul3A_105 = arith.muli %add3A, %mul3A_104 : i32
    %add3A_106 = arith.constant 40 : i32
    %add3A_107 = arith.addi %mul3A_105, %add3A_106 : i32
    %mul3A_108 = arith.constant 80 : i32
    %mul3A_109 = arith.muli %add3A, %mul3A_108 : i32
    %add3A_110 = arith.constant 40 : i32
    %add3A_111 = arith.addi %mul3A_109, %add3A_110 : i32
    %dma_start3A_112 = arith.constant 0 : i32
    %dma_start3A_113 = tpu.memref_slice %arg3[%add3A_107, %dma_start3A_112] : memref<2560x125xi32, #tpu.memory_space<hbm>> -> memref<40x125xi32, #tpu.memory_space<hbm>>
    %dma_start3A_114 = arith.constant 0 : i32
    %dma_start3A_115 = tpu.memref_slice %arg3[%add3A_107, %dma_start3A_114] : memref<2560x125xi32, #tpu.memory_space<hbm>> -> memref<40x125xi32, #tpu.memory_space<hbm>>
    tpu.enqueue_dma source(%dma_start3A_115 : memref<40x125xi32, #tpu.memory_space<hbm>>) target(%arg6 : memref<40x125xi32, #tpu.memory_space<vmem>>) target_semaphore(%arg11 : memref<!tpu.dma_semaphore, #tpu.memory_space<semaphore_mem>>)
    %dma_start3A_116 = arith.constant 0 : i32
    %dma_start3A_117 = tpu.memref_slice %arg4[%add3A_111, %dma_start3A_116] : memref<2560x125xi32, #tpu.memory_space<hbm>> -> memref<40x125xi32, #tpu.memory_space<hbm>>
    %dma_start3A_118 = arith.constant 0 : i32
    %dma_start3A_119 = tpu.memref_slice %arg4[%add3A_111, %dma_start3A_118] : memref<2560x125xi32, #tpu.memory_space<hbm>> -> memref<40x125xi32, #tpu.memory_space<hbm>>
    tpu.enqueue_dma source(%dma_start3A_119 : memref<40x125xi32, #tpu.memory_space<hbm>>) target(%arg7 : memref<40x125xi32, #tpu.memory_space<vmem>>) target_semaphore(%arg12 : memref<!tpu.dma_semaphore, #tpu.memory_space<semaphore_mem>>)
    %dma_wait3A_120 = arith.constant 0 : i32
    %dma_wait3A_121 = tpu.memref_slice %arg3[%add3A_107, %dma_wait3A_120] : memref<2560x125xi32, #tpu.memory_space<hbm>> -> memref<40x125xi32, #tpu.memory_space<hbm>>
    %dma_wait3A_122 = arith.constant 0 : i32
    %dma_wait3A_123 = tpu.memref_slice %arg3[%add3A_107, %dma_wait3A_122] : memref<2560x125xi32, #tpu.memory_space<hbm>> -> memref<40x125xi32, #tpu.memory_space<hbm>>
    tpu.wait_dma2 semaphore(%arg11 : memref<!tpu.dma_semaphore, #tpu.memory_space<semaphore_mem>>) src(%dma_wait3A_123 : memref<40x125xi32, #tpu.memory_space<hbm>>) dst(%arg6 : memref<40x125xi32, #tpu.memory_space<vmem>>)
    %dma_wait3A_124 = arith.constant 0 : i32
    %dma_wait3A_125 = tpu.memref_slice %arg4[%add3A_111, %dma_wait3A_124] : memref<2560x125xi32, #tpu.memory_space<hbm>> -> memref<40x125xi32, #tpu.memory_space<hbm>>
    %dma_wait3A_126 = arith.constant 0 : i32
    %dma_wait3A_127 = tpu.memref_slice %arg4[%add3A_111, %dma_wait3A_126] : memref<2560x125xi32, #tpu.memory_space<hbm>> -> memref<40x125xi32, #tpu.memory_space<hbm>>
    tpu.wait_dma2 semaphore(%arg12 : memref<!tpu.dma_semaphore, #tpu.memory_space<semaphore_mem>>) src(%dma_wait3A_127 : memref<40x125xi32, #tpu.memory_space<hbm>>) dst(%arg7 : memref<40x125xi32, #tpu.memory_space<vmem>>)
    %dma_start3A_128 = arith.constant 0 : i32
    %dma_start3A_129 = arith.constant 0 : i32
    %dma_start3A_130 = tpu.memref_slice %arg6[%dma_start3A_128, %dma_start3A_129] : memref<40x125xi32, #tpu.memory_space<vmem>> -> memref<1x125xi32, #tpu.memory_space<vmem>>
    %dma_start3A_131 = tpu.memref_squeeze %dma_start3A_130 : memref<1x125xi32, #tpu.memory_space<vmem>> -> memref<125xi32, #tpu.memory_space<vmem>>
    %dma_start3A_132 = arith.constant 0 : i32
    %dma_start3A_133 = arith.constant 0 : i32
    %dma_start3A_134 = tpu.memref_slice %arg2[%dma_start3A_132, %dma_start3A_133] : memref<10000x128xf32, #tpu.memory_space<hbm>> -> memref<10000x128xf32, #tpu.memory_space<hbm>>
    tpu.enqueue_indirect_dma source(%dma_start3A_134 : memref<10000x128xf32, #tpu.memory_space<hbm>>) target(%arg8 : memref<125x128xf32, #tpu.memory_space<vmem>>) offsets(%dma_start3A_131 : memref<125xi32, #tpu.memory_space<vmem>>) semaphore(%arg11 : memref<!tpu.dma_semaphore, #tpu.memory_space<semaphore_mem>>)
    %scan3A_135 = arith.constant 0 : i32
    %scan3A_136 = arith.constant 0 : i32
    %scan3A_137 = arith.constant 20 : i32
    %scan3A_138 = arith.addi %scan3A_136, %scan3A_137 : i32
    %scan3A_139 = arith.constant 1 : i32
    scf.for %scan3A_149 = %scan3A_136 to %scan3A_138 step %scan3A_139  : i32 {
      %mul3A_150 = arith.constant 2 : i32
      %mul3A_151 = arith.muli %mul3A_150, %scan3A_149 : i32
      %add3A_152 = arith.constant 1 : i32
      %add3A_153 = arith.addi %mul3A_151, %add3A_152 : i32
      %dma_start3A_154 = arith.constant 0 : i32
      %dma_start3A_155 = tpu.memref_slice %arg6[%add3A_153, %dma_start3A_154] : memref<40x125xi32, #tpu.memory_space<vmem>> -> memref<1x125xi32, #tpu.memory_space<vmem>>
      %dma_start3A_156 = tpu.memref_squeeze %dma_start3A_155 : memref<1x125xi32, #tpu.memory_space<vmem>> -> memref<125xi32, #tpu.memory_space<vmem>>
      %dma_start3A_157 = arith.constant 0 : i32
      %dma_start3A_158 = arith.constant 0 : i32
      %dma_start3A_159 = tpu.memref_slice %arg2[%dma_start3A_157, %dma_start3A_158] : memref<10000x128xf32, #tpu.memory_space<hbm>> -> memref<10000x128xf32, #tpu.memory_space<hbm>>
      tpu.enqueue_indirect_dma source(%dma_start3A_159 : memref<10000x128xf32, #tpu.memory_space<hbm>>) target(%arg9 : memref<125x128xf32, #tpu.memory_space<vmem>>) offsets(%dma_start3A_156 : memref<125xi32, #tpu.memory_space<vmem>>) semaphore(%arg12 : memref<!tpu.dma_semaphore, #tpu.memory_space<semaphore_mem>>)
      %dma_wait3A_160 = arith.constant 0 : i32
      %dma_wait3A_161 = tpu.memref_slice %arg6[%mul3A_151, %dma_wait3A_160] : memref<40x125xi32, #tpu.memory_space<vmem>> -> memref<1x125xi32, #tpu.memory_space<vmem>>
      %dma_wait3A_162 = tpu.memref_squeeze %dma_wait3A_161 : memref<1x125xi32, #tpu.memory_space<vmem>> -> memref<125xi32, #tpu.memory_space<vmem>>
      %dma_wait3A_163 = arith.constant 0 : i32
      %dma_wait3A_164 = arith.constant 0 : i32
      %dma_wait3A_165 = tpu.memref_slice %arg2[%dma_wait3A_163, %dma_wait3A_164] : memref<10000x128xf32, #tpu.memory_space<hbm>> -> memref<10000x128xf32, #tpu.memory_space<hbm>>
      tpu.wait_indirect_dma semaphore(%arg11 : memref<!tpu.dma_semaphore, #tpu.memory_space<semaphore_mem>>) src(%dma_wait3A_165 : memref<10000x128xf32, #tpu.memory_space<hbm>>) dst(%arg8 : memref<125x128xf32, #tpu.memory_space<vmem>>)
      "tpu.region"() ({
        %run_scoped3A = tpu.sem_alloc : memref<!tpu.dma_semaphore, #tpu.memory_space<semaphore_mem>>
        %dma_start3A_178 = arith.constant 0 : i32
        %dma_start3A_179 = tpu.memref_slice %arg7[%mul3A_151, %dma_start3A_178] : memref<40x125xi32, #tpu.memory_space<vmem>> -> memref<1x125xi32, #tpu.memory_space<vmem>>
        %dma_start3A_180 = tpu.memref_squeeze %dma_start3A_179 : memref<1x125xi32, #tpu.memory_space<vmem>> -> memref<125xi32, #tpu.memory_space<vmem>>
        %dma_start3A_181 = arith.constant 0 : i32
        %dma_start3A_182 = arith.constant 0 : i32
        %dma_start3A_183 = tpu.memref_slice %arg10[%dma_start3A_181, %dma_start3A_182] : memref<10000x128xf32, #tpu.memory_space<vmem_shared>> -> memref<10000x128xf32, #tpu.memory_space<vmem_shared>>
        tpu.enqueue_indirect_dma source(%arg8 : memref<125x128xf32, #tpu.memory_space<vmem>>) target(%dma_start3A_183 : memref<10000x128xf32, #tpu.memory_space<vmem_shared>>) offsets(%dma_start3A_180 : memref<125xi32, #tpu.memory_space<vmem>>) semaphore(%run_scoped3A : memref<!tpu.dma_semaphore, #tpu.memory_space<semaphore_mem>>) {add = true}
        %dma_wait3A_184 = arith.constant 0 : i32
        %dma_wait3A_185 = tpu.memref_slice %arg7[%mul3A_151, %dma_wait3A_184] : memref<40x125xi32, #tpu.memory_space<vmem>> -> memref<1x125xi32, #tpu.memory_space<vmem>>
        %dma_wait3A_186 = tpu.memref_squeeze %dma_wait3A_185 : memref<1x125xi32, #tpu.memory_space<vmem>> -> memref<125xi32, #tpu.memory_space<vmem>>
        %dma_wait3A_187 = arith.constant 0 : i32
        %dma_wait3A_188 = arith.constant 0 : i32
        %dma_wait3A_189 = tpu.memref_slice %arg10[%dma_wait3A_187, %dma_wait3A_188] : memref<10000x128xf32, #tpu.memory_space<vmem_shared>> -> memref<10000x128xf32, #tpu.memory_space<vmem_shared>>
        tpu.wait_indirect_dma semaphore(%run_scoped3A : memref<!tpu.dma_semaphore, #tpu.memory_space<semaphore_mem>>) src(%arg8 : memref<125x128xf32, #tpu.memory_space<vmem>>) dst(%dma_wait3A_189 : memref<10000x128xf32, #tpu.memory_space<vmem_shared>>)
        tpu.yield
      }) : () -> ()
      %lt3A = arith.constant 19 : i32
      %lt3A_166 = arith.cmpi slt, %scan3A_149, %lt3A : i32
      %convert_element_type3A = arith.extui %lt3A_166 : i1 to i32
      %cond3A = arith.constant 0 : i32
      %cond3A_167 = arith.cmpi ne, %convert_element_type3A, %cond3A : i32
      scf.if %cond3A_167 {
        %add3A_178 = arith.constant 2 : i32
        %add3A_179 = arith.addi %mul3A_151, %add3A_178 : i32
        %dma_start3A_180 = arith.constant 0 : i32
        %dma_start3A_181 = tpu.memref_slice %arg6[%add3A_179, %dma_start3A_180] : memref<40x125xi32, #tpu.memory_space<vmem>> -> memref<1x125xi32, #tpu.memory_space<vmem>>
        %dma_start3A_182 = tpu.memref_squeeze %dma_start3A_181 : memref<1x125xi32, #tpu.memory_space<vmem>> -> memref<125xi32, #tpu.memory_space<vmem>>
        %dma_start3A_183 = arith.constant 0 : i32
        %dma_start3A_184 = arith.constant 0 : i32
        %dma_start3A_185 = tpu.memref_slice %arg2[%dma_start3A_183, %dma_start3A_184] : memref<10000x128xf32, #tpu.memory_space<hbm>> -> memref<10000x128xf32, #tpu.memory_space<hbm>>
        tpu.enqueue_indirect_dma source(%dma_start3A_185 : memref<10000x128xf32, #tpu.memory_space<hbm>>) target(%arg8 : memref<125x128xf32, #tpu.memory_space<vmem>>) offsets(%dma_start3A_182 : memref<125xi32, #tpu.memory_space<vmem>>) semaphore(%arg11 : memref<!tpu.dma_semaphore, #tpu.memory_space<semaphore_mem>>)
      } else {
      }
      %add3A_168 = arith.constant 1 : i32
      %add3A_169 = arith.addi %mul3A_151, %add3A_168 : i32
      %dma_wait3A_170 = arith.constant 0 : i32
      %dma_wait3A_171 = tpu.memref_slice %arg6[%add3A_169, %dma_wait3A_170] : memref<40x125xi32, #tpu.memory_space<vmem>> -> memref<1x125xi32, #tpu.memory_space<vmem>>
      %dma_wait3A_172 = tpu.memref_squeeze %dma_wait3A_171 : memref<1x125xi32, #tpu.memory_space<vmem>> -> memref<125xi32, #tpu.memory_space<vmem>>
      %dma_wait3A_173 = arith.constant 0 : i32
      %dma_wait3A_174 = arith.constant 0 : i32
      %dma_wait3A_175 = tpu.memref_slice %arg2[%dma_wait3A_173, %dma_wait3A_174] : memref<10000x128xf32, #tpu.memory_space<hbm>> -> memref<10000x128xf32, #tpu.memory_space<hbm>>
      tpu.wait_indirect_dma semaphore(%arg12 : memref<!tpu.dma_semaphore, #tpu.memory_space<semaphore_mem>>) src(%dma_wait3A_175 : memref<10000x128xf32, #tpu.memory_space<hbm>>) dst(%arg9 : memref<125x128xf32, #tpu.memory_space<vmem>>)
      %add3A_176 = arith.constant 1 : i32
      %add3A_177 = arith.addi %mul3A_151, %add3A_176 : i32
      "tpu.region"() ({
        %run_scoped3A = tpu.sem_alloc : memref<!tpu.dma_semaphore, #tpu.memory_space<semaphore_mem>>
        %dma_start3A_178 = arith.constant 0 : i32
        %dma_start3A_179 = tpu.memref_slice %arg7[%add3A_177, %dma_start3A_178] : memref<40x125xi32, #tpu.memory_space<vmem>> -> memref<1x125xi32, #tpu.memory_space<vmem>>
        %dma_start3A_180 = tpu.memref_squeeze %dma_start3A_179 : memref<1x125xi32, #tpu.memory_space<vmem>> -> memref<125xi32, #tpu.memory_space<vmem>>
        %dma_start3A_181 = arith.constant 0 : i32
        %dma_start3A_182 = arith.constant 0 : i32
        %dma_start3A_183 = tpu.memref_slice %arg10[%dma_start3A_181, %dma_start3A_182] : memref<10000x128xf32, #tpu.memory_space<vmem_shared>> -> memref<10000x128xf32, #tpu.memory_space<vmem_shared>>
        tpu.enqueue_indirect_dma source(%arg9 : memref<125x128xf32, #tpu.memory_space<vmem>>) target(%dma_start3A_183 : memref<10000x128xf32, #tpu.memory_space<vmem_shared>>) offsets(%dma_start3A_180 : memref<125xi32, #tpu.memory_space<vmem>>) semaphore(%run_scoped3A : memref<!tpu.dma_semaphore, #tpu.memory_space<semaphore_mem>>) {add = true}
        %dma_wait3A_184 = arith.constant 0 : i32
        %dma_wait3A_185 = tpu.memref_slice %arg7[%add3A_177, %dma_wait3A_184] : memref<40x125xi32, #tpu.memory_space<vmem>> -> memref<1x125xi32, #tpu.memory_space<vmem>>
        %dma_wait3A_186 = tpu.memref_squeeze %dma_wait3A_185 : memref<1x125xi32, #tpu.memory_space<vmem>> -> memref<125xi32, #tpu.memory_space<vmem>>
        %dma_wait3A_187 = arith.constant 0 : i32
        %dma_wait3A_188 = arith.constant 0 : i32
        %dma_wait3A_189 = tpu.memref_slice %arg10[%dma_wait3A_187, %dma_wait3A_188] : memref<10000x128xf32, #tpu.memory_space<vmem_shared>> -> memref<10000x128xf32, #tpu.memory_space<vmem_shared>>
        tpu.wait_indirect_dma semaphore(%run_scoped3A : memref<!tpu.dma_semaphore, #tpu.memory_space<semaphore_mem>>) src(%arg9 : memref<125x128xf32, #tpu.memory_space<vmem>>) dst(%dma_wait3A_189 : memref<10000x128xf32, #tpu.memory_space<vmem_shared>>)
        tpu.yield
      }) : () -> ()
    }
    %scan3A_140 = arith.constant 20 : i32
    %barrier3A_141 = arith.constant 0 : index
    tpu.barrier barrier_id(%barrier3A_141)
    %mul3A_142 = arith.constant 625 : i32
    %mul3A_143 = arith.muli %arg1, %mul3A_142 : i32
    %mul3A_144 = arith.constant 10000 : i32
    %mul3A_145 = arith.muli %arg0, %mul3A_144 : i32
    %mul3A_146 = arith.constant 625 : i32
    %mul3A_147 = arith.muli %arg1, %mul3A_146 : i32
    %add3A_148 = arith.addi %mul3A_145, %mul3A_147 : i32
    "tpu.region"() ({
      %run_scoped3A = tpu.sem_alloc : memref<!tpu.dma_semaphore, #tpu.memory_space<semaphore_mem>>
      %dma_start3A_149 = arith.constant 0 : i32
      %dma_start3A_150 = tpu.memref_slice %arg5[%add3A_148, %dma_start3A_149] : memref<20000x128xf32, #tpu.memory_space<hbm>> -> memref<625x128xf32, #tpu.memory_space<hbm>>
      %dma_start3A_151 = arith.constant 0 : i32
      %dma_start3A_152 = tpu.memref_slice %arg10[%mul3A_143, %dma_start3A_151] : memref<10000x128xf32, #tpu.memory_space<vmem_shared>> -> memref<625x128xf32, #tpu.memory_space<vmem_shared>>
      tpu.enqueue_dma source(%dma_start3A_152 : memref<625x128xf32, #tpu.memory_space<vmem_shared>>) target(%dma_start3A_150 : memref<625x128xf32, #tpu.memory_space<hbm>>) target_semaphore(%run_scoped3A : memref<!tpu.dma_semaphore, #tpu.memory_space<semaphore_mem>>)
      %dma_wait3A_153 = arith.constant 0 : i32
      %dma_wait3A_154 = tpu.memref_slice %arg5[%add3A_148, %dma_wait3A_153] : memref<20000x128xf32, #tpu.memory_space<hbm>> -> memref<625x128xf32, #tpu.memory_space<hbm>>
      %dma_wait3A_155 = arith.constant 0 : i32
      %dma_wait3A_156 = tpu.memref_slice %arg10[%mul3A_143, %dma_wait3A_155] : memref<10000x128xf32, #tpu.memory_space<vmem_shared>> -> memref<625x128xf32, #tpu.memory_space<vmem_shared>>
      tpu.wait_dma2 semaphore(%run_scoped3A : memref<!tpu.dma_semaphore, #tpu.memory_space<semaphore_mem>>) src(%dma_wait3A_156 : memref<625x128xf32, #tpu.memory_space<vmem_shared>>) dst(%dma_wait3A_154 : memref<625x128xf32, #tpu.memory_space<hbm>>)
      tpu.yield
    }) : () -> ()
    return
  }
}

module attributes {stable_mosaic.version = 14 : i64} {
  func.func @body(%arg0: i32, %arg1: memref<400x128xf32, #tpu.memory_space<vmem>>, %arg2: memref<128x128xf32, #tpu.memory_space<vmem>>, %arg3: memref<1x128xf32, #tpu.memory_space<vmem>>, %arg4: memref<400x128xf32, #tpu.memory_space<vmem>>) attributes {dimension_semantics = [#tpu.dimension_semantics<arbitrary>], iteration_bounds = array<i64: 25>, scalar_prefetch = 0 : i64, scratch_operands = 0 : i64, tpu.core_type = #tpu.core_type<tc>, window_params = [{transform_indices = @transform_0, window_bounds = array<i64: 400, 128>}, {pipeline_mode = #tpu.pipeline_mode<synchronous>, transform_indices = @transform_1, window_bounds = array<i64: 128, 128>}, {pipeline_mode = #tpu.pipeline_mode<synchronous>, transform_indices = @transform_2, window_bounds = array<i64: 1, 128>}, {transform_indices = @transform_3, window_bounds = array<i64: 400, 128>}]} {
    %get3A = arith.constant 0 : index
    %get3A_0 = arith.constant 0 : index
    %get3A_1 = vector.load %arg1[%get3A, %get3A_0] : memref<400x128xf32, #tpu.memory_space<vmem>>, vector<400x128xf32>
    %get3A_2 = arith.constant 0 : index
    %get3A_3 = arith.constant 0 : index
    %get3A_4 = vector.load %arg2[%get3A_2, %get3A_3] : memref<128x128xf32, #tpu.memory_space<vmem>>, vector<128x128xf32>
    %dot_general3A = arith.constant dense<0.000000e+00> : vector<400x128xf32>
    %dot_general3A_5 = tpu.matmul %get3A_1, %get3A_4, %dot_general3A {dimension_numbers = #tpu.dot_dimension_numbers<[1], [1], [0], [0], [0, 0, 1, 0], [], []>, transpose_lhs_hint = false} : vector<400x128xf32>, vector<128x128xf32>, vector<400x128xf32> -> vector<400x128xf32>
    %get3A_6 = arith.constant 0 : index
    %get3A_7 = arith.constant 0 : index
    %get3A_8 = vector.load %arg3[%get3A_6, %get3A_7] : memref<1x128xf32, #tpu.memory_space<vmem>>, vector<1x128xf32>
    %add3A = vector.broadcast %get3A_8 : vector<1x128xf32> to vector<400x128xf32>
    %add3A_9 = arith.addf %dot_general3A_5, %add3A : vector<400x128xf32>
    %swap3A = arith.constant 0 : index
    %swap3A_10 = arith.constant 0 : index
    %swap3A_11 = vector.load %arg4[%swap3A, %swap3A_10] : memref<400x128xf32, #tpu.memory_space<vmem>>, vector<400x128xf32>
    tpu.vector_store %arg4[%swap3A, %swap3A_10], %add3A_9 {strides = array<i32>} : memref<400x128xf32, #tpu.memory_space<vmem>>, vector<400x128xf32>,
    return
  }
  func.func @transform_0(%arg0: i32) -> (i32, i32) {
    %c0_i32 = arith.constant 0 : i32
    %c0_i32_0 = arith.constant 0 : i32
    return %arg0, %c0_i32 : i32, i32
  }
  func.func @transform_1(%arg0: i32) -> (i32, i32) {
    %c0_i32 = arith.constant 0 : i32
    %c0_i32_0 = arith.constant 0 : i32
    %c0_i32_1 = arith.constant 0 : i32
    return %c0_i32, %c0_i32_0 : i32, i32
  }
  func.func @transform_2(%arg0: i32) -> (i32, i32) {
    %c0_i32 = arith.constant 0 : i32
    %c0_i32_0 = arith.constant 0 : i32
    %c0_i32_1 = arith.constant 0 : i32
    return %c0_i32, %c0_i32_0 : i32, i32
  }
  func.func @transform_3(%arg0: i32) -> (i32, i32) {
    %c0_i32 = arith.constant 0 : i32
    %c0_i32_0 = arith.constant 0 : i32
    return %arg0, %c0_i32 : i32, i32
  }
}

module attributes {stable_mosaic.version = 14 : i64} {
  func.func @body(%arg0: i32, %arg1: memref<400x128xf32, #tpu.memory_space<vmem>>, %arg2: memref<400x128xf32, #tpu.memory_space<vmem>>, %arg3: memref<400x1xf32, #tpu.memory_space<vmem>>, %arg4: memref<400x1xf32, #tpu.memory_space<vmem>>, %arg5: memref<400x128xf32, #tpu.memory_space<vmem>>, %arg6: memref<128x128xf32, #tpu.memory_space<vmem>>, %arg7: memref<400x128xf32, #tpu.memory_space<vmem>>, %arg8: memref<400x8xf32, #tpu.memory_space<vmem>>) attributes {dimension_semantics = [#tpu.dimension_semantics<arbitrary>], iteration_bounds = array<i64: 25>, scalar_prefetch = 0 : i64, scratch_operands = 0 : i64, tpu.core_type = #tpu.core_type<tc>, window_params = [{transform_indices = @transform_0, window_bounds = array<i64: 400, 128>}, {transform_indices = @transform_1, window_bounds = array<i64: 400, 128>}, {transform_indices = @transform_2, window_bounds = array<i64: 400, 1>}, {transform_indices = @transform_3, window_bounds = array<i64: 400, 1>}, {transform_indices = @transform_4, window_bounds = array<i64: 400, 128>}, {pipeline_mode = #tpu.pipeline_mode<synchronous>, transform_indices = @transform_5, window_bounds = array<i64: 128, 128>}, {transform_indices = @transform_6, window_bounds = array<i64: 400, 128>}, {transform_indices = @transform_7, window_bounds = array<i64: 400, 8>}]} {
    %get3A = arith.constant 0 : index
    %get3A_0 = arith.constant 0 : index
    %get3A_1 = vector.load %arg3[%get3A, %get3A_0] : memref<400x1xf32, #tpu.memory_space<vmem>>, vector<400x1xf32>
    %get3A_2 = arith.constant 0 : index
    %get3A_3 = arith.constant 0 : index
    %get3A_4 = vector.load %arg4[%get3A_2, %get3A_3] : memref<400x1xf32, #tpu.memory_space<vmem>>, vector<400x1xf32>
    %add3A = arith.addf %get3A_1, %get3A_4 : vector<400x1xf32>
    %max3A = arith.constant 1.000000e+00 : f32
    %max3A_5 = vector.broadcast %max3A : f32 to vector<400x1xf32>
    %max3A_6 = arith.maximumf %add3A, %max3A_5 : vector<400x1xf32>
    %div3A = arith.constant 1.000000e+00 : f32
    %div3A_7 = vector.broadcast %div3A : f32 to vector<400x1xf32>
    %div3A_8 = arith.divf %div3A_7, %max3A_6 : vector<400x1xf32>
    %get3A_9 = arith.constant 0 : index
    %get3A_10 = arith.constant 0 : index
    %get3A_11 = vector.load %arg1[%get3A_9, %get3A_10] : memref<400x128xf32, #tpu.memory_space<vmem>>, vector<400x128xf32>
    %get3A_12 = arith.constant 0 : index
    %get3A_13 = arith.constant 0 : index
    %get3A_14 = vector.load %arg2[%get3A_12, %get3A_13] : memref<400x128xf32, #tpu.memory_space<vmem>>, vector<400x128xf32>
    %add3A_15 = arith.addf %get3A_11, %get3A_14 : vector<400x128xf32>
    %mul3A = vector.broadcast %div3A_8 : vector<400x1xf32> to vector<400x128xf32>
    %mul3A_16 = arith.mulf %add3A_15, %mul3A : vector<400x128xf32>
    %get3A_17 = arith.constant 0 : index
    %get3A_18 = arith.constant 0 : index
    %get3A_19 = vector.load %arg6[%get3A_17, %get3A_18] : memref<128x128xf32, #tpu.memory_space<vmem>>, vector<128x128xf32>
    %dot_general3A = arith.constant dense<0.000000e+00> : vector<400x128xf32>
    %dot_general3A_20 = tpu.matmul %mul3A_16, %get3A_19, %dot_general3A {dimension_numbers = #tpu.dot_dimension_numbers<[1], [1], [0], [0], [0, 0, 1, 0], [], []>, transpose_lhs_hint = false} : vector<400x128xf32>, vector<128x128xf32>, vector<400x128xf32> -> vector<400x128xf32>
    %get3A_21 = arith.constant 0 : index
    %get3A_22 = arith.constant 0 : index
    %get3A_23 = vector.load %arg5[%get3A_21, %get3A_22] : memref<400x128xf32, #tpu.memory_space<vmem>>, vector<400x128xf32>
    %add3A_24 = arith.addf %dot_general3A_20, %get3A_23 : vector<400x128xf32>
    %max3A_25 = arith.constant 0.000000e+00 : f32
    %max3A_26 = vector.broadcast %max3A_25 : f32 to vector<400x128xf32>
    %max3A_27 = arith.maximumf %add3A_24, %max3A_26 : vector<400x128xf32>
    %swap3A = arith.constant 0 : index
    %swap3A_28 = arith.constant 0 : index
    %swap3A_29 = vector.load %arg7[%swap3A, %swap3A_28] : memref<400x128xf32, #tpu.memory_space<vmem>>, vector<400x128xf32>
    tpu.vector_store %arg7[%swap3A, %swap3A_28], %max3A_27 {strides = array<i32>} : memref<400x128xf32, #tpu.memory_space<vmem>>, vector<400x128xf32>,
    %broadcast_in_dim3A = vector.shape_cast %div3A_8 : vector<400x1xf32> to vector<400x1xf32>
    %broadcast_in_dim3A_30 = vector.broadcast %broadcast_in_dim3A : vector<400x1xf32> to vector<400x8xf32>
    %swap3A_31 = arith.constant 0 : index
    %swap3A_32 = arith.constant 0 : index
    %swap3A_33 = vector.load %arg8[%swap3A_31, %swap3A_32] : memref<400x8xf32, #tpu.memory_space<vmem>>, vector<400x8xf32>
    tpu.vector_store %arg8[%swap3A_31, %swap3A_32], %broadcast_in_dim3A_30 {strides = array<i32>} : memref<400x8xf32, #tpu.memory_space<vmem>>, vector<400x8xf32>,
    return
  }
  func.func @transform_0(%arg0: i32) -> (i32, i32) {
    %c0_i32 = arith.constant 0 : i32
    %c0_i32_0 = arith.constant 0 : i32
    return %arg0, %c0_i32 : i32, i32
  }
  func.func @transform_1(%arg0: i32) -> (i32, i32) {
    %add3A = arith.constant 25 : i32
    %add3A_0 = arith.addi %arg0, %add3A : i32
    %c0_i32 = arith.constant 0 : i32
    %c0_i32_1 = arith.constant 0 : i32
    return %add3A_0, %c0_i32 : i32, i32
  }
  func.func @transform_2(%arg0: i32) -> (i32, i32) {
    %c0_i32 = arith.constant 0 : i32
    %c0_i32_0 = arith.constant 0 : i32
    return %arg0, %c0_i32 : i32, i32
  }
  func.func @transform_3(%arg0: i32) -> (i32, i32) {
    %c0_i32 = arith.constant 0 : i32
    %c0_i32_0 = arith.constant 0 : i32
    return %arg0, %c0_i32 : i32, i32
  }
  func.func @transform_4(%arg0: i32) -> (i32, i32) {
    %c0_i32 = arith.constant 0 : i32
    %c0_i32_0 = arith.constant 0 : i32
    return %arg0, %c0_i32 : i32, i32
  }
  func.func @transform_5(%arg0: i32) -> (i32, i32) {
    %c0_i32 = arith.constant 0 : i32
    %c0_i32_0 = arith.constant 0 : i32
    %c0_i32_1 = arith.constant 0 : i32
    return %c0_i32, %c0_i32_0 : i32, i32
  }
  func.func @transform_6(%arg0: i32) -> (i32, i32) {
    %c0_i32 = arith.constant 0 : i32
    %c0_i32_0 = arith.constant 0 : i32
    return %arg0, %c0_i32 : i32, i32
  }
  func.func @transform_7(%arg0: i32) -> (i32, i32) {
    %c0_i32 = arith.constant 0 : i32
    %c0_i32_0 = arith.constant 0 : i32
    return %arg0, %c0_i32 : i32, i32
  }
}

module attributes {stable_mosaic.version = 14 : i64} {
  func.func @body(%arg0: i32, %arg1: memref<400x128xf32, #tpu.memory_space<vmem>>, %arg2: memref<400x128xf32, #tpu.memory_space<vmem>>, %arg3: memref<400x128xf32, #tpu.memory_space<vmem>>, %arg4: memref<400x8xf32, #tpu.memory_space<vmem>>, %arg5: memref<128x128xf32, #tpu.memory_space<vmem>>, %arg6: memref<400x128xf32, #tpu.memory_space<vmem>>) attributes {dimension_semantics = [#tpu.dimension_semantics<arbitrary>], iteration_bounds = array<i64: 25>, scalar_prefetch = 0 : i64, scratch_operands = 0 : i64, tpu.core_type = #tpu.core_type<tc>, window_params = [{transform_indices = @transform_0, window_bounds = array<i64: 400, 128>}, {transform_indices = @transform_1, window_bounds = array<i64: 400, 128>}, {transform_indices = @transform_2, window_bounds = array<i64: 400, 128>}, {transform_indices = @transform_3, window_bounds = array<i64: 400, 8>}, {pipeline_mode = #tpu.pipeline_mode<synchronous>, transform_indices = @transform_4, window_bounds = array<i64: 128, 128>}, {transform_indices = @transform_5, window_bounds = array<i64: 400, 128>}]} {
    %get3A = arith.constant 0 : index
    %get3A_0 = arith.constant 0 : index
    %get3A_1 = vector.load %arg1[%get3A, %get3A_0] : memref<400x128xf32, #tpu.memory_space<vmem>>, vector<400x128xf32>
    %get3A_2 = arith.constant 0 : index
    %get3A_3 = arith.constant 0 : index
    %get3A_4 = vector.load %arg2[%get3A_2, %get3A_3] : memref<400x128xf32, #tpu.memory_space<vmem>>, vector<400x128xf32>
    %add3A = arith.addf %get3A_1, %get3A_4 : vector<400x128xf32>
    %get3A_5 = arith.constant 0 : index
    %get3A_6 = arith.constant 0 : index
    %get3A_7 = vector.load %arg4[%get3A_5, %get3A_6] : memref<400x8xf32, #tpu.memory_space<vmem>>, vector<400x1xf32>
    %mul3A = vector.broadcast %get3A_7 : vector<400x1xf32> to vector<400x128xf32>
    %mul3A_8 = arith.mulf %add3A, %mul3A : vector<400x128xf32>
    %get3A_9 = arith.constant 0 : index
    %get3A_10 = arith.constant 0 : index
    %get3A_11 = vector.load %arg5[%get3A_9, %get3A_10] : memref<128x128xf32, #tpu.memory_space<vmem>>, vector<128x128xf32>
    %dot_general3A = arith.constant dense<0.000000e+00> : vector<400x128xf32>
    %dot_general3A_12 = tpu.matmul %mul3A_8, %get3A_11, %dot_general3A {dimension_numbers = #tpu.dot_dimension_numbers<[1], [1], [0], [0], [0, 0, 1, 0], [], []>, transpose_lhs_hint = false} : vector<400x128xf32>, vector<128x128xf32>, vector<400x128xf32> -> vector<400x128xf32>
    %get3A_13 = arith.constant 0 : index
    %get3A_14 = arith.constant 0 : index
    %get3A_15 = vector.load %arg3[%get3A_13, %get3A_14] : memref<400x128xf32, #tpu.memory_space<vmem>>, vector<400x128xf32>
    %add3A_16 = arith.addf %dot_general3A_12, %get3A_15 : vector<400x128xf32>
    %swap3A = arith.constant 0 : index
    %swap3A_17 = arith.constant 0 : index
    %swap3A_18 = vector.load %arg6[%swap3A, %swap3A_17] : memref<400x128xf32, #tpu.memory_space<vmem>>, vector<400x128xf32>
    tpu.vector_store %arg6[%swap3A, %swap3A_17], %add3A_16 {strides = array<i32>} : memref<400x128xf32, #tpu.memory_space<vmem>>, vector<400x128xf32>,
    return
  }
  func.func @transform_0(%arg0: i32) -> (i32, i32) {
    %c0_i32 = arith.constant 0 : i32
    %c0_i32_0 = arith.constant 0 : i32
    return %arg0, %c0_i32 : i32, i32
  }
  func.func @transform_1(%arg0: i32) -> (i32, i32) {
    %add3A = arith.constant 25 : i32
    %add3A_0 = arith.addi %arg0, %add3A : i32
    %c0_i32 = arith.constant 0 : i32
    %c0_i32_1 = arith.constant 0 : i32
    return %add3A_0, %c0_i32 : i32, i32
  }
  func.func @transform_2(%arg0: i32) -> (i32, i32) {
    %c0_i32 = arith.constant 0 : i32
    %c0_i32_0 = arith.constant 0 : i32
    return %arg0, %c0_i32 : i32, i32
  }
  func.func @transform_3(%arg0: i32) -> (i32, i32) {
    %c0_i32 = arith.constant 0 : i32
    %c0_i32_0 = arith.constant 0 : i32
    return %arg0, %c0_i32 : i32, i32
  }
  func.func @transform_4(%arg0: i32) -> (i32, i32) {
    %c0_i32 = arith.constant 0 : i32
    %c0_i32_0 = arith.constant 0 : i32
    %c0_i32_1 = arith.constant 0 : i32
    return %c0_i32, %c0_i32_0 : i32, i32
  }
  func.func @transform_5(%arg0: i32) -> (i32, i32) {
    %c0_i32 = arith.constant 0 : i32
    %c0_i32_0 = arith.constant 0 : i32
    return %arg0, %c0_i32 : i32, i32
  }
}

</mosaic_0001>

<sc_bundles>
// kernel: kernel.11.cloned.1.call-start
scs
__scs_entry_jumppad:
0x0: {  	(pc) =	sbr.rel $0x88, $3  }
0x1: {  	(tag) =	ssettag $0x0;
	lr =	simm.s32 $0x1  }
0x2: {  	[smem:$0x3F99] =	sst lr;
	_ =	strace $0xD0000000  }
0x3: {  	_ = 	snop  }
0x4: {  	_ = 	snop  }
0x5: {  	_ = 	snop  }
0x6: {  	_ = 	snop  }
0x7: {  	_ = 	snop  }
__scs_overlays_trampoline_lowered:
0x8: {  	[smem:$0x3FA8] =	sst s0  }
0x9: {  	[smem:$0x3FA9] =	sst s1  }
0xa: {  	[smem:$0x3FAA] =	sst s2  }
0xb: {  	[smem:$0x3FAB] =	sst s3  }
0xc: {  	[smem:$0x3FAC] =	sst s4  }
0xd: {  	[smem:$0x3FAD] =	sst s5  }
0xe: {  	[smem:$0x3FAE] =	sst s6  }
0xf: {  	[smem:$0x3FAF] =	sst s7  }
0x10: {  	[smem:$0x3FB0] =	sst s8  }
0x11: {  	[smem:$0x3FB1] =	sst s9;
	s0 =	simm.s32 @!p0 $0x0  }
0x12: {  	s1 =	sld [smem:$0x3F97];
	s0 =	simm.s32 @p0 $0x1  }
0x13: {  	[smem:$0x3FB2] =	sst s0;
	s0 =	simm.s32 @!p1 $0x0  }
0x14: {  	s2 =	sld [smem:$0x3F96];
	s0 =	simm.s32 @p1 $0x1  }
0x15: {  	[smem:$0x3FB3] =	sst s0;
	s0 =	simm.s32 @!p2 $0x0  }
0x16: {  	s3 =	sld [smem:$0x3FDB];
	s0 =	simm.s32 @p2 $0x1  }
0x17: {  	s4 =	simm.s32 $0x1BF5;
	[smem:$0x3FB5] =	sst s0  }
0x18: {  	s0 =	sld [smem:$0x3F98];
	_ =	swait.ge [sflag:s4], $0x0  }
0x19: {  	s7 =	sld [smem:$0x3F99]  }
0x1a: {  	s8 =	sadd.s32 $0xFFFFE003, lr  }
0x1b: {  	s9 =	sadd.s32 $0xFFFFFEF7, lr;
	s5 =	simm.s32 $0xFFFFFFFF;
	p2 =	slt.u32 s8, $0xFFFFF086  }
0x1c: {  	p1 =	slt.u32 s9, $0xF7A;
	s5 =	simm.s32 @!p2 $0x0  }
0x1d: {  	s5 =	simm.s32 @p1 $0x1;
	p0 =	seq.s32 s7, s2  }
0x1e: {  	s7 =	smul.u32 @!p0 $0xF7A, s2;
	p2 =	seq.s32 @!p0 s5, $0x0  }
0x1f: {  	s9 =	smul.u32 $0xF7A, s1;
	s8 =	simm.s32 @!p0 $0x1BF5;
	p2 =	por !p2, p0  }
0x20: {  	[sflag:s8] =	ssyncset.s32 @!p0 $0xFFFFF086;
	s6 =	sadd.s32 @!p0 s3, s7;
	s7 =	simm.s32 @!p0 $0x108  }
0x21: {  	s3 =	sadd.s32 s3, s9;
	s6 =	sadd.s32 @!p0 $0x88, s6;
	s7 =	simm.s32 @p2 $0x1082  }
0x22: {  	[simem:s7], [sflag:s8] =	dma.local @!p0 [hbm:s6], $0xF7A  }
0x23: {  	s9 =	sor.u32 $0xD0000000, s2;
	s6 =	simm.s32 $0x108;
	_ =	swait.ge @!p0 [sflag:s8], $0x0  }
0x24: {  	s3 =	sadd.s32 $0x88, s3;
	s6 =	simm.s32 @!p1 $0x1082;
	[sflag:s4] =	ssyncset.s32 $0xFFFFF086  }
0x25: {  	[simem:s6], [sflag:s4] =	dma.local [hbm:s3], $0xF7A  }
0x26: {  	[smem:$0x3F99] =	sst s1;
	(tag) =	ssettag s2;
	_ =	strace s9  }
0x27: {  	s1 =	sld [smem:$0x3FA9]  }
0x28: {  	s2 =	sld [smem:$0x3FAA]  }
0x29: {  	s4 =	sld [smem:$0x3FAC]  }
0x2a: {  	p0 =	seq.s32 s5, $0x0;
	s5 =	sld [smem:$0x3FAD]  }
0x2b: {  	s6 =	sld [smem:$0x3FAE]  }
0x2c: {  	s7 =	sld [smem:$0x3FAF]  }
0x2d: {  	s3 =	simm.s32 $0x108;
	s8 =	sld [smem:$0x3FB0]  }
0x2e: {  	s3 =	simm.s32 @!p0 $0x1082;
	s9 =	sld [smem:$0x3FB1]  }
0x2f: {  	lr =	sadd.s32 s0, s3;
	s0 =	sld [smem:$0x3FA8]  }
0x30: {  	s3 =	sld [smem:$0x3FAB]  }
0x31: {  	[smem:$0x3FB4] =	sst s10  }
0x32: {  	s10 =	sld [smem:$0x3FB2];
	_ =	sdelay $0x3  }
0x33: {  	p0 =	seq.s32 s10, $0x1;
	s10 =	sld [smem:$0x3FB4];
	_ =	sdelay $0x3  }
0x34: {  	[smem:$0x3FB4] =	sst s10  }
0x35: {  	s10 =	sld [smem:$0x3FB3];
	_ =	sdelay $0x3  }
0x36: {  	p1 =	seq.s32 s10, $0x1;
	s10 =	sld [smem:$0x3FB4];
	_ =	sdelay $0x3  }
0x37: {  	[smem:$0x3FB4] =	sst s10  }
0x38: {  	s10 =	sld [smem:$0x3FB5]  }
0x39: {  	_ = 	snop;
	(pc) =	sbr.ind lr, $3  }
0x3a: {  	_ = 	snop  }
0x3b: {  	_ = 	snop  }
0x3c: {  	p2 =	seq.s32 s10, $0x1;
	s10 =	sld [smem:$0x3FB4]  }
0x3d: {  	_ =	shalt  }
0x3e: {  	_ =	shalt  }
0x3f: {  	_ =	shalt  }
0x40: {  	_ =	shalt  }
0x41: {  	_ =	shalt  }
0x42: {  	_ =	shalt  }
0x43: {  	_ =	shalt  }
0x44: {  	_ =	shalt  }
0x45: {  	_ =	shalt  }
0x46: {  	_ =	shalt  }
0x47: {  	_ =	shalt  }
0x48: {  	_ =	shalt  }
0x49: {  	_ =	shalt  }
0x4a: {  	_ =	shalt  }
0x4b: {  	_ =	shalt  }
0x4c: {  	_ =	shalt  }
0x4d: {  	_ =	shalt  }
0x4e: {  	_ =	shalt  }
0x4f: {  	_ =	shalt  }
0x50: {  	_ =	shalt  }
0x51: {  	_ =	shalt  }
0x52: {  	_ =	shalt  }
0x53: {  	_ =	shalt  }
0x54: {  	_ =	shalt  }
0x55: {  	_ =	shalt  }
0x56: {  	_ =	shalt  }
0x57: {  	_ =	shalt  }
0x58: {  	_ =	shalt  }
0x59: {  	_ =	shalt  }
0x5a: {  	_ =	shalt  }
0x5b: {  	_ =	shalt  }
0x5c: {  	_ =	shalt  }
0x5d: {  	_ =	shalt  }
0x5e: {  	_ =	shalt  }
0x5f: {  	_ =	shalt  }
0x60: {  	_ =	shalt  }
0x61: {  	_ =	shalt  }
0x62: {  	_ =	shalt  }
0x63: {  	_ =	shalt  }
0x64: {  	_ =	shalt  }
0x65: {  	_ =	shalt  }
0x66: {  	_ =	shalt  }
0x67: {  	_ =	shalt  }
0x68: {  	_ =	shalt  }
0x69: {  	_ =	shalt  }
0x6a: {  	_ =	shalt  }
0x6b: {  	_ =	shalt  }
0x6c: {  	_ =	shalt  }
0x6d: {  	_ =	shalt  }
0x6e: {  	_ =	shalt  }
0x6f: {  	_ =	shalt  }
0x70: {  	_ =	shalt  }
0x71: {  	_ =	shalt  }
0x72: {  	_ =	shalt  }
0x73: {  	_ =	shalt  }
0x74: {  	_ =	shalt  }
0x75: {  	_ =	shalt  }
0x76: {  	_ =	shalt  }
0x77: {  	_ =	shalt  }
0x78: {  	_ =	shalt  }
0x79: {  	_ =	shalt  }
0x7a: {  	_ =	shalt  }
0x7b: {  	_ =	shalt  }
0x7c: {  	_ =	shalt  }
0x7d: {  	_ =	shalt  }
0x7e: {  	_ =	shalt  }
0x7f: {  	_ =	shalt  }
0x80: {  	_ =	shalt  }
0x81: {  	_ =	shalt  }
0x82: {  	_ =	shalt  }
0x83: {  	_ =	shalt  }
0x84: {  	_ =	shalt  }
0x85: {  	_ =	shalt  }
0x86: {  	_ =	shalt  }
0x87: {  	_ =	shalt  }
.Lfunc_end0:
.L_simem_size_0:
called_computation.1_lowered:
.L_overlay_start_0:
0x88: {  	s2 =	sld [smem:$0x3FD9]  }
0x89: {  	s3 =	sld [smem:$0x3FFE];
	_ =	sdelay $0x1  }
0x8a: {  	s1 =	srdreg.scid  }
0x8b: {  	s0 =	sand.u32 $0x1, s1  }
0x8c: {  	s17 =	sshll.u32 s0, $0xA;
	s2 =	sadd.s32 s3, s2  }
0x8d: {  	s2 =	sadd.s32 s2, s17  }
0x8e: {  	[smem:$0x3FC0] =	sst s2  }
0x8f: {  	_ = 	snop  }
0x90: {  	s2 =	sld [smem:$0x3FD0];
	(tm) =	ssettm $0x1  }
0x91: {  	s18 =	sld [smem:$0x3FFB];
	_ =	sdelay $0x3  }
0x92: {  	_ =	strace s18  }
0x93: {  	s3 =	sld [smem:$0x3FFC];
	_ =	sdelay $0x3  }
0x94: {  	_ =	strace s3  }
0x95: {  	s3 =	sld [smem:$0x3FFD];
	_ =	sdelay $0x3  }
0x96: {  	_ =	strace s3  }
0x97: {  	_ =	strace $0x8FFFFFFF  }
0x98: {  	s19 =	sld [smem:$0x3FDB];
	_ =	sdelay $0x1  }
0x99: {  	s4 =	simm.s32 $_scs_section_size  }
0x9a: {  	s5 =	simm.s32 $_size__tile_overlayer_lowered;
	s6 =	simm.s32 $_tile_overlayer_lowered  }
0x9b: {  	s22 =	simm.s32 $0x1BFF;
	s21 =	sshll.u32 s6, $0x1;
	s3 =	sadd.s32 s4, s19  }
0x9c: {  	s7 =	simm.s32 $0x0;
	s20 =	sshll.u32 s5, $0x1;
	s5 =	sadd.s32 s21, s3  }
0x9d: {  	[timem:s7], [sflag:s22] =	dma.local [hbm:s5], s20  }
0x9e: {  	_ =	swait.ge [sflag:s22], s20  }
0x9f: {  	s4 =	ssub.s32 $0x0, s20;
	[sflag:s22] =	ssyncset.done $0x0  }
0xa0: {  	[sflag:s22] =	ssyncadd.s32 s4;
	_ =	sdelay $0x1  }
0xa1: {  	s23 =	simm.s32 $0x1B8B  }
0xa2: {  	_ =	swait.ge [sflag:s23], $0x1  }
0xa3: {  	[sflag:s23] =	ssyncset.done $0x0  }
0xa4: {  	s25 =	simm.s32 $0x1B8E;
	s24 =	sld [smem:$0x3FFE];
	[sflag:s23] =	ssyncadd.s32 $0xFFFFFFFF  }
0xa5: {  	s26 =	simm.s32 $execute0_lowered;
	[smem:$0x3FD2] =	sst s25  }
0xa6: {  	s5 =	sshll.u32 s26, $0x1;
	_ =	strace $0x80000049;
	[dreg:$0x1] =	wrdreg $0xFFFFFFFF  }
0xa7: {  	s28 =	simm.s32 $_size_execute0_lowered;
	s3 =	sadd.s32 s3, s5;
	[dreg:$0x0] =	wrdreg $0x0  }
0xa8: {  	s5 =	sshll.u32 s28, $0x1;
	[dreg:$0x2] =	wrdreg s3  }
0xa9: {  	[dreg:$0x3] =	wrdreg s5  }
0xaa: {  	[dreg:$0x4] =	wrdreg $0xC0  }
0xab: {  	_ =	task [dreg:s7], $0x5FFFF  }
0xac: {  	[dreg:$0x1] =	wrdreg $0xFFFFFFFF  }
0xad: {  	[dreg:$0x0] =	wrdreg $0x60  }
0xae: {  	[dreg:$0x2] =	wrdreg s2  }
0xaf: {  	[dreg:$0x3] =	wrdreg s24  }
0xb0: {  	[dreg:$0x4] =	wrdreg $0xA5000  }
0xb1: {  	[dreg:$0x5] =	wrdreg $0x9  }
0xb2: {  	_ =	task.clear_ibuf [dreg:s7], $0x6FFFF;
	_ =	strace $0x90000049  }
0xb3: {  	s29 =	simm.s32 $0x9;
	_ =	strace $0x8000004B  }
0xb4: {  	_ =	swait.ge [sflag:s29], $0x1  }
0xb5: {  	[sflag:s29] =	ssyncadd.s32 $0xFFFFFFFF  }
0xb6: {  	_ =	strace $0x9000004B  }
0xb7: {  	_ =	sfence  }
0xb8: {  	s30 =	sld [smem:$0x0];
	_ =	sdelay $0x2  }
0xb9: {  	s31 =	sshll.u32 s1, $0xD;
	s1 =	sshrl.u32 s1, $0x2  }
0xba: {  	s3 =	sand.u32 $0x4000, s31;
	s1 =	sadd.s32 s1, s30  }
0xbb: {  	s0 =	sor.u32 s3, s0;
	s1 =	sshll.u32 s1, $0x11  }
0xbc: {  	s0 =	sor.u32 s1, s0  }
0xbd: {  	s0 =	sadd.s32 $0x8F2B, s0  }
0xbe: {  	[sflag:s0] =	ssyncadd.remote.s32 $0x1  }
0xbf: {  	_ =	sfence.sel $0xFFFF  }
0xc0: {  	[dreg:$0x0] =	wrdreg $0xFFFFFFFF;
	(pc) =	sbr.abs _section_cstart, $3  }
0xc1: {  	[dreg:$0x1] =	wrdreg $0xFFFFFFFF  }
0xc2: {  	_ =	task.clear_ibuf [dreg:s7], $0x2FFFF;
	_ =	strace $0x9FFFFFFF  }
0xc3: {  	(tm) =	ssettm $0x7FFFFFFF  }
tec
execute0_lowered:
.L_overlay_start_1:
0x0: {  	(tag) =	ssettag $0x1  }
0x1: {  	s1 =	rddreg [dreg:$0x0]  }
0x2: {  	s5 =	rddreg [dreg:$0x1]  }
0x3: {  	s3 =	rddreg [dreg:$0x2]  }
0x4: {  	s0 =	rddreg [dreg:$0x3]  }
0x5: {  	s6 =	srdreg.scid;
	s2 =	stileid.u32  }
0x6: {  	s4 =	simm.s32 $0x0;
	s17 =	simm.s32 $0x1;
	s18 =	simm.s32 $0x1400  }
0x7: {  	s19 =	simm.s32 $0x2;
	s20 =	simm.s32 $0x7D;
	s21 =	simm.s32 $0x6680  }
0x8: {  	s22 =	simm.s32 $0x3;
	s23 =	simm.s32 $0x1380;
	s24 =	simm.s32 $0x2700  }
0x9: {  	s25 =	simm.s32 $0x2780;
	s6 =	sand.u32 $0x1, s6;
	s7 =	smul.u32 $0x2710, s2  }
0xa: {  	[smem:$0x7FF] =	sst s4;
	s12 =	sadd.s32 $0x6F600, s5;
	s26 =	smul.u32 $0x4E200, s2  }
0xb: {  	s13 =	sadd.s32 $0x65600, s5;
	s8 =	smul.u32 $0x27100, s6;
	s28 =	sshll.u32 s6, $0x4  }
0xc: {  	_ =	strace $0x8000004A;
	s6 =	ssub.s32 $0x2, s6;
	s29 =	sor.u32 s2, s28  }
0xd: {  	s30 =	sshrl.u32 s26, $0x2;
	s31 =	sshrl.u32 s6, $0x1;
	s9 =	smul.u32 $0x2800, s29  }
0xe: {  	s7 =	sadd.s32 s7, s8;
	s15 =	ssub.s32 s6, s31;
	s11 =	smul.u32 $0x500, s29  }
0xf: {  	s14 =	sadd.s32 s7, s5;
	s5 =	sadd.s32 s30, s3;
	s15 =	smax.u32 s15, $0x1  }
0x10: {  	s6 =	sadd.s32 $0x3E80, s5;
	s7 =	sadd.s32 $0x7D00, s5;
	s8 =	sadd.s32 $0xBB80, s5  }
0x11: {  	s16 =	sshrl.u32 s9, $0x3;
	s9 =	sadd.s32 $0xFA00, s5;
	s10 =	sadd.s32 s12, s11  }
0x12: {  	s11 =	sadd.s32 s13, s11;
	s14 =	sadd.s32 $0x2200, s14;
	s16 =	sadd.s32 $0x280, s16  }
0x13: {  	v0 =	vimm.f32 $0.0e+00;
	s12 =	sadd.s32 s12, s16;
	s13 =	sadd.s32 s13, s16;
	s16 =	simm.s32 $0x2800  }
.LBB2_1:
0x14: {  	s26 =	simm.s32 $0x0;
	s28 =	simm.s32 $0x200  }
.LBB2_2:
0x15: {  	p0 =	sne.s32 s28, $0xF800;
	[tilespmem:s26+$0x2870] =	vst v0  }
0x16: {  	[tilespmem:s26+$0x2800] =	vst v0  }
0x17: {  	[tilespmem:s26+$0x2810] =	vst v0  }
.Ltmp0:
0x18: {  	[tilespmem:s26+$0x2820] =	vst v0;
	(pc) =	sbr.rel @p0 .LBB2_2-.Ltmp0, $4  }
0x19: {  	[tilespmem:s26+$0x2830] =	vst v0  }
0x1a: {  	[tilespmem:s26+$0x2840] =	vst v0  }
0x1b: {  	[tilespmem:s26+$0x2850] =	vst v0  }
0x1c: {  	[tilespmem:s26+$0x2860] =	vst v0;
	s26 =	sshra.s32 s28, $0x2;
	s28 =	sadd.s32 $0x200, s28  }
0x1d: {  	[tilespmem:s26+$0x2870] =	vst v0  }
0x1e: {  	[tilespmem:s26+$0x2800] =	vst v0  }
0x1f: {  	[tilespmem:s26+$0x2810] =	vst v0  }
0x20: {  	[tilespmem:s26+$0x2820] =	vst v0  }
0x21: {  	[tilespmem:s26+$0x2830] =	vst v0  }
0x22: {  	[tilespmem:s26+$0x2840] =	vst v0  }
0x23: {  	[tilespmem:s26+$0x2850] =	vst v0  }
0x24: {  	[tilespmem:s26+$0x2860] =	vst v0  }
0x25: {  	[spmem:s5] =	stream.linear.scatter [tilespmem:s16], [sflag:$0x1], $0x3E80, $0x38;
	[tilespmem:$0x1DD80] =	vst v63  }
0x26: {  	_ = 	snop  }
0x27: {  	[spmem:s6] =	stream.linear.scatter [tilespmem:s16], [sflag:$0x1], $0x3E80, $0x38;
	[tilespmem:$0x1DD80] =	vst v63  }
0x28: {  	_ = 	snop  }
0x29: {  	[spmem:s7] =	stream.linear.scatter [tilespmem:s16], [sflag:$0x1], $0x3E80, $0x38;
	[tilespmem:$0x1DD80] =	vst v63  }
0x2a: {  	_ = 	snop  }
0x2b: {  	[spmem:s8] =	stream.linear.scatter [tilespmem:s16], [sflag:$0x1], $0x3E80, $0x38;
	[tilespmem:$0x1DD80] =	vst v63  }
0x2c: {  	_ = 	snop  }
0x2d: {  	[spmem:s9] =	stream.linear.scatter [tilespmem:s16], [sflag:$0x1], $0x3E80, $0x38;
	[tilespmem:$0x1DD80] =	vst v63  }
0x2e: {  	_ =	swait.ge [sflag:s17], $0x3E80  }
0x2f: {  	[sflag:s17] =	ssyncset.done $0x0  }
0x30: {  	[sflag:s17] =	ssyncadd.s32 $0xFFFFC180  }
0x31: {  	_ =	swait.ge [sflag:s17], $0x3E80  }
0x32: {  	[sflag:s17] =	ssyncset.done $0x0  }
0x33: {  	[sflag:s17] =	ssyncadd.s32 $0xFFFFC180  }
0x34: {  	_ =	swait.ge [sflag:s17], $0x3E80  }
0x35: {  	[sflag:s17] =	ssyncset.done $0x0  }
0x36: {  	[sflag:s17] =	ssyncadd.s32 $0xFFFFC180  }
0x37: {  	_ =	swait.ge [sflag:s17], $0x3E80  }
0x38: {  	[sflag:s17] =	ssyncset.done $0x0  }
0x39: {  	[sflag:s17] =	ssyncadd.s32 $0xFFFFC180  }
0x3a: {  	_ =	swait.ge [sflag:s17], $0x3E80  }
0x3b: {  	[sflag:s17] =	ssyncset.done $0x0  }
0x3c: {  	[sflag:s17] =	ssyncadd.s32 $0xFFFFC180  }
0x3d: {  	s30 =	simm.s32 $0x0;
	[bflag:$0x0] =	sbarrier.arrive $0xFFFF  }
0x3e: {  	[tilespmem:s30], [sflag:$0x1] =	stream.linear.gather [hbm4b:s10+s30], $0x1400, $0x38;
	[tilespmem:$0x1DD80] =	vst v63  }
0x3f: {  	_ = 	snop  }
0x40: {  	[tilespmem:s18], [sflag:$0x2] =	stream.linear.gather [hbm4b:s11+s30], $0x1400, $0x38;
	[tilespmem:$0x1DD80] =	vst v63  }
0x41: {  	_ =	swait.ge [sflag:s17], $0x1400  }
0x42: {  	[sflag:s17] =	ssyncset.done $0x0  }
0x43: {  	[sflag:s17] =	ssyncadd.s32 $0xFFFFEC00  }
0x44: {  	_ =	swait.ge [sflag:s19], $0x1400  }
0x45: {  	[sflag:s19] =	ssyncset.done $0x0  }
0x46: {  	[sflag:s19] =	ssyncadd.s32 $0xFFFFEC00  }
0x47: {  	[tilespmem:s16], [sflag:$0x1] =	stream.indirect.gather [hbm4b:s1+s20], $0x80, s30, s20, $0xb8;
	[tilespmem:$0x1DD80] =	vst v63  }
0x48: {  	s31 =	simm.s32 $0x80  }
0x49: {  	[tilespmem:s21], [sflag:$0x2] =	stream.indirect.gather [hbm4b:s1+s20], $0x80, s31, s20, $0xb8;
	[tilespmem:$0x1DD80] =	vst v63  }
0x4a: {  	_ =	swait.ge [sflag:s17], $0x3E80  }
0x4b: {  	[sflag:s17] =	ssyncset.done $0x0  }
0x4c: {  	s29 =	simm.s32 $0x1400;
	[sflag:s17] =	ssyncadd.s32 $0xFFFFC180  }
0x4d: {  	[spmem:s3] =	stream.indirect.scatter.add.f32 [tilespmem:s16], [sflag:$0x3], $0x80, s29, s20, $0xb8;
	[tilespmem:$0x1DD80] =	vst v63  }
0x4e: {  	_ =	swait.ge [sflag:s22], $0x3E80  }
0x4f: {  	[sflag:s22] =	ssyncset.done $0x0  }
0x50: {  	s30 =	simm.s32 $0x100;
	[sflag:s22] =	ssyncadd.s32 $0xFFFFC180  }
0x51: {  	[tilespmem:s16], [sflag:$0x1] =	stream.indirect.gather [hbm4b:s1+s20], $0x80, s30, s20, $0xb8;
	[tilespmem:$0x1DD80] =	vst v63  }
0x52: {  	_ =	swait.ge [sflag:s19], $0x3E80  }
0x53: {  	[sflag:s19] =	ssyncset.done $0x0  }
0x54: {  	s31 =	simm.s32 $0x1480;
	[sflag:s19] =	ssyncadd.s32 $0xFFFFC180  }
0x55: {  	[spmem:s3] =	stream.indirect.scatter.add.f32 [tilespmem:s21], [sflag:$0x3], $0x80, s31, s20, $0xb8;
	[tilespmem:$0x1DD80] =	vst v63  }
0x56: {  	_ =	swait.ge [sflag:s22], $0x3E80  }
0x57: {  	s28 =	simm.s32 $0x800;
	s26 =	simm.s32 $0x100;
	[sflag:s22] =	ssyncset.done $0x0  }
.LBB2_4:
0x58: {  	s29 =	sadd.s32 $0x80, s26  }
0x59: {  	[sflag:s22] =	ssyncadd.s32 $0xFFFFC180;
	s30 =	smov.u32 s28;
	s31 =	sadd.s32 $0x400, s28  }
0x5a: {  	[tilespmem:s21], [sflag:$0x2] =	stream.indirect.gather [hbm4b:s1+s20], $0x80, s29, s20, $0xb8;
	[tilespmem:$0x1DD80] =	vst v63  }
0x5b: {  	p0 =	sne.s32 s28, $0x4800;
	_ =	swait.ge [sflag:s17], $0x3E80  }
0x5c: {  	[sflag:s17] =	ssyncset.done $0x0  }
0x5d: {  	s28 =	sadd.s32 $0x1400, s26;
	[sflag:s17] =	ssyncadd.s32 $0xFFFFC180  }
0x5e: {  	[spmem:s3] =	stream.indirect.scatter.add.f32 [tilespmem:s16], [sflag:$0x3], $0x80, s28, s20, $0xb8;
	[tilespmem:$0x1DD80] =	vst v63  }
0x5f: {  	_ =	swait.ge [sflag:s22], $0x3E80  }
0x60: {  	[sflag:s22] =	ssyncset.done $0x0  }
0x61: {  	s28 =	sadd.s32 $0x100, s26;
	[sflag:s22] =	ssyncadd.s32 $0xFFFFC180  }
0x62: {  	[tilespmem:s16], [sflag:$0x1] =	stream.indirect.gather [hbm4b:s1+s20], $0x80, s28, s20, $0xb8;
	[tilespmem:$0x1DD80] =	vst v63  }
0x63: {  	_ =	swait.ge [sflag:s19], $0x3E80  }
.Ltmp1:
0x64: {  	[sflag:s19] =	ssyncset.done $0x0;
	(pc) =	sbr.rel @p0 .LBB2_4-.Ltmp1, $4  }
0x65: {  	s26 =	sadd.s32 $0x1480, s26;
	[sflag:s19] =	ssyncadd.s32 $0xFFFFC180  }
0x66: {  	[spmem:s3] =	stream.indirect.scatter.add.f32 [tilespmem:s21], [sflag:$0x3], $0x80, s26, s20, $0xb8;
	[tilespmem:$0x1DD80] =	vst v63  }
0x67: {  	_ =	swait.ge [sflag:s22], $0x3E80  }
0x68: {  	s28 =	smov.u32 s31;
	s26 =	sshra.s32 s30, $0x2;
	[sflag:s22] =	ssyncset.done $0x0  }
0x69: {  	s28 =	sadd.s32 $0x80, s26;
	[sflag:s22] =	ssyncadd.s32 $0xFFFFC180  }
0x6a: {  	[tilespmem:s21], [sflag:$0x2] =	stream.indirect.gather [hbm4b:s1+s20], $0x80, s28, s20, $0xb8;
	[tilespmem:$0x1DD80] =	vst v63  }
0x6b: {  	_ =	swait.ge [sflag:s17], $0x3E80  }
0x6c: {  	[sflag:s17] =	ssyncset.done $0x0  }
0x6d: {  	s28 =	sadd.s32 $0x1400, s26;
	[sflag:s17] =	ssyncadd.s32 $0xFFFFC180  }
0x6e: {  	[spmem:s3] =	stream.indirect.scatter.add.f32 [tilespmem:s16], [sflag:$0x3], $0x80, s28, s20, $0xb8;
	[tilespmem:$0x1DD80] =	vst v63  }
0x6f: {  	_ =	swait.ge [sflag:s22], $0x3E80  }
0x70: {  	[sflag:s22] =	ssyncset.done $0x0  }
0x71: {  	s28 =	sadd.s32 $0x100, s26;
	[sflag:s22] =	ssyncadd.s32 $0xFFFFC180  }
0x72: {  	[tilespmem:s16], [sflag:$0x1] =	stream.indirect.gather [hbm4b:s1+s20], $0x80, s28, s20, $0xb8;
	[tilespmem:$0x1DD80] =	vst v63  }
0x73: {  	_ =	swait.ge [sflag:s19], $0x3E80  }
0x74: {  	[sflag:s19] =	ssyncset.done $0x0  }
0x75: {  	s29 =	sadd.s32 $0x1480, s26;
	[sflag:s19] =	ssyncadd.s32 $0xFFFFC180  }
0x76: {  	[spmem:s3] =	stream.indirect.scatter.add.f32 [tilespmem:s21], [sflag:$0x3], $0x80, s29, s20, $0xb8;
	[tilespmem:$0x1DD80] =	vst v63  }
0x77: {  	_ =	swait.ge [sflag:s22], $0x3E80  }
0x78: {  	[sflag:s22] =	ssyncset.done $0x0  }
0x79: {  	[sflag:s22] =	ssyncadd.s32 $0xFFFFC180  }
0x7a: {  	[tilespmem:s21], [sflag:$0x2] =	stream.indirect.gather [hbm4b:s1+s20], $0x80, s23, s20, $0xb8;
	[tilespmem:$0x1DD80] =	vst v63  }
0x7b: {  	_ =	swait.ge [sflag:s17], $0x3E80  }
0x7c: {  	[sflag:s17] =	ssyncset.done $0x0  }
0x7d: {  	[sflag:s17] =	ssyncadd.s32 $0xFFFFC180  }
0x7e: {  	[spmem:s3] =	stream.indirect.scatter.add.f32 [tilespmem:s16], [sflag:$0x3], $0x80, s24, s20, $0xb8;
	[tilespmem:$0x1DD80] =	vst v63  }
0x7f: {  	_ =	swait.ge [sflag:s22], $0x3E80  }
0x80: {  	[sflag:s22] =	ssyncset.done $0x0  }
0x81: {  	[sflag:s22] =	ssyncadd.s32 $0xFFFFC180  }
0x82: {  	_ =	swait.ge [sflag:s19], $0x3E80  }
0x83: {  	[sflag:s19] =	ssyncset.done $0x0  }
0x84: {  	[sflag:s19] =	ssyncadd.s32 $0xFFFFC180  }
0x85: {  	[spmem:s3] =	stream.indirect.scatter.add.f32 [tilespmem:s21], [sflag:$0x3], $0x80, s25, s20, $0xb8;
	[tilespmem:$0x1DD80] =	vst v63  }
0x86: {  	_ =	swait.ge [sflag:s22], $0x3E80  }
0x87: {  	[sflag:s22] =	ssyncset.done $0x0  }
0x88: {  	s30 =	simm.s32 $0x0;
	[sflag:s22] =	ssyncadd.s32 $0xFFFFC180  }
0x89: {  	[tilespmem:s30], [sflag:$0x1] =	stream.linear.gather [hbm4b:s12+s30], $0x1400, $0x38;
	[tilespmem:$0x1DD80] =	vst v63  }
0x8a: {  	_ = 	snop  }
0x8b: {  	[tilespmem:s18], [sflag:$0x2] =	stream.linear.gather [hbm4b:s13+s30], $0x1400, $0x38;
	[tilespmem:$0x1DD80] =	vst v63  }
0x8c: {  	_ =	swait.ge [sflag:s17], $0x1400  }
0x8d: {  	[sflag:s17] =	ssyncset.done $0x0  }
0x8e: {  	[sflag:s17] =	ssyncadd.s32 $0xFFFFEC00  }
0x8f: {  	_ =	swait.ge [sflag:s19], $0x1400  }
0x90: {  	[sflag:s19] =	ssyncset.done $0x0  }
0x91: {  	[sflag:s19] =	ssyncadd.s32 $0xFFFFEC00  }
0x92: {  	[tilespmem:s16], [sflag:$0x1] =	stream.indirect.gather [hbm4b:s1+s20], $0x80, s30, s20, $0xb8;
	[tilespmem:$0x1DD80] =	vst v63  }
0x93: {  	s31 =	simm.s32 $0x80  }
0x94: {  	[tilespmem:s21], [sflag:$0x2] =	stream.indirect.gather [hbm4b:s1+s20], $0x80, s31, s20, $0xb8;
	[tilespmem:$0x1DD80] =	vst v63  }
0x95: {  	_ =	swait.ge [sflag:s17], $0x3E80  }
0x96: {  	[sflag:s17] =	ssyncset.done $0x0  }
0x97: {  	s29 =	simm.s32 $0x1400;
	[sflag:s17] =	ssyncadd.s32 $0xFFFFC180  }
0x98: {  	[spmem:s3] =	stream.indirect.scatter.add.f32 [tilespmem:s16], [sflag:$0x3], $0x80, s29, s20, $0xb8;
	[tilespmem:$0x1DD80] =	vst v63  }
0x99: {  	_ =	swait.ge [sflag:s22], $0x3E80  }
0x9a: {  	[sflag:s22] =	ssyncset.done $0x0  }
0x9b: {  	s30 =	simm.s32 $0x100;
	[sflag:s22] =	ssyncadd.s32 $0xFFFFC180  }
0x9c: {  	[tilespmem:s16], [sflag:$0x1] =	stream.indirect.gather [hbm4b:s1+s20], $0x80, s30, s20, $0xb8;
	[tilespmem:$0x1DD80] =	vst v63  }
0x9d: {  	_ =	swait.ge [sflag:s19], $0x3E80  }
0x9e: {  	[sflag:s19] =	ssyncset.done $0x0  }
0x9f: {  	s31 =	simm.s32 $0x1480;
	[sflag:s19] =	ssyncadd.s32 $0xFFFFC180  }
0xa0: {  	[spmem:s3] =	stream.indirect.scatter.add.f32 [tilespmem:s21], [sflag:$0x3], $0x80, s31, s20, $0xb8;
	[tilespmem:$0x1DD80] =	vst v63  }
0xa1: {  	_ =	swait.ge [sflag:s22], $0x3E80  }
0xa2: {  	s26 =	simm.s32 $0x100;
	s28 =	simm.s32 $0x800;
	[sflag:s22] =	ssyncset.done $0x0  }
.LBB2_6:
0xa3: {  	s29 =	sadd.s32 $0x80, s26  }
0xa4: {  	[sflag:s22] =	ssyncadd.s32 $0xFFFFC180;
	s30 =	smov.u32 s28;
	s31 =	sadd.s32 $0x400, s28  }
0xa5: {  	[tilespmem:s21], [sflag:$0x2] =	stream.indirect.gather [hbm4b:s1+s20], $0x80, s29, s20, $0xb8;
	[tilespmem:$0x1DD80] =	vst v63  }
0xa6: {  	p0 =	sne.s32 s28, $0x4800;
	_ =	swait.ge [sflag:s17], $0x3E80  }
0xa7: {  	[sflag:s17] =	ssyncset.done $0x0  }
0xa8: {  	s28 =	sadd.s32 $0x1400, s26;
	[sflag:s17] =	ssyncadd.s32 $0xFFFFC180  }
0xa9: {  	[spmem:s3] =	stream.indirect.scatter.add.f32 [tilespmem:s16], [sflag:$0x3], $0x80, s28, s20, $0xb8;
	[tilespmem:$0x1DD80] =	vst v63  }
0xaa: {  	_ =	swait.ge [sflag:s22], $0x3E80  }
0xab: {  	[sflag:s22] =	ssyncset.done $0x0  }
0xac: {  	s28 =	sadd.s32 $0x100, s26;
	[sflag:s22] =	ssyncadd.s32 $0xFFFFC180  }
0xad: {  	[tilespmem:s16], [sflag:$0x1] =	stream.indirect.gather [hbm4b:s1+s20], $0x80, s28, s20, $0xb8;
	[tilespmem:$0x1DD80] =	vst v63  }
0xae: {  	_ =	swait.ge [sflag:s19], $0x3E80  }
.Ltmp2:
0xaf: {  	[sflag:s19] =	ssyncset.done $0x0;
	(pc) =	sbr.rel @p0 .LBB2_6-.Ltmp2, $4  }
0xb0: {  	s26 =	sadd.s32 $0x1480, s26;
	[sflag:s19] =	ssyncadd.s32 $0xFFFFC180  }
0xb1: {  	[spmem:s3] =	stream.indirect.scatter.add.f32 [tilespmem:s21], [sflag:$0x3], $0x80, s26, s20, $0xb8;
	[tilespmem:$0x1DD80] =	vst v63  }
0xb2: {  	_ =	swait.ge [sflag:s22], $0x3E80  }
0xb3: {  	s28 =	smov.u32 s31;
	s26 =	sshra.s32 s30, $0x2;
	[sflag:s22] =	ssyncset.done $0x0  }
0xb4: {  	s28 =	sadd.s32 $0x80, s26;
	[sflag:s22] =	ssyncadd.s32 $0xFFFFC180  }
0xb5: {  	[tilespmem:s21], [sflag:$0x2] =	stream.indirect.gather [hbm4b:s1+s20], $0x80, s28, s20, $0xb8;
	[tilespmem:$0x1DD80] =	vst v63  }
0xb6: {  	_ =	swait.ge [sflag:s17], $0x3E80  }
0xb7: {  	[sflag:s17] =	ssyncset.done $0x0  }
0xb8: {  	s30 =	sadd.s32 $0x1400, s26;
	[sflag:s17] =	ssyncadd.s32 $0xFFFFC180  }
0xb9: {  	[spmem:s3] =	stream.indirect.scatter.add.f32 [tilespmem:s16], [sflag:$0x3], $0x80, s30, s20, $0xb8;
	[tilespmem:$0x1DD80] =	vst v63  }
0xba: {  	_ =	swait.ge [sflag:s22], $0x3E80  }
0xbb: {  	[sflag:s22] =	ssyncset.done $0x0  }
0xbc: {  	s31 =	sadd.s32 $0x100, s26;
	[sflag:s22] =	ssyncadd.s32 $0xFFFFC180  }
0xbd: {  	[tilespmem:s16], [sflag:$0x1] =	stream.indirect.gather [hbm4b:s1+s20], $0x80, s31, s20, $0xb8;
	[tilespmem:$0x1DD80] =	vst v63  }
0xbe: {  	_ =	swait.ge [sflag:s19], $0x3E80  }
0xbf: {  	[sflag:s19] =	ssyncset.done $0x0  }
0xc0: {  	s29 =	sadd.s32 $0x1480, s26;
	[sflag:s19] =	ssyncadd.s32 $0xFFFFC180  }
0xc1: {  	[spmem:s3] =	stream.indirect.scatter.add.f32 [tilespmem:s21], [sflag:$0x3], $0x80, s29, s20, $0xb8;
	[tilespmem:$0x1DD80] =	vst v63  }
0xc2: {  	_ =	swait.ge [sflag:s22], $0x3E80  }
0xc3: {  	[sflag:s22] =	ssyncset.done $0x0  }
0xc4: {  	[sflag:s22] =	ssyncadd.s32 $0xFFFFC180  }
0xc5: {  	[tilespmem:s21], [sflag:$0x2] =	stream.indirect.gather [hbm4b:s1+s20], $0x80, s23, s20, $0xb8;
	[tilespmem:$0x1DD80] =	vst v63  }
0xc6: {  	_ =	swait.ge [sflag:s17], $0x3E80  }
0xc7: {  	[sflag:s17] =	ssyncset.done $0x0  }
0xc8: {  	[sflag:s17] =	ssyncadd.s32 $0xFFFFC180  }
0xc9: {  	[spmem:s3] =	stream.indirect.scatter.add.f32 [tilespmem:s16], [sflag:$0x3], $0x80, s24, s20, $0xb8;
	[tilespmem:$0x1DD80] =	vst v63  }
0xca: {  	_ =	swait.ge [sflag:s22], $0x3E80  }
0xcb: {  	[sflag:s22] =	ssyncset.done $0x0  }
0xcc: {  	[sflag:s22] =	ssyncadd.s32 $0xFFFFC180  }
0xcd: {  	_ =	swait.ge [sflag:s19], $0x3E80  }
0xce: {  	[sflag:s19] =	ssyncset.done $0x0  }
0xcf: {  	[sflag:s19] =	ssyncadd.s32 $0xFFFFC180  }
0xd0: {  	[spmem:s3] =	stream.indirect.scatter.add.f32 [tilespmem:s21], [sflag:$0x3], $0x80, s25, s20, $0xb8;
	[tilespmem:$0x1DD80] =	vst v63  }
0xd1: {  	_ =	swait.ge [sflag:s22], $0x3E80  }
0xd2: {  	s4 =	sadd.s32 $0x1, s4;
	s30 =	sshll.u32 s2, $0x6;
	[sflag:s22] =	ssyncset.done $0x0  }
0xd3: {  	p0 =	sne.s32 s4, s15;
	s26 =	sor.u32 $0x1C03, s30;
	[sflag:s22] =	ssyncadd.s32 $0xFFFFC180  }
.Ltmp3:
0xd4: {  	s31 =	sshrl.u32 s5, $0x3;
	[bflag:$0x0] =	sbarrier.arrive $0xFFFF;
	(pc) =	sbr.rel @p0 .LBB2_1-.Ltmp3, $4  }
0xd5: {  	[hbm:s14], [sflag:s26] =	dma.local [spmem:s31], $0x2710  }
0xd6: {  	_ =	swait.ge [sflag:s22], $0x2710  }
0xd7: {  	[sflag:s22] =	ssyncset.done $0x0  }
0xd8: {  	[sflag:s22] =	ssyncadd.s32 $0xFFFFD8F0  }
0xd9: {  	_ =	sfence.sel $0x180000  }
0xda: {  	[bflag:$0x0] =	sbarrier.arrive $0xFFFF  }
0xdb: {  	p0 =	sne.s32 s2, $0x0;
	_ =	strace $0x9000004A  }
0xdc: {  	s0 =	sadd.s32 @!p0 $0x100000, s0;
	[bflag:$0x2] =	sbarrier.arrive $0xFFFF  }
0xdd: {  	[sflag:s0] =	ssyncadd.tile.s32 @!p0 $0x1;
	_ =	shalt  }
.Lfunc_end2:
_tile_overlayer_lowered:
.L_overlay_start_2:
0xde: {  	(tag) =	ssettag $0x2  }
0xdf: {  	s0 =	rddreg [dreg:$0x0];
	s2 =	stileid.u32  }
0xe0: {  	s1 =	rddreg [dreg:$0x1];
	p0 =	sne.s32 s2, $0x0  }
0xe1: {  	s3 =	rddreg [dreg:$0x2];
	[bflag:$0x3] =	sbarrier.arrive $0xFFFF;
	s2 =	simm.s32 @!p0 $0x1C03  }
0xe2: {  	[timem:s3], [sflag:s2] =	dma.local @!p0 [hbm:s0], s1  }
0xe3: {  	s0 =	simm.s32 @!p0 $0x3  }
0xe4: {  	_ =	swait.ge @!p0 [sflag:s0], s1  }
0xe5: {  	s1 =	ssub.s32 @!p0 $0x0, s1;
	[sflag:s0] =	ssyncset.done @!p0 $0x0  }
0xe6: {  	[sflag:s0] =	ssyncadd.s32 @!p0 s1  }
0xe7: {  	[bflag:$0x3] =	sbarrier.arrive $0xFFFF  }
0xe8: {  	_ =	shalt  }

// kernel: kernel.8.cloned.1.call-start
scs
__scs_entry_jumppad:
0x0: {  	(pc) =	sbr.rel $0x88, $3  }
0x1: {  	(tag) =	ssettag $0x0;
	lr =	simm.s32 $0x1  }
0x2: {  	[smem:$0x3F99] =	sst lr;
	_ =	strace $0xD0000000  }
0x3: {  	_ = 	snop  }
0x4: {  	_ = 	snop  }
0x5: {  	_ = 	snop  }
0x6: {  	_ = 	snop  }
0x7: {  	_ = 	snop  }
__scs_overlays_trampoline_lowered:
0x8: {  	[smem:$0x3FA8] =	sst s0  }
0x9: {  	[smem:$0x3FA9] =	sst s1  }
0xa: {  	[smem:$0x3FAA] =	sst s2  }
0xb: {  	[smem:$0x3FAB] =	sst s3  }
0xc: {  	[smem:$0x3FAC] =	sst s4  }
0xd: {  	[smem:$0x3FAD] =	sst s5  }
0xe: {  	[smem:$0x3FAE] =	sst s6  }
0xf: {  	[smem:$0x3FAF] =	sst s7  }
0x10: {  	[smem:$0x3FB0] =	sst s8  }
0x11: {  	[smem:$0x3FB1] =	sst s9;
	s0 =	simm.s32 @!p0 $0x0  }
0x12: {  	s1 =	sld [smem:$0x3F97];
	s0 =	simm.s32 @p0 $0x1  }
0x13: {  	[smem:$0x3FB2] =	sst s0;
	s0 =	simm.s32 @!p1 $0x0  }
0x14: {  	s2 =	sld [smem:$0x3F96];
	s0 =	simm.s32 @p1 $0x1  }
0x15: {  	[smem:$0x3FB3] =	sst s0;
	s0 =	simm.s32 @!p2 $0x0  }
0x16: {  	s3 =	sld [smem:$0x3FDB];
	s0 =	simm.s32 @p2 $0x1  }
0x17: {  	s4 =	simm.s32 $0x1BF5;
	[smem:$0x3FB5] =	sst s0  }
0x18: {  	s0 =	sld [smem:$0x3F98];
	_ =	swait.ge [sflag:s4], $0x0  }
0x19: {  	s7 =	sld [smem:$0x3F99]  }
0x1a: {  	s8 =	sadd.s32 $0xFFFFE003, lr  }
0x1b: {  	s9 =	sadd.s32 $0xFFFFFEF7, lr;
	s5 =	simm.s32 $0xFFFFFFFF;
	p2 =	slt.u32 s8, $0xFFFFF086  }
0x1c: {  	p1 =	slt.u32 s9, $0xF7A;
	s5 =	simm.s32 @!p2 $0x0  }
0x1d: {  	s5 =	simm.s32 @p1 $0x1;
	p0 =	seq.s32 s7, s2  }
0x1e: {  	s7 =	smul.u32 @!p0 $0xF7A, s2;
	p2 =	seq.s32 @!p0 s5, $0x0  }
0x1f: {  	s9 =	smul.u32 $0xF7A, s1;
	s8 =	simm.s32 @!p0 $0x1BF5;
	p2 =	por !p2, p0  }
0x20: {  	[sflag:s8] =	ssyncset.s32 @!p0 $0xFFFFF086;
	s6 =	sadd.s32 @!p0 s3, s7;
	s7 =	simm.s32 @!p0 $0x108  }
0x21: {  	s3 =	sadd.s32 s3, s9;
	s6 =	sadd.s32 @!p0 $0x88, s6;
	s7 =	simm.s32 @p2 $0x1082  }
0x22: {  	[simem:s7], [sflag:s8] =	dma.local @!p0 [hbm:s6], $0xF7A  }
0x23: {  	s9 =	sor.u32 $0xD0000000, s2;
	s6 =	simm.s32 $0x108;
	_ =	swait.ge @!p0 [sflag:s8], $0x0  }
0x24: {  	s3 =	sadd.s32 $0x88, s3;
	s6 =	simm.s32 @!p1 $0x1082;
	[sflag:s4] =	ssyncset.s32 $0xFFFFF086  }
0x25: {  	[simem:s6], [sflag:s4] =	dma.local [hbm:s3], $0xF7A  }
0x26: {  	[smem:$0x3F99] =	sst s1;
	(tag) =	ssettag s2;
	_ =	strace s9  }
0x27: {  	s1 =	sld [smem:$0x3FA9]  }
0x28: {  	s2 =	sld [smem:$0x3FAA]  }
0x29: {  	s4 =	sld [smem:$0x3FAC]  }
0x2a: {  	p0 =	seq.s32 s5, $0x0;
	s5 =	sld [smem:$0x3FAD]  }
0x2b: {  	s6 =	sld [smem:$0x3FAE]  }
0x2c: {  	s7 =	sld [smem:$0x3FAF]  }
0x2d: {  	s3 =	simm.s32 $0x108;
	s8 =	sld [smem:$0x3FB0]  }
0x2e: {  	s3 =	simm.s32 @!p0 $0x1082;
	s9 =	sld [smem:$0x3FB1]  }
0x2f: {  	lr =	sadd.s32 s0, s3;
	s0 =	sld [smem:$0x3FA8]  }
0x30: {  	s3 =	sld [smem:$0x3FAB]  }
0x31: {  	[smem:$0x3FB4] =	sst s10  }
0x32: {  	s10 =	sld [smem:$0x3FB2];
	_ =	sdelay $0x3  }
0x33: {  	p0 =	seq.s32 s10, $0x1;
	s10 =	sld [smem:$0x3FB4];
	_ =	sdelay $0x3  }
0x34: {  	[smem:$0x3FB4] =	sst s10  }
0x35: {  	s10 =	sld [smem:$0x3FB3];
	_ =	sdelay $0x3  }
0x36: {  	p1 =	seq.s32 s10, $0x1;
	s10 =	sld [smem:$0x3FB4];
	_ =	sdelay $0x3  }
0x37: {  	[smem:$0x3FB4] =	sst s10  }
0x38: {  	s10 =	sld [smem:$0x3FB5]  }
0x39: {  	_ = 	snop;
	(pc) =	sbr.ind lr, $3  }
0x3a: {  	_ = 	snop  }
0x3b: {  	_ = 	snop  }
0x3c: {  	p2 =	seq.s32 s10, $0x1;
	s10 =	sld [smem:$0x3FB4]  }
0x3d: {  	_ =	shalt  }
0x3e: {  	_ =	shalt  }
0x3f: {  	_ =	shalt  }
0x40: {  	_ =	shalt  }
0x41: {  	_ =	shalt  }
0x42: {  	_ =	shalt  }
0x43: {  	_ =	shalt  }
0x44: {  	_ =	shalt  }
0x45: {  	_ =	shalt  }
0x46: {  	_ =	shalt  }
0x47: {  	_ =	shalt  }
0x48: {  	_ =	shalt  }
0x49: {  	_ =	shalt  }
0x4a: {  	_ =	shalt  }
0x4b: {  	_ =	shalt  }
0x4c: {  	_ =	shalt  }
0x4d: {  	_ =	shalt  }
0x4e: {  	_ =	shalt  }
0x4f: {  	_ =	shalt  }
0x50: {  	_ =	shalt  }
0x51: {  	_ =	shalt  }
0x52: {  	_ =	shalt  }
0x53: {  	_ =	shalt  }
0x54: {  	_ =	shalt  }
0x55: {  	_ =	shalt  }
0x56: {  	_ =	shalt  }
0x57: {  	_ =	shalt  }
0x58: {  	_ =	shalt  }
0x59: {  	_ =	shalt  }
0x5a: {  	_ =	shalt  }
0x5b: {  	_ =	shalt  }
0x5c: {  	_ =	shalt  }
0x5d: {  	_ =	shalt  }
0x5e: {  	_ =	shalt  }
0x5f: {  	_ =	shalt  }
0x60: {  	_ =	shalt  }
0x61: {  	_ =	shalt  }
0x62: {  	_ =	shalt  }
0x63: {  	_ =	shalt  }
0x64: {  	_ =	shalt  }
0x65: {  	_ =	shalt  }
0x66: {  	_ =	shalt  }
0x67: {  	_ =	shalt  }
0x68: {  	_ =	shalt  }
0x69: {  	_ =	shalt  }
0x6a: {  	_ =	shalt  }
0x6b: {  	_ =	shalt  }
0x6c: {  	_ =	shalt  }
0x6d: {  	_ =	shalt  }
0x6e: {  	_ =	shalt  }
0x6f: {  	_ =	shalt  }
0x70: {  	_ =	shalt  }
0x71: {  	_ =	shalt  }
0x72: {  	_ =	shalt  }
0x73: {  	_ =	shalt  }
0x74: {  	_ =	shalt  }
0x75: {  	_ =	shalt  }
0x76: {  	_ =	shalt  }
0x77: {  	_ =	shalt  }
0x78: {  	_ =	shalt  }
0x79: {  	_ =	shalt  }
0x7a: {  	_ =	shalt  }
0x7b: {  	_ =	shalt  }
0x7c: {  	_ =	shalt  }
0x7d: {  	_ =	shalt  }
0x7e: {  	_ =	shalt  }
0x7f: {  	_ =	shalt  }
0x80: {  	_ =	shalt  }
0x81: {  	_ =	shalt  }
0x82: {  	_ =	shalt  }
0x83: {  	_ =	shalt  }
0x84: {  	_ =	shalt  }
0x85: {  	_ =	shalt  }
0x86: {  	_ =	shalt  }
0x87: {  	_ =	shalt  }
.Lfunc_end0:
.L_simem_size_0:
called_computation_lowered:
.L_overlay_start_0:
0x88: {  	s2 =	sld [smem:$0x3FD9]  }
0x89: {  	s3 =	sld [smem:$0x3FFE];
	_ =	sdelay $0x1  }
0x8a: {  	s1 =	srdreg.scid  }
0x8b: {  	s0 =	sand.u32 $0x1, s1  }
0x8c: {  	s17 =	sshll.u32 s0, $0xA;
	s2 =	sadd.s32 s3, s2  }
0x8d: {  	s2 =	sadd.s32 s2, s17  }
0x8e: {  	[smem:$0x3FC0] =	sst s2  }
0x8f: {  	_ = 	snop  }
0x90: {  	s2 =	sld [smem:$0x3FC9];
	(tm) =	ssettm $0x1  }
0x91: {  	s18 =	sld [smem:$0x3FFB];
	_ =	sdelay $0x3  }
0x92: {  	_ =	strace s18  }
0x93: {  	s3 =	sld [smem:$0x3FFC];
	_ =	sdelay $0x3  }
0x94: {  	_ =	strace s3  }
0x95: {  	s3 =	sld [smem:$0x3FFD];
	_ =	sdelay $0x3  }
0x96: {  	_ =	strace s3  }
0x97: {  	_ =	strace $0x8FFFFFFF  }
0x98: {  	s19 =	sld [smem:$0x3FDB];
	_ =	sdelay $0x1  }
0x99: {  	s4 =	simm.s32 $_scs_section_size  }
0x9a: {  	s5 =	simm.s32 $_size__tile_overlayer_lowered;
	s6 =	simm.s32 $_tile_overlayer_lowered  }
0x9b: {  	s22 =	simm.s32 $0x1BFF;
	s21 =	sshll.u32 s6, $0x1;
	s3 =	sadd.s32 s4, s19  }
0x9c: {  	s7 =	simm.s32 $0x0;
	s20 =	sshll.u32 s5, $0x1;
	s5 =	sadd.s32 s21, s3  }
0x9d: {  	[timem:s7], [sflag:s22] =	dma.local [hbm:s5], s20  }
0x9e: {  	_ =	swait.ge [sflag:s22], s20  }
0x9f: {  	s4 =	ssub.s32 $0x0, s20;
	[sflag:s22] =	ssyncset.done $0x0  }
0xa0: {  	[sflag:s22] =	ssyncadd.s32 s4;
	_ =	sdelay $0x1  }
0xa1: {  	s23 =	simm.s32 $0x1B8B  }
0xa2: {  	_ =	swait.ge [sflag:s23], $0x1  }
0xa3: {  	[sflag:s23] =	ssyncset.done $0x0  }
0xa4: {  	s25 =	simm.s32 $0x1B8E;
	s24 =	sld [smem:$0x3FFE];
	[sflag:s23] =	ssyncadd.s32 $0xFFFFFFFF  }
0xa5: {  	s26 =	simm.s32 $execute0_lowered;
	[smem:$0x3FD2] =	sst s25  }
0xa6: {  	s5 =	sshll.u32 s26, $0x1;
	_ =	strace $0x80000046;
	[dreg:$0x1] =	wrdreg $0xFFFFFFFF  }
0xa7: {  	s28 =	simm.s32 $_size_execute0_lowered;
	s3 =	sadd.s32 s3, s5;
	[dreg:$0x0] =	wrdreg $0x0  }
0xa8: {  	s5 =	sshll.u32 s28, $0x1;
	[dreg:$0x2] =	wrdreg s3  }
0xa9: {  	[dreg:$0x3] =	wrdreg s5  }
0xaa: {  	[dreg:$0x4] =	wrdreg $0xC0  }
0xab: {  	_ =	task [dreg:s7], $0x5FFFF  }
0xac: {  	[dreg:$0x1] =	wrdreg $0xFFFFFFFF  }
0xad: {  	[dreg:$0x0] =	wrdreg $0x60  }
0xae: {  	[dreg:$0x2] =	wrdreg s2  }
0xaf: {  	[dreg:$0x3] =	wrdreg s24  }
0xb0: {  	[dreg:$0x4] =	wrdreg $0x8CA00  }
0xb1: {  	[dreg:$0x5] =	wrdreg $0x1EEB00  }
0xb2: {  	[dreg:$0x6] =	wrdreg $0x9  }
0xb3: {  	_ =	task.clear_ibuf [dreg:s7], $0x7FFFF;
	_ =	strace $0x90000046  }
0xb4: {  	s29 =	simm.s32 $0x9;
	_ =	strace $0x80000048  }
0xb5: {  	_ =	swait.ge [sflag:s29], $0x1  }
0xb6: {  	[sflag:s29] =	ssyncadd.s32 $0xFFFFFFFF  }
0xb7: {  	_ =	strace $0x90000048  }
0xb8: {  	_ =	sfence  }
0xb9: {  	s30 =	sld [smem:$0x0];
	_ =	sdelay $0x2  }
0xba: {  	s31 =	sshll.u32 s1, $0xD;
	s1 =	sshrl.u32 s1, $0x2  }
0xbb: {  	s3 =	sand.u32 $0x4000, s31;
	s1 =	sadd.s32 s1, s30  }
0xbc: {  	s0 =	sor.u32 s3, s0;
	s1 =	sshll.u32 s1, $0x11  }
0xbd: {  	s0 =	sor.u32 s1, s0  }
0xbe: {  	s0 =	sadd.s32 $0x8F2B, s0  }
0xbf: {  	[sflag:s0] =	ssyncadd.remote.s32 $0x1  }
0xc0: {  	_ =	sfence.sel $0xFFFF  }
0xc1: {  	[dreg:$0x0] =	wrdreg $0xFFFFFFFF;
	(pc) =	sbr.abs _section_cstart, $3  }
0xc2: {  	[dreg:$0x1] =	wrdreg $0xFFFFFFFF  }
0xc3: {  	_ =	task.clear_ibuf [dreg:s7], $0x2FFFF;
	_ =	strace $0x9FFFFFFF  }
0xc4: {  	(tm) =	ssettm $0x7FFFFFFF  }
0xc5: {  	_ =	shalt  }
tec
execute0_lowered:
.L_overlay_start_1:
0x0: {  	(tag) =	ssettag $0x1  }
0x1: {  	s1 =	rddreg [dreg:$0x0]  }
0x2: {  	s0 =	rddreg [dreg:$0x1]  }
0x3: {  	s2 =	rddreg [dreg:$0x2]  }
0x4: {  	s3 =	rddreg [dreg:$0x3]  }
0x5: {  	s4 =	srdreg.scid;
	s21 =	stileid.u32;
	s5 =	simm.s32 $0x0  }
0x6: {  	s28 =	simm.s32 $0x3;
	s29 =	simm.s32 $0x13E8;
	s30 =	simm.s32 $0x27D0  }
0x7: {  	s31 =	simm.s32 $0x2838;
	s4 =	sand.u32 $0x1, s4;
	s6 =	smul.u32 $0x2710, s21  }
0x8: {  	v0 =	vlaneseq.u32;
	[smem:$0x7FF] =	sst s5;
	s15 =	sadd.s32 $0xC600, s0;
	s20 =	smul.u32 $0x4E200, s21  }
0x9: {  	v1 =	vimm.f32 $0.0e+00;
	v41 =	vimm.f32 $1.000000000e+00;
	vm0 =	vcmask $0x3F30;
	s16 =	sadd.s32 $0x2200, s0;
	p0 =	sne.s32 s21, $0x0;
	s7 =	smul.u32 $0x27100, s4  }
0xa: {  	v2 =	vor.u32 $0x10, v0;
	v3 =	vor.u32 $0x20, v0;
	v4 =	vor.u32 $0x30, v0;
	s8 =	smul.u32 $0x4E2, s4;
	s22 =	ssub.s32 $0x2, s4;
	s4 =	sshll.u32 s4, $0x4  }
0xb: {  	v5 =	vor.u32 $0x40, v0;
	v6 =	vor.u32 $0x50, v0;
	v7 =	vor.u32 $0x60, v0;
	_ =	strace $0x80000047;
	s23 =	sshrl.u32 s22, $0x1;
	s4 =	sor.u32 s21, s4  }
0xc: {  	v8 =	vadd.s32 $0x6D, v0;
	v9 =	vadd.s32 $0x7D, v0;
	v10 =	vadd.s32 $0x8D, v0;
	s21 =	simm.s32 $0x1;
	s6 =	sadd.s32 s6, s7;
	s25 =	smul.u32 $0x28A0, s4  }
0xd: {  	v11 =	vadd.s32 $0x9D, v0;
	v12 =	vadd.s32 $0xAD, v0;
	v13 =	vadd.s32 $0xBD, v0;
	s7 =	sshrl.u32 s20, $0x2;
	s19 =	ssub.s32 s22, s23;
	s4 =	smul.u32 $0x514, s4  }
0xe: {  	v14 =	vadd.s32 $0xCD, v0;
	v15 =	vadd.s32 $0xDD, v0;
	v16 =	vadd.s32 $0xEA, v0;
	s20 =	simm.s32 $0x28A0;
	s22 =	simm.s32 $0x1450;
	s23 =	simm.s32 $0x2  }
0xf: {  	v17 =	vadd.s32 $0xFA, v0;
	v18 =	vadd.s32 $0x10A, v0;
	v19 =	vadd.s32 $0x11A, v0;
	s17 =	sadd.s32 s6, s0;
	s0 =	sadd.s32 s8, s0;
	s6 =	sadd.s32 s7, s2  }
0x10: {  	v20 =	vadd.s32 $0x12A, v0;
	v21 =	vadd.s32 $0x13A, v0;
	v22 =	vadd.s32 $0x14A, v0;
	s19 =	smax.u32 s19, $0x1;
	s7 =	sadd.s32 $0x3200, s6;
	s24 =	sadd.s32 $0x6400, s6  }
0x11: {  	v23 =	vadd.s32 $0x15A, v0;
	v24 =	vadd.s32 $0x167, v0;
	v25 =	vadd.s32 $0x177, v0;
	s9 =	sadd.s32 $0x9600, s6;
	s10 =	sadd.s32 $0xC800, s6;
	s11 =	sadd.s32 $0xFA00, s6  }
0x12: {  	v26 =	vadd.s32 $0x187, v0;
	v27 =	vadd.s32 $0x197, v0;
	v28 =	vadd.s32 $0x1A7, v0;
	s12 =	sadd.s32 $0x12C00, s6;
	s13 =	sadd.s32 s15, s4;
	s14 =	sadd.s32 s16, s4  }
0x13: {  	v29 =	vadd.s32 $0x1B7, v0;
	v30 =	vadd.s32 $0x1C7, v0;
	v31 =	vadd.s32 $0x1D7, v0;
	s17 =	sadd.s32 $0x17400, s17;
	s18 =	sadd.s32 $0x16A00, s0;
	[dreg:$0x5] =	wrdreg s7  }
0x14: {  	v32 =	vadd.s32 $0x1E4, v0;
	v33 =	vadd.s32 $0x1F4, v0;
	v34 =	vadd.s32 $0x204, v0;
	s0 =	simm.s32 $0x7D;
	[dreg:$0x6] =	wrdreg s24;
	s7 =	sshrl.u32 s25, $0x3  }
0x15: {  	v35 =	vadd.s32 $0x214, v0;
	v36 =	vadd.s32 $0x224, v0;
	v37 =	vadd.s32 $0x234, v0;
	s24 =	simm.s32 $0x64;
	s25 =	simm.s32 $0x5AA0;
	s26 =	sadd.s32 $0x28A, s7  }
0x16: {  	v38 =	vadd.s32 $0x244, v0;
	v39 =	vadd.s32 $0x254, v0;
	v40 =	vadd.s32 $0x261, v0;
	s15 =	sadd.s32 s15, s26;
	s16 =	sadd.s32 s16, s26;
	s26 =	simm.s32 $0x1C520  }
.LBB2_1:
0x17: {  	s4 =	simm.s32 $0x0;
	s7 =	simm.s32 $0x200  }
.LBB2_2:
0x18: {  	p1 =	sne.s32 s7, $0xC600;
	[tilespmem:s4+$0x2910] =	vst v1  }
0x19: {  	[tilespmem:s4+$0x28A0] =	vst v1  }
0x1a: {  	[tilespmem:s4+$0x28B0] =	vst v1  }
.Ltmp0:
0x1b: {  	[tilespmem:s4+$0x28C0] =	vst v1;
	(pc) =	sbr.rel @p1 .LBB2_2-.Ltmp0, $4  }
0x1c: {  	[tilespmem:s4+$0x28D0] =	vst v1  }
0x1d: {  	[tilespmem:s4+$0x28E0] =	vst v1  }
0x1e: {  	[tilespmem:s4+$0x28F0] =	vst v1  }
0x1f: {  	[tilespmem:s4+$0x2900] =	vst v1;
	s4 =	sshra.s32 s7, $0x2;
	s7 =	sadd.s32 $0x200, s7  }
0x20: {  	[tilespmem:s4+$0x2910] =	vst v1  }
0x21: {  	[tilespmem:s4+$0x28A0] =	vst v1  }
0x22: {  	[tilespmem:s4+$0x28B0] =	vst v1  }
0x23: {  	[tilespmem:s4+$0x28C0] =	vst v1  }
0x24: {  	[tilespmem:s4+$0x28D0] =	vst v1  }
0x25: {  	[tilespmem:s4+$0x28E0] =	vst v1  }
0x26: {  	[tilespmem:s4+$0x28F0] =	vst v1  }
0x27: {  	[tilespmem:s4+$0x2900] =	vst v1  }
0x28: {  	[spmem:s6] =	stream.linear.scatter [tilespmem:s20], [sflag:$0x1], $0x3200, $0x38;
	[tilespmem:$0x1F128] =	vst v63  }
0x29: {  	s7 =	rddreg [dreg:$0x5]  }
0x2a: {  	[spmem:s7] =	stream.linear.scatter [tilespmem:s20], [sflag:$0x1], $0x3200, $0x38;
	[tilespmem:$0x1F128] =	vst v63  }
0x2b: {  	s8 =	rddreg [dreg:$0x6]  }
0x2c: {  	[spmem:s8] =	stream.linear.scatter [tilespmem:s20], [sflag:$0x1], $0x3200, $0x38;
	[tilespmem:$0x1F128] =	vst v63  }
0x2d: {  	_ = 	snop  }
0x2e: {  	[spmem:s9] =	stream.linear.scatter [tilespmem:s20], [sflag:$0x1], $0x3200, $0x38;
	[tilespmem:$0x1F128] =	vst v63  }
0x2f: {  	_ = 	snop  }
0x30: {  	[spmem:s10] =	stream.linear.scatter [tilespmem:s20], [sflag:$0x1], $0x3200, $0x38;
	[tilespmem:$0x1F128] =	vst v63  }
0x31: {  	_ = 	snop  }
0x32: {  	[spmem:s11] =	stream.linear.scatter [tilespmem:s20], [sflag:$0x1], $0x3200, $0x38;
	[tilespmem:$0x1F128] =	vst v63  }
0x33: {  	s4 =	simm.s32 $0x40;
	s7 =	simm.s32 $0x0  }
0x34: {  	[spmem:s12] =	stream.linear.scatter [tilespmem:s20], [sflag:$0x1], $0xC80, $0x38;
	[tilespmem:$0x1F128] =	vst v63  }
.LBB2_4:
0x35: {  	p1 =	sne.s32 s4, $0x9C00;
	[tilespmem:s7+$0x1C520] =	vst v1;
	s7 =	smov.u32 s4;
	s4 =	sadd.s32 $0x40, s4  }
.Ltmp1:
0x36: {  	(pc) =	sbr.rel @p1 .LBB2_4-.Ltmp1, $2  }
0x37: {  	_ =	sdelay $0x2  }
0x38: {  	s7 =	sshra.s32 s7, $0x2  }
0x39: {  	[tilespmem:s7+$0x1C520] =	vst v1  }
0x3a: {  	[tilespmem:$0x1EC30] =	vst v0  }
0x3b: {  	[tilespmem:$0x1EC40] =	vst v2  }
0x3c: {  	[tilespmem:$0x1EC50] =	vst v3  }
0x3d: {  	[tilespmem:$0x1EC60] =	vst v4  }
0x3e: {  	[tilespmem:$0x1EC70] =	vst v5  }
0x3f: {  	[tilespmem:$0x1EC80] =	vst v6  }
0x40: {  	[tilespmem:$0x1EC90] =	vst v7  }
0x41: {  	[tilespmem:$0x1ECB0] =	vst v9  }
0x42: {  	[tilespmem:$0x1ECC0] =	vst v10  }
0x43: {  	[tilespmem:$0x1ECD0] =	vst v11  }
0x44: {  	[tilespmem:$0x1ECE0] =	vst v12  }
0x45: {  	[tilespmem:$0x1ECF0] =	vst v13  }
0x46: {  	[tilespmem:$0x1ED00] =	vst v14  }
0x47: {  	[tilespmem:$0x1ED10] =	vst v15  }
0x48: {  	[tilespmem:$0x1ED30] =	vst v17  }
0x49: {  	[tilespmem:$0x1ED40] =	vst v18  }
0x4a: {  	[tilespmem:$0x1ED50] =	vst v19  }
0x4b: {  	[tilespmem:$0x1ED60] =	vst v20  }
0x4c: {  	[tilespmem:$0x1ED70] =	vst v21  }
0x4d: {  	[tilespmem:$0x1ED80] =	vst v22  }
0x4e: {  	[tilespmem:$0x1ED90] =	vst v23  }
0x4f: {  	[tilespmem:$0x1EDB0] =	vst v25  }
0x50: {  	[tilespmem:$0x1EDC0] =	vst v26  }
0x51: {  	[tilespmem:$0x1EDD0] =	vst v27  }
0x52: {  	[tilespmem:$0x1EDE0] =	vst v28  }
0x53: {  	[tilespmem:$0x1EDF0] =	vst v29  }
0x54: {  	[tilespmem:$0x1EE00] =	vst v30  }
0x55: {  	[tilespmem:$0x1EE10] =	vst v31  }
0x56: {  	[tilespmem:$0x1EE30] =	vst v33  }
0x57: {  	[tilespmem:$0x1EE40] =	vst v34  }
0x58: {  	[tilespmem:$0x1EE50] =	vst v35  }
0x59: {  	[tilespmem:$0x1EE60] =	vst v36  }
0x5a: {  	[tilespmem:$0x1EE70] =	vst v37  }
0x5b: {  	[tilespmem:$0x1EE80] =	vst v38  }
0x5c: {  	[tilespmem:$0x1EE90] =	vst v39  }
0x5d: {  	[tilespmem:$0x1EC9D] =	vst v8  }
0x5e: {  	[tilespmem:$0x1ED1D] =	vst v16  }
0x5f: {  	[tilespmem:$0x1ED9D] =	vst v24  }
0x60: {  	[tilespmem:$0x1EE1D] =	vst v32  }
0x61: {  	s4 =	simm.s32 @!p0 $0x1C520;
	[tilespmem:$0x1EE9D] =	vst v40  }
0x62: {  	[spmem:s3] =	stream.linear.scatter @!p0 [tilespmem:s4], [sflag:$0x3], $0x2710, $0x38;
	[tilespmem:$0x1F128] =	vst v63  }
0x63: {  	s4 =	simm.s32 @!p0 $0x3  }
0x64: {  	_ =	swait.ge @!p0 [sflag:s4], $0x2710  }
0x65: {  	[sflag:s4] =	ssyncset.done @!p0 $0x0  }
0x66: {  	[sflag:s4] =	ssyncadd.s32 @!p0 $0xFFFFD8F0  }
0x67: {  	_ =	swait.ge [sflag:s21], $0x3200  }
0x68: {  	[sflag:s21] =	ssyncset.done $0x0  }
0x69: {  	[sflag:s21] =	ssyncadd.s32 $0xFFFFCE00  }
0x6a: {  	_ =	swait.ge [sflag:s21], $0x3200  }
0x6b: {  	[sflag:s21] =	ssyncset.done $0x0  }
0x6c: {  	[sflag:s21] =	ssyncadd.s32 $0xFFFFCE00  }
0x6d: {  	_ =	swait.ge [sflag:s21], $0x3200  }
0x6e: {  	[sflag:s21] =	ssyncset.done $0x0  }
0x6f: {  	[sflag:s21] =	ssyncadd.s32 $0xFFFFCE00  }
0x70: {  	_ =	swait.ge [sflag:s21], $0x3200  }
0x71: {  	[sflag:s21] =	ssyncset.done $0x0  }
0x72: {  	[sflag:s21] =	ssyncadd.s32 $0xFFFFCE00  }
0x73: {  	_ =	swait.ge [sflag:s21], $0x3200  }
0x74: {  	[sflag:s21] =	ssyncset.done $0x0  }
0x75: {  	[sflag:s21] =	ssyncadd.s32 $0xFFFFCE00  }
0x76: {  	_ =	swait.ge [sflag:s21], $0x3200  }
0x77: {  	[sflag:s21] =	ssyncset.done $0x0  }
0x78: {  	[sflag:s21] =	ssyncadd.s32 $0xFFFFCE00  }
0x79: {  	_ =	swait.ge [sflag:s21], $0xC80  }
0x7a: {  	[sflag:s21] =	ssyncset.done $0x0  }
0x7b: {  	[sflag:s21] =	ssyncadd.s32 $0xFFFFF380  }
0x7c: {  	s4 =	simm.s32 $0x0;
	[bflag:$0x0] =	sbarrier.arrive $0xFFFF  }
0x7d: {  	[tilespmem:s4], [sflag:$0x1] =	stream.linear.gather [hbm4b:s13+s4], $0x1450, $0x38;
	[tilespmem:$0x1F128] =	vst v63  }
0x7e: {  	_ = 	snop  }
0x7f: {  	[tilespmem:s22], [sflag:$0x2] =	stream.linear.gather [hbm4b:s14+s4], $0x1450, $0x38;
	[tilespmem:$0x1F128] =	vst v63  }
0x80: {  	_ =	swait.ge [sflag:s21], $0x1450  }
0x81: {  	[sflag:s21] =	ssyncset.done $0x0  }
0x82: {  	[sflag:s21] =	ssyncadd.s32 $0xFFFFEBB0  }
0x83: {  	_ =	swait.ge [sflag:s23], $0x1450  }
0x84: {  	[sflag:s23] =	ssyncset.done $0x0  }
0x85: {  	[sflag:s23] =	ssyncadd.s32 $0xFFFFEBB0  }
0x86: {  	[tilespmem:s20], [sflag:$0x1] =	stream.indirect.gather [hbm4b:s1+s24], $0x80, s4, s24, $0xb8;
	[tilespmem:$0x1F128] =	vst v63  }
.LBB2_6:
0x87: {  	s7 =	sshra.s32 s4, $0x2  }
0x88: {  	s8 =	sadd.s32 $0x68, s7  }
0x89: {  	[tilespmem:s25], [sflag:$0x2] =	stream.indirect.gather [hbm4b:s1+s24], $0x80, s8, s24, $0xb8;
	[tilespmem:$0x1F128] =	vst v63  }
0x8a: {  	v42 =	vld [tilespmem:s7+$0x1450];
	_ =	sdelay $0x7  }
0x8b: {  	[tilespmem:v42+s26+$0x0] =	vst.idx.add.f32.msk $0xffff, v41  }
0x8c: {  	v42 =	vld [tilespmem:s7+$0x1460];
	_ =	sdelay $0x7  }
0x8d: {  	[tilespmem:v42+s26+$0x0] =	vst.idx.add.f32.msk $0xffff, v41  }
0x8e: {  	v42 =	vld [tilespmem:s7+$0x1470];
	_ =	sdelay $0x7  }
0x8f: {  	[tilespmem:v42+s26+$0x0] =	vst.idx.add.f32.msk $0xffff, v41  }
0x90: {  	v42 =	vld [tilespmem:s7+$0x1480];
	_ =	sdelay $0x7  }
0x91: {  	[tilespmem:v42+s26+$0x0] =	vst.idx.add.f32.msk $0xffff, v41  }
0x92: {  	v42 =	vld [tilespmem:s7+$0x1490];
	_ =	sdelay $0x7  }
0x93: {  	[tilespmem:v42+s26+$0x0] =	vst.idx.add.f32.msk $0xffff, v41  }
0x94: {  	v42 =	vld [tilespmem:s7+$0x14A0];
	_ =	sdelay $0x7  }
0x95: {  	[tilespmem:v42+s26+$0x0] =	vst.idx.add.f32.msk $0xffff, v41  }
0x96: {  	v42 =	vld [tilespmem:s7+$0x14A4];
	_ =	sdelay $0x7  }
0x97: {  	[tilespmem:v42+s26+$0x0] =	vst.idx.add.f32.msk vm0, v41  }
0x98: {  	_ =	swait.ge [sflag:s21], $0x3200  }
0x99: {  	[sflag:s21] =	ssyncset.done $0x0  }
0x9a: {  	s8 =	sadd.s32 $0x1450, s7;
	[sflag:s21] =	ssyncadd.s32 $0xFFFFCE00  }
0x9b: {  	[spmem:s2] =	stream.indirect.scatter.add.f32 [tilespmem:s20], [sflag:$0x3], $0x80, s8, s24, $0xb8;
	[tilespmem:$0x1F128] =	vst v63  }
0x9c: {  	_ =	swait.ge [sflag:s28], $0x3200  }
0x9d: {  	[sflag:s28] =	ssyncset.done $0x0  }
0x9e: {  	s8 =	sadd.s32 $0xD0, s7;
	[sflag:s28] =	ssyncadd.s32 $0xFFFFCE00  }
0x9f: {  	[tilespmem:s20], [sflag:$0x1] =	stream.indirect.gather [hbm4b:s1+s24], $0x80, s8, s24, $0xb8;
	[tilespmem:$0x1F128] =	vst v63  }
0xa0: {  	v63 =	vld [tilespmem:s7+$0x14B8];
	_ =	sdelay $0x7  }
0xa1: {  	[tilespmem:v63+s26+$0x0] =	vst.idx.add.f32.msk $0xffff, v41  }
0xa2: {  	v42 =	vld [tilespmem:s7+$0x14C8];
	_ =	sdelay $0x7  }
0xa3: {  	[tilespmem:v42+s26+$0x0] =	vst.idx.add.f32.msk $0xffff, v41  }
0xa4: {  	v42 =	vld [tilespmem:s7+$0x14D8];
	_ =	sdelay $0x7  }
0xa5: {  	[tilespmem:v42+s26+$0x0] =	vst.idx.add.f32.msk $0xffff, v41  }
0xa6: {  	v42 =	vld [tilespmem:s7+$0x14E8];
	_ =	sdelay $0x7  }
0xa7: {  	[tilespmem:v42+s26+$0x0] =	vst.idx.add.f32.msk $0xffff, v41  }
0xa8: {  	v42 =	vld [tilespmem:s7+$0x14F8];
	_ =	sdelay $0x7  }
0xa9: {  	[tilespmem:v42+s26+$0x0] =	vst.idx.add.f32.msk $0xffff, v41  }
0xaa: {  	v42 =	vld [tilespmem:s7+$0x1508];
	_ =	sdelay $0x7  }
0xab: {  	[tilespmem:v42+s26+$0x0] =	vst.idx.add.f32.msk $0xffff, v41  }
0xac: {  	v42 =	vld [tilespmem:s7+$0x150C];
	_ =	sdelay $0x7  }
0xad: {  	[tilespmem:v42+s26+$0x0] =	vst.idx.add.f32.msk vm0, v41  }
0xae: {  	_ =	swait.ge [sflag:s23], $0x3200  }
0xaf: {  	p1 =	sne.s32 s4, $0x4AC0;
	[sflag:s23] =	ssyncset.done $0x0  }
.Ltmp2:
0xb0: {  	s7 =	sadd.s32 $0x14B8, s7;
	[sflag:s23] =	ssyncadd.s32 $0xFFFFCE00;
	(pc) =	sbr.rel @p1 .LBB2_6-.Ltmp2, $4  }
0xb1: {  	[spmem:s2] =	stream.indirect.scatter.add.f32 [tilespmem:s25], [sflag:$0x3], $0x80, s7, s24, $0xb8;
	[tilespmem:$0x1F128] =	vst v63  }
0xb2: {  	_ =	swait.ge [sflag:s28], $0x3200  }
0xb3: {  	[sflag:s28] =	ssyncset.done $0x0  }
0xb4: {  	s4 =	sadd.s32 $0x340, s4;
	[sflag:s28] =	ssyncadd.s32 $0xFFFFCE00  }
0xb5: {  	[tilespmem:s25], [sflag:$0x2] =	stream.indirect.gather [hbm4b:s1+s24], $0x80, s29, s24, $0xb8;
	[tilespmem:$0x1F128] =	vst v63  }
0xb6: {  	v42 =	vld [tilespmem:$0x27D0];
	_ =	sdelay $0x7  }
0xb7: {  	[tilespmem:v42+s26+$0x0] =	vst.idx.add.f32.msk $0xffff, v41  }
0xb8: {  	v42 =	vld [tilespmem:$0x27E0];
	_ =	sdelay $0x7  }
0xb9: {  	[tilespmem:v42+s26+$0x0] =	vst.idx.add.f32.msk $0xffff, v41  }
0xba: {  	v42 =	vld [tilespmem:$0x27F0];
	_ =	sdelay $0x7  }
0xbb: {  	[tilespmem:v42+s26+$0x0] =	vst.idx.add.f32.msk $0xffff, v41  }
0xbc: {  	v42 =	vld [tilespmem:$0x2800];
	_ =	sdelay $0x7  }
0xbd: {  	[tilespmem:v42+s26+$0x0] =	vst.idx.add.f32.msk $0xffff, v41  }
0xbe: {  	v42 =	vld [tilespmem:$0x2810];
	_ =	sdelay $0x7  }
0xbf: {  	[tilespmem:v42+s26+$0x0] =	vst.idx.add.f32.msk $0xffff, v41  }
0xc0: {  	v42 =	vld [tilespmem:$0x2820];
	_ =	sdelay $0x7  }
0xc1: {  	[tilespmem:v42+s26+$0x0] =	vst.idx.add.f32.msk $0xffff, v41  }
0xc2: {  	v42 =	vld [tilespmem:$0x2824];
	_ =	sdelay $0x7  }
0xc3: {  	[tilespmem:v42+s26+$0x0] =	vst.idx.add.f32.msk vm0, v41  }
0xc4: {  	_ =	swait.ge [sflag:s21], $0x3200  }
0xc5: {  	[sflag:s21] =	ssyncset.done $0x0  }
0xc6: {  	[sflag:s21] =	ssyncadd.s32 $0xFFFFCE00  }
0xc7: {  	[spmem:s2] =	stream.indirect.scatter.add.f32 [tilespmem:s20], [sflag:$0x3], $0x80, s30, s24, $0xb8;
	[tilespmem:$0x1F128] =	vst v63  }
0xc8: {  	_ =	swait.ge [sflag:s28], $0x3200  }
0xc9: {  	[sflag:s28] =	ssyncset.done $0x0  }
0xca: {  	[sflag:s28] =	ssyncadd.s32 $0xFFFFCE00  }
0xcb: {  	v63 =	vld [tilespmem:$0x2838];
	_ =	sdelay $0x7  }
0xcc: {  	[tilespmem:v63+s26+$0x0] =	vst.idx.add.f32.msk $0xffff, v41  }
0xcd: {  	v42 =	vld [tilespmem:$0x2848];
	_ =	sdelay $0x7  }
0xce: {  	[tilespmem:v42+s26+$0x0] =	vst.idx.add.f32.msk $0xffff, v41  }
0xcf: {  	v42 =	vld [tilespmem:$0x2858];
	_ =	sdelay $0x7  }
0xd0: {  	[tilespmem:v42+s26+$0x0] =	vst.idx.add.f32.msk $0xffff, v41  }
0xd1: {  	v42 =	vld [tilespmem:$0x2868];
	_ =	sdelay $0x7  }
0xd2: {  	[tilespmem:v42+s26+$0x0] =	vst.idx.add.f32.msk $0xffff, v41  }
0xd3: {  	v42 =	vld [tilespmem:$0x2878];
	_ =	sdelay $0x7  }
0xd4: {  	[tilespmem:v42+s26+$0x0] =	vst.idx.add.f32.msk $0xffff, v41  }
0xd5: {  	v42 =	vld [tilespmem:$0x2888];
	_ =	sdelay $0x7  }
0xd6: {  	[tilespmem:v42+s26+$0x0] =	vst.idx.add.f32.msk $0xffff, v41  }
0xd7: {  	v42 =	vld [tilespmem:$0x288C];
	_ =	sdelay $0x7  }
0xd8: {  	[tilespmem:v42+s26+$0x0] =	vst.idx.add.f32.msk vm0, v41  }
0xd9: {  	_ =	swait.ge [sflag:s23], $0x3200  }
0xda: {  	[sflag:s23] =	ssyncset.done $0x0  }
0xdb: {  	[sflag:s23] =	ssyncadd.s32 $0xFFFFCE00  }
0xdc: {  	[spmem:s2] =	stream.indirect.scatter.add.f32 [tilespmem:s25], [sflag:$0x3], $0x80, s31, s24, $0xb8;
	[tilespmem:$0x1F128] =	vst v63  }
0xdd: {  	_ =	swait.ge [sflag:s28], $0x3200  }
0xde: {  	[sflag:s28] =	ssyncset.done $0x0  }
0xdf: {  	s4 =	simm.s32 $0x0;
	[sflag:s28] =	ssyncadd.s32 $0xFFFFCE00  }
0xe0: {  	[tilespmem:s4], [sflag:$0x1] =	stream.linear.gather [hbm4b:s15+s4], $0x1450, $0x38;
	[tilespmem:$0x1F128] =	vst v63  }
0xe1: {  	_ = 	snop  }
0xe2: {  	[tilespmem:s22], [sflag:$0x2] =	stream.linear.gather [hbm4b:s16+s4], $0x1450, $0x38;
	[tilespmem:$0x1F128] =	vst v63  }
0xe3: {  	_ =	swait.ge [sflag:s21], $0x1450  }
0xe4: {  	[sflag:s21] =	ssyncset.done $0x0  }
0xe5: {  	[sflag:s21] =	ssyncadd.s32 $0xFFFFEBB0  }
0xe6: {  	_ =	swait.ge [sflag:s23], $0x1450  }
0xe7: {  	[sflag:s23] =	ssyncset.done $0x0  }
0xe8: {  	[sflag:s23] =	ssyncadd.s32 $0xFFFFEBB0  }
0xe9: {  	[tilespmem:s20], [sflag:$0x1] =	stream.indirect.gather [hbm4b:s1+s24], $0x80, s4, s24, $0xb8;
	[tilespmem:$0x1F128] =	vst v63  }
.LBB2_8:
0xea: {  	s7 =	sshra.s32 s4, $0x2  }
0xeb: {  	s8 =	sadd.s32 $0x68, s7  }
0xec: {  	[tilespmem:s25], [sflag:$0x2] =	stream.indirect.gather [hbm4b:s1+s24], $0x80, s8, s24, $0xb8;
	[tilespmem:$0x1F128] =	vst v63  }
0xed: {  	v42 =	vld [tilespmem:s7+$0x1450];
	_ =	sdelay $0x7  }
0xee: {  	[tilespmem:v42+s26+$0x0] =	vst.idx.add.f32.msk $0xffff, v41  }
0xef: {  	v42 =	vld [tilespmem:s7+$0x1460];
	_ =	sdelay $0x7  }
0xf0: {  	[tilespmem:v42+s26+$0x0] =	vst.idx.add.f32.msk $0xffff, v41  }
0xf1: {  	v42 =	vld [tilespmem:s7+$0x1470];
	_ =	sdelay $0x7  }
0xf2: {  	[tilespmem:v42+s26+$0x0] =	vst.idx.add.f32.msk $0xffff, v41  }
0xf3: {  	v42 =	vld [tilespmem:s7+$0x1480];
	_ =	sdelay $0x7  }
0xf4: {  	[tilespmem:v42+s26+$0x0] =	vst.idx.add.f32.msk $0xffff, v41  }
0xf5: {  	v42 =	vld [tilespmem:s7+$0x1490];
	_ =	sdelay $0x7  }
0xf6: {  	[tilespmem:v42+s26+$0x0] =	vst.idx.add.f32.msk $0xffff, v41  }
0xf7: {  	v42 =	vld [tilespmem:s7+$0x14A0];
	_ =	sdelay $0x7  }
0xf8: {  	[tilespmem:v42+s26+$0x0] =	vst.idx.add.f32.msk $0xffff, v41  }
0xf9: {  	v42 =	vld [tilespmem:s7+$0x14A4];
	_ =	sdelay $0x7  }
0xfa: {  	[tilespmem:v42+s26+$0x0] =	vst.idx.add.f32.msk vm0, v41  }
0xfb: {  	_ =	swait.ge [sflag:s21], $0x3200  }
0xfc: {  	[sflag:s21] =	ssyncset.done $0x0  }
0xfd: {  	s8 =	sadd.s32 $0x1450, s7;
	[sflag:s21] =	ssyncadd.s32 $0xFFFFCE00  }
0xfe: {  	[spmem:s2] =	stream.indirect.scatter.add.f32 [tilespmem:s20], [sflag:$0x3], $0x80, s8, s24, $0xb8;
	[tilespmem:$0x1F128] =	vst v63  }
0xff: {  	_ =	swait.ge [sflag:s28], $0x3200  }
0x100: {  	[sflag:s28] =	ssyncset.done $0x0  }
0x101: {  	s8 =	sadd.s32 $0xD0, s7;
	[sflag:s28] =	ssyncadd.s32 $0xFFFFCE00  }
0x102: {  	[tilespmem:s20], [sflag:$0x1] =	stream.indirect.gather [hbm4b:s1+s24], $0x80, s8, s24, $0xb8;
	[tilespmem:$0x1F128] =	vst v63  }
0x103: {  	v63 =	vld [tilespmem:s7+$0x14B8];
	_ =	sdelay $0x7  }
0x104: {  	[tilespmem:v63+s26+$0x0] =	vst.idx.add.f32.msk $0xffff, v41  }
0x105: {  	v42 =	vld [tilespmem:s7+$0x14C8];
	_ =	sdelay $0x7  }
0x106: {  	[tilespmem:v42+s26+$0x0] =	vst.idx.add.f32.msk $0xffff, v41  }
0x107: {  	v42 =	vld [tilespmem:s7+$0x14D8];
	_ =	sdelay $0x7  }
0x108: {  	[tilespmem:v42+s26+$0x0] =	vst.idx.add.f32.msk $0xffff, v41  }
0x109: {  	v42 =	vld [tilespmem:s7+$0x14E8];
	_ =	sdelay $0x7  }
0x10a: {  	[tilespmem:v42+s26+$0x0] =	vst.idx.add.f32.msk $0xffff, v41  }
0x10b: {  	v42 =	vld [tilespmem:s7+$0x14F8];
	_ =	sdelay $0x7  }
0x10c: {  	[tilespmem:v42+s26+$0x0] =	vst.idx.add.f32.msk $0xffff, v41  }
0x10d: {  	v42 =	vld [tilespmem:s7+$0x1508];
	_ =	sdelay $0x7  }
0x10e: {  	[tilespmem:v42+s26+$0x0] =	vst.idx.add.f32.msk $0xffff, v41  }
0x10f: {  	v42 =	vld [tilespmem:s7+$0x150C];
	_ =	sdelay $0x7  }
0x110: {  	[tilespmem:v42+s26+$0x0] =	vst.idx.add.f32.msk vm0, v41  }
0x111: {  	_ =	swait.ge [sflag:s23], $0x3200  }
0x112: {  	p1 =	sne.s32 s4, $0x4AC0;
	[sflag:s23] =	ssyncset.done $0x0  }
.Ltmp3:
0x113: {  	s7 =	sadd.s32 $0x14B8, s7;
	[sflag:s23] =	ssyncadd.s32 $0xFFFFCE00;
	(pc) =	sbr.rel @p1 .LBB2_8-.Ltmp3, $4  }
0x114: {  	[spmem:s2] =	stream.indirect.scatter.add.f32 [tilespmem:s25], [sflag:$0x3], $0x80, s7, s24, $0xb8;
	[tilespmem:$0x1F128] =	vst v63  }
0x115: {  	_ =	swait.ge [sflag:s28], $0x3200  }
0x116: {  	[sflag:s28] =	ssyncset.done $0x0  }
0x117: {  	s4 =	sadd.s32 $0x340, s4;
	[sflag:s28] =	ssyncadd.s32 $0xFFFFCE00  }
0x118: {  	[tilespmem:s25], [sflag:$0x2] =	stream.indirect.gather [hbm4b:s1+s24], $0x80, s29, s24, $0xb8;
	[tilespmem:$0x1F128] =	vst v63  }
0x119: {  	v42 =	vld [tilespmem:$0x27D0];
	_ =	sdelay $0x7  }
0x11a: {  	[tilespmem:v42+s26+$0x0] =	vst.idx.add.f32.msk $0xffff, v41  }
0x11b: {  	v42 =	vld [tilespmem:$0x27E0];
	_ =	sdelay $0x7  }
0x11c: {  	[tilespmem:v42+s26+$0x0] =	vst.idx.add.f32.msk $0xffff, v41  }
0x11d: {  	v42 =	vld [tilespmem:$0x27F0];
	_ =	sdelay $0x7  }
0x11e: {  	[tilespmem:v42+s26+$0x0] =	vst.idx.add.f32.msk $0xffff, v41  }
0x11f: {  	v42 =	vld [tilespmem:$0x2800];
	_ =	sdelay $0x7  }
0x120: {  	[tilespmem:v42+s26+$0x0] =	vst.idx.add.f32.msk $0xffff, v41  }
0x121: {  	v42 =	vld [tilespmem:$0x2810];
	_ =	sdelay $0x7  }
0x122: {  	[tilespmem:v42+s26+$0x0] =	vst.idx.add.f32.msk $0xffff, v41  }
0x123: {  	v42 =	vld [tilespmem:$0x2820];
	_ =	sdelay $0x7  }
0x124: {  	[tilespmem:v42+s26+$0x0] =	vst.idx.add.f32.msk $0xffff, v41  }
0x125: {  	v42 =	vld [tilespmem:$0x2824];
	_ =	sdelay $0x7  }
0x126: {  	[tilespmem:v42+s26+$0x0] =	vst.idx.add.f32.msk vm0, v41  }
0x127: {  	_ =	swait.ge [sflag:s21], $0x3200  }
0x128: {  	[sflag:s21] =	ssyncset.done $0x0  }
0x129: {  	[sflag:s21] =	ssyncadd.s32 $0xFFFFCE00  }
0x12a: {  	[spmem:s2] =	stream.indirect.scatter.add.f32 [tilespmem:s20], [sflag:$0x3], $0x80, s30, s24, $0xb8;
	[tilespmem:$0x1F128] =	vst v63  }
0x12b: {  	_ =	swait.ge [sflag:s28], $0x3200  }
0x12c: {  	[sflag:s28] =	ssyncset.done $0x0  }
0x12d: {  	[sflag:s28] =	ssyncadd.s32 $0xFFFFCE00  }
0x12e: {  	v63 =	vld [tilespmem:$0x2838];
	_ =	sdelay $0x7  }
0x12f: {  	[tilespmem:v63+s26+$0x0] =	vst.idx.add.f32.msk $0xffff, v41  }
0x130: {  	v42 =	vld [tilespmem:$0x2848];
	_ =	sdelay $0x7  }
0x131: {  	[tilespmem:v42+s26+$0x0] =	vst.idx.add.f32.msk $0xffff, v41  }
0x132: {  	v42 =	vld [tilespmem:$0x2858];
	_ =	sdelay $0x7  }
0x133: {  	[tilespmem:v42+s26+$0x0] =	vst.idx.add.f32.msk $0xffff, v41  }
0x134: {  	v42 =	vld [tilespmem:$0x2868];
	_ =	sdelay $0x7  }
0x135: {  	[tilespmem:v42+s26+$0x0] =	vst.idx.add.f32.msk $0xffff, v41  }
0x136: {  	v42 =	vld [tilespmem:$0x2878];
	_ =	sdelay $0x7  }
0x137: {  	[tilespmem:v42+s26+$0x0] =	vst.idx.add.f32.msk $0xffff, v41  }
0x138: {  	v42 =	vld [tilespmem:$0x2888];
	_ =	sdelay $0x7  }
0x139: {  	[tilespmem:v42+s26+$0x0] =	vst.idx.add.f32.msk $0xffff, v41  }
0x13a: {  	v42 =	vld [tilespmem:$0x288C];
	_ =	sdelay $0x7  }
0x13b: {  	[tilespmem:v42+s26+$0x0] =	vst.idx.add.f32.msk vm0, v41  }
0x13c: {  	_ =	swait.ge [sflag:s23], $0x3200  }
0x13d: {  	[sflag:s23] =	ssyncset.done $0x0  }
0x13e: {  	[sflag:s23] =	ssyncadd.s32 $0xFFFFCE00  }
0x13f: {  	[spmem:s2] =	stream.indirect.scatter.add.f32 [tilespmem:s25], [sflag:$0x3], $0x80, s31, s24, $0xb8;
	[tilespmem:$0x1F128] =	vst v63  }
0x140: {  	_ =	swait.ge [sflag:s28], $0x3200  }
0x141: {  	[sflag:s28] =	ssyncset.done $0x0  }
0x142: {  	s4 =	simm.s32 $0x1EC30;
	[sflag:s28] =	ssyncadd.s32 $0xFFFFCE00  }
0x143: {  	[spmem:s3] =	stream.indirect.scatter.add.f32 [tilespmem:s26], [sflag:$0x3], $0x10, s4, s0, $0xb8;
	[tilespmem:$0x1F128] =	vst v63  }
0x144: {  	_ =	swait.ge [sflag:s28], $0x7D0  }
0x145: {  	[sflag:s28] =	ssyncset.done $0x0  }
0x146: {  	s8 =	simm.s32 $0x1ECB0;
	s7 =	simm.s32 $0x1CCF0;
	[sflag:s28] =	ssyncadd.s32 $0xFFFFF830  }
0x147: {  	[spmem:s3] =	stream.indirect.scatter.add.f32 [tilespmem:s7], [sflag:$0x3], $0x10, s8, s0, $0xb8;
	[tilespmem:$0x1F128] =	vst v63  }
0x148: {  	_ =	swait.ge [sflag:s28], $0x7D0  }
0x149: {  	[sflag:s28] =	ssyncset.done $0x0  }
0x14a: {  	s7 =	simm.s32 $0x1ED30;
	s8 =	simm.s32 $0x1D4C0;
	[sflag:s28] =	ssyncadd.s32 $0xFFFFF830  }
0x14b: {  	[spmem:s3] =	stream.indirect.scatter.add.f32 [tilespmem:s8], [sflag:$0x3], $0x10, s7, s0, $0xb8;
	[tilespmem:$0x1F128] =	vst v63  }
0x14c: {  	_ =	swait.ge [sflag:s28], $0x7D0  }
0x14d: {  	[sflag:s28] =	ssyncset.done $0x0  }
0x14e: {  	s7 =	simm.s32 $0x1EDB0;
	s8 =	simm.s32 $0x1DC90;
	[sflag:s28] =	ssyncadd.s32 $0xFFFFF830  }
0x14f: {  	[spmem:s3] =	stream.indirect.scatter.add.f32 [tilespmem:s8], [sflag:$0x3], $0x10, s7, s0, $0xb8;
	[tilespmem:$0x1F128] =	vst v63  }
0x150: {  	_ =	swait.ge [sflag:s28], $0x7D0  }
0x151: {  	[sflag:s28] =	ssyncset.done $0x0  }
0x152: {  	s7 =	simm.s32 $0x1EE30;
	s8 =	simm.s32 $0x1E460;
	[sflag:s28] =	ssyncadd.s32 $0xFFFFF830  }
0x153: {  	[spmem:s3] =	stream.indirect.scatter.add.f32 [tilespmem:s8], [sflag:$0x3], $0x10, s7, s0, $0xb8;
	[tilespmem:$0x1F128] =	vst v63  }
0x154: {  	_ =	swait.ge [sflag:s28], $0x7D0  }
0x155: {  	s7 =	stileid.u32;
	[sflag:s28] =	ssyncset.done $0x0  }
0x156: {  	s4 =	sshll.u32 s7, $0x6;
	[sflag:s28] =	ssyncadd.s32 $0xFFFFF830  }
0x157: {  	s8 =	sshrl.u32 s6, $0x3;
	s4 =	sor.u32 $0x1C03, s4;
	[bflag:$0x0] =	sbarrier.arrive $0xFFFF  }
0x158: {  	[hbm:s17], [sflag:s4] =	dma.local [spmem:s8], $0x2710  }
0x159: {  	_ =	swait.ge [sflag:s28], $0x2710  }
0x15a: {  	s5 =	sadd.s32 $0x1, s5;
	[sflag:s28] =	ssyncset.done $0x0  }
0x15b: {  	p1 =	sne.s32 s5, s19;
	s7 =	sshrl.u32 @!p0 s3, $0x3;
	[sflag:s28] =	ssyncadd.s32 $0xFFFFD8F0  }
0x15c: {  	[hbm:s18], [sflag:s4] =	dma.local @!p0 [spmem:s7], $0x4E2  }
.Ltmp4:
0x15d: {  	_ = 	snop;
	(pc) =	sbr.rel @p1 .LBB2_1-.Ltmp4, $4  }
0x15e: {  	s4 =	simm.s32 @!p0 $0x3  }
0x15f: {  	_ =	swait.ge @!p0 [sflag:s4], $0x4E2  }
0x160: {  	[sflag:s4] =	ssyncset.done @!p0 $0x0  }
0x161: {  	[sflag:s4] =	ssyncadd.s32 @!p0 $0xFFFFFB1E  }
0x162: {  	_ =	sfence.sel $0x180000  }
0x163: {  	[bflag:$0x0] =	sbarrier.arrive $0xFFFF  }
0x164: {  	_ =	strace $0x90000047  }
0x165: {  	[bflag:$0x2] =	sbarrier.arrive $0xFFFF  }
0x166: {  	s0 =	rddreg [dreg:$0x4]  }
0x167: {  	s0 =	sadd.s32 @!p0 $0x100000, s0  }
0x168: {  	[sflag:s0] =	ssyncadd.tile.s32 @!p0 $0x1;
	_ =	shalt  }
.Lfunc_end2:
_tile_overlayer_lowered:
.L_overlay_start_2:
0x169: {  	(tag) =	ssettag $0x2  }
0x16a: {  	s0 =	rddreg [dreg:$0x0];
	s2 =	stileid.u32  }
0x16b: {  	s1 =	rddreg [dreg:$0x1];
	p0 =	sne.s32 s2, $0x0  }
0x16c: {  	s3 =	rddreg [dreg:$0x2];
	[bflag:$0x3] =	sbarrier.arrive $0xFFFF;
	s2 =	simm.s32 @!p0 $0x1C03  }
0x16d: {  	[timem:s3], [sflag:s2] =	dma.local @!p0 [hbm:s0], s1  }
0x16e: {  	s0 =	simm.s32 @!p0 $0x3  }
0x16f: {  	_ =	swait.ge @!p0 [sflag:s0], s1  }
0x170: {  	s1 =	ssub.s32 @!p0 $0x0, s1;
	[sflag:s0] =	ssyncset.done @!p0 $0x0  }
0x171: {  	[sflag:s0] =	ssyncadd.s32 @!p0 s1  }
0x172: {  	[bflag:$0x3] =	sbarrier.arrive $0xFFFF  }
0x173: {  	_ =	shalt  }

</sc_bundles>
